<compile_context>
chip_gen: v7x
topology: tpu7x:2x2x1
jax: 0.10.2.dev20260603
libtpu: 0.0.44.dev20260713+nightly
codegen_flags: <defaults>
</compile_context>

<pallas_src>
import functools

import jax
import jax.numpy as jnp
from jax import lax
from jax.experimental import pallas as pl
from jax.experimental.pallas import tpu as pltpu
from jax.experimental.pallas import tpu_sc as plsc

_RATIO = 0.25
_NEG_INF = float("-inf")


def _fps_body(px_ref, py_ref, pz_ref, idx_ref, cx_ref, cy_ref, cz_ref, cn_ref,
              fi_ref, *, n, m):
    px = px_ref[...]
    py = py_ref[...]
    pz = pz_ref[...]
    rows, cols = px.shape
    niota = (
        lax.broadcasted_iota(jnp.int32, (rows, cols), 0) * cols
        + lax.broadcasted_iota(jnp.int32, (rows, cols), 1)
    )
    orows, ocols = idx_ref.shape
    miota = (
        lax.broadcasted_iota(jnp.int32, (orows, ocols), 0) * ocols
        + lax.broadcasted_iota(jnp.int32, (orows, ocols), 1)
    )

    sel0 = niota == 0
    zf = jnp.zeros_like(px)
    x0 = jnp.sum(jnp.where(sel0, px, zf))
    y0 = jnp.sum(jnp.where(sel0, py, zf))
    z0 = jnp.sum(jnp.where(sel0, pz, zf))

    dx = px - x0
    dy = py - y0
    dz = pz - z0
    md = (dx * dx + dy * dy) + dz * dz
    md = jnp.where(niota < n, md, _NEG_INF)

    idx_ref[...] = jnp.zeros((orows, ocols), jnp.int32)
    osel0 = miota == 0
    ozf = jnp.zeros((orows, ocols), jnp.float32)
    cx_ref[...] = jnp.where(osel0, x0, ozf)
    cy_ref[...] = jnp.where(osel0, y0, ozf)
    cz_ref[...] = jnp.where(osel0, z0, ozf)

    def _amax2(a):
        return jnp.max(jnp.max(a, axis=1, keepdims=True), axis=0,
                       keepdims=True)

    def _amin2(a):
        return jnp.min(jnp.min(a, axis=1, keepdims=True), axis=0,
                       keepdims=True)

    def _asum2(a):
        return jnp.sum(jnp.sum(a, axis=1, keepdims=True), axis=0,
                       keepdims=True)

    fi_ref[...] = niota.astype(jnp.float32)

    def body(i, md):
        mval = _amax2(md)
        selv = md == mval
        fidx = jnp.where(selv, fi_ref[...], jnp.float32(3.0e7))
        nxtf = _amin2(fidx)
        sxf = _asum2(jnp.where(selv, px_ref[...], 0.0))
        syf = _asum2(jnp.where(selv, py_ref[...], 0.0))
        szf = _asum2(jnp.where(selv, pz_ref[...], 0.0))
        cnt = _asum2(jnp.where(selv, 1.0, 0.0))

        ddx = px_ref[...] - sxf
        ddy = py_ref[...] - syf
        ddz = pz_ref[...] - szf
        dn = (ddx * ddx + ddy * ddy) + ddz * ddz
        md_fast = jnp.minimum(md, dn)

        def tiecase(_):
            selm = fi_ref[...] == nxtf
            sx = _asum2(jnp.where(selm, px_ref[...], 0.0))
            sy = _asum2(jnp.where(selm, py_ref[...], 0.0))
            sz = _asum2(jnp.where(selm, pz_ref[...], 0.0))
            tx = px_ref[...] - sx
            ty = py_ref[...] - sy
            tz = pz_ref[...] - sz
            tn = (tx * tx + ty * ty) + tz * tz
            return jnp.minimum(md, tn), sx, sy, sz

        md, sx, sy, sz = lax.cond(
            cnt[0, 0] > 1.0, tiecase,
            lambda _: (md_fast, sxf, syf, szf), None)
        nxt = nxtf.astype(jnp.int32)
        seli = miota == i
        idx_ref[...] = jnp.where(seli, nxt, idx_ref[...])
        cx_ref[...] = jnp.where(seli, sx, cx_ref[...])
        cy_ref[...] = jnp.where(seli, sy, cy_ref[...])
        cz_ref[...] = jnp.where(seli, sz, cz_ref[...])
        return md

    lax.fori_loop(1, m, body, md, unroll=2)

    cx = cx_ref[...]
    cy = cy_ref[...]
    cz = cz_ref[...]
    cn = (cx * cx + cy * cy) + cz * cz
    cn_ref[...] = jnp.where(miota < m, cn, jnp.float32(1e30))


def _fps_pallas(pos, m, interpret=False):
    n = pos.shape[0]
    npad = ((n + 1279) // 1280) * 1280
    mpad = ((m + 319) // 320) * 320
    posp = jnp.pad(pos, ((0, npad - n), (0, 0)))
    px = posp[:, 0].reshape(8, npad // 8)
    py = posp[:, 1].reshape(8, npad // 8)
    pz = posp[:, 2].reshape(8, npad // 8)
    sh = (8, mpad // 8)
    out_shape = [
        jax.ShapeDtypeStruct(sh, jnp.int32),
        jax.ShapeDtypeStruct(sh, jnp.float32),
        jax.ShapeDtypeStruct(sh, jnp.float32),
        jax.ShapeDtypeStruct(sh, jnp.float32),
        jax.ShapeDtypeStruct(sh, jnp.float32),
    ]
    return pl.pallas_call(
        functools.partial(_fps_body, n=n, m=m),
        out_shape=out_shape,
        scratch_shapes=[pltpu.VMEM((8, npad // 8), jnp.float32)],
        interpret=interpret,
    )(px, py, pz)


def _sc_gather(table, idx, bpad):
    nw = 32
    bw = bpad // nw
    mesh = plsc.VectorSubcoreMesh(core_axis_name="c", subcore_axis_name="s")

    @functools.partial(
        pl.kernel,
        mesh=mesh,
        out_type=jax.ShapeDtypeStruct((bpad, table.shape[1]), jnp.float32),
        scratch_types=[
            pltpu.VMEM((bw,), jnp.int32),
            pltpu.VMEM((bw, table.shape[1]), jnp.float32),
            pltpu.SemaphoreType.DMA,
        ],
    )
    def gk(table_hbm, idx_hbm, out_hbm, idxv, rowsv, sem):
        wid = lax.axis_index("s") * 2 + lax.axis_index("c")
        base = wid * bw
        pltpu.sync_copy(idx_hbm.at[pl.ds(base, bw)], idxv)
        pltpu.async_copy(table_hbm.at[idxv], rowsv, sem).wait()
        pltpu.sync_copy(rowsv, out_hbm.at[pl.ds(base, bw)])

    return gk(table, idx)


def _mlph_body(xd_ref, ps_ref, w1_ref, b1_ref, w2_ref, b2_ref, e_ref):
    t = jnp.maximum(
        jnp.dot(xd_ref[...], w1_ref[...], preferred_element_type=jnp.float32)
        + b1_ref[...],
        0.0,
    )
    delta = (
        jnp.dot(t, w2_ref[...], preferred_element_type=jnp.float32) + b2_ref[...]
    )
    e_ref[...] = ps_ref[...] - delta


def _mlph_pallas(x_dst, pos_s, w1, b1, w2, b2):
    m = x_dst.shape[0]
    return pl.pallas_call(
        _mlph_body,
        out_shape=jax.ShapeDtypeStruct((m, 3), jnp.float32),
    )(x_dst, pos_s, w1, b1.reshape(1, -1), w2, b2.reshape(1, -1))


def _knn_msg_body(p8_ref, x_ref, ct_ref, cn_ref, e8_ref, wx_ref, wd8_ref,
                  w2_ref, b2_ref, s_ref, msg_ref):
    p8 = p8_ref[...]
    r = jnp.dot(p8, ct_ref[...], preferred_element_type=jnp.float32)
    p0 = p8[:, 0:1]
    p1 = p8[:, 1:2]
    p2 = p8[:, 2:3]
    pn = (p0 * p0 + p1 * p1) + p2 * p2
    d2 = (pn + cn_ref[...]) - 2.0 * r
    mn = jnp.min(d2, axis=1, keepdims=True)
    liota = lax.broadcasted_iota(jnp.int32, d2.shape, 1).astype(jnp.float32)
    sblk = jnp.min(
        jnp.where(d2 == mn, liota, jnp.float32(3.0e7)), axis=1, keepdims=True
    )
    s_ref[...] = sblk.astype(jnp.int32).reshape(1, 1, sblk.shape[0])
    oh = jnp.where(liota == sblk, 1.0, 0.0).astype(jnp.float32)
    u8 = p8 - jnp.dot(oh, e8_ref[...], preferred_element_type=jnp.float32)
    t = jnp.maximum(
        jnp.dot(x_ref[...], wx_ref[...], preferred_element_type=jnp.float32)
        + jnp.dot(u8, wd8_ref[...], preferred_element_type=jnp.float32),
        0.0,
    )
    msg_ref[...] = (
        jnp.dot(t, w2_ref[...], preferred_element_type=jnp.float32) + b2_ref[...]
    )


def _knn_msg_pallas(p8, x, ct8, cn, e8, wx, wd8, w2, b2, bn=400):
    n, d = x.shape
    grid = n // bn
    mp = ct8.shape[1]
    s3, msg = pl.pallas_call(
        _knn_msg_body,
        grid=(grid,),
        in_specs=[
            pl.BlockSpec((bn, 8), lambda i: (i, 0)),
            pl.BlockSpec((bn, d), lambda i: (i, 0)),
            pl.BlockSpec((8, mp), lambda i: (0, 0)),
            pl.BlockSpec((1, mp), lambda i: (0, 0)),
            pl.BlockSpec((mp, 8), lambda i: (0, 0)),
            pl.BlockSpec((d, d), lambda i: (0, 0)),
            pl.BlockSpec((8, d), lambda i: (0, 0)),
            pl.BlockSpec((d, d), lambda i: (0, 0)),
            pl.BlockSpec((1, d), lambda i: (0, 0)),
        ],
        out_specs=[
            pl.BlockSpec((1, 1, bn), lambda i: (i, 0, 0)),
            pl.BlockSpec((bn, d), lambda i: (i, 0)),
        ],
        out_shape=[
            jax.ShapeDtypeStruct((grid, 1, bn), jnp.int32),
            jax.ShapeDtypeStruct((n, d), jnp.float32),
        ],
    )(p8, x, ct8, cn, e8, wx, wd8, w2, b2)
    return s3.reshape(n), msg


def _sc_segmax(msg, s, m):
    n, d = msg.shape
    rpg = -(-(n // 4) // 8) * 8
    starts = [((n // 4) * g // 8) * 8 for g in range(4)]
    assert all(st + rpg <= n for st in starts) and (starts[3] + rpg == n)
    mesh = plsc.VectorSubcoreMesh(core_axis_name="c", subcore_axis_name="s")

    @functools.partial(
        pl.kernel,
        mesh=mesh,
        out_type=jax.ShapeDtypeStruct((2, m, d), jnp.float32),
        compiler_params=pltpu.CompilerParams(use_tc_tiling_on_sc=False),
        scratch_types=[
            pltpu.VMEM((m, 16), jnp.float32),
            pltpu.VMEM((rpg, 16), jnp.float32),
            pltpu.VMEM((rpg,), jnp.int32),
            pltpu.VMEM_SHARED((8, m, 16), jnp.float32),
        ],
    )
    def sk(msg_hbm, s_hbm, out_hbm, acc, msgv, sv, shared):
        c = lax.axis_index("c")
        sc = lax.axis_index("s")
        cg = sc % 8
        rgl = sc // 8
        col0 = cg * 16
        rg = c * 2 + rgl
        st = (rg * (n // 4)) // 8 * 8
        row0 = pl.multiple_of(st, 8)
        pltpu.sync_copy(s_hbm.at[pl.ds(row0, rpg)], sv)
        pltpu.sync_copy(msg_hbm.at[pl.ds(row0, rpg), pl.ds(col0, 16)], msgv)
        ninf = jnp.full((16,), _NEG_INF, jnp.float32)

        def init(i, _):
            acc[i] = ninf
            return 0

        lax.fori_loop(0, m, init, 0, unroll=8)

        nch = (rpg + 15) // 16
        last = ((rpg - 16) // 8) * 8

        def body(ch, _):
            base = pl.multiple_of(jnp.minimum(ch * 16, last), 8)
            svec = sv[pl.ds(base, 16)]
            for k in range(16):
                si = svec[k]
                acc[si] = jnp.maximum(acc[si], msgv[base + k])
            return 0

        lax.fori_loop(0, nch, body, 0)

        @pl.when(rgl == 1)
        def _():
            pltpu.sync_copy(acc, shared.at[cg])

        plsc.subcore_barrier()

        @pl.when(rgl == 0)
        def _():
            pltpu.sync_copy(shared.at[cg], msgv.at[pl.ds(0, m), :])

            def comb(i, _):
                acc[i] = jnp.maximum(acc[i], msgv[i])
                return 0

            lax.fori_loop(0, m, comb, 0, unroll=8)
            pltpu.sync_copy(acc, out_hbm.at[c, :, pl.ds(col0, 16)])

    return sk(msg, s)


def _mlpg_body(xd_ref, parts_ref, w1a_ref, w1b_ref, b1_ref, w2_ref,
               b2_ref, out_ref):
    agg = jnp.maximum(parts_ref[0], parts_ref[1])
    agg = jnp.where(agg == _NEG_INF, 0.0, agg)
    xd = xd_ref[...]
    t = jnp.maximum(
        jnp.dot(xd, w1a_ref[...], preferred_element_type=jnp.float32)
        + jnp.dot(agg, w1b_ref[...], preferred_element_type=jnp.float32)
        + b1_ref[...],
        0.0,
    )
    out_ref[...] = (
        xd
        + jnp.dot(t, w2_ref[...], preferred_element_type=jnp.float32)
        + b2_ref[...]
    )


def _mlpg_pallas(x_dst, parts, w1a, w1b, b1, w2, b2):
    m, d = x_dst.shape
    return pl.pallas_call(
        _mlpg_body,
        out_shape=jax.ShapeDtypeStruct((m, d), jnp.float32),
    )(x_dst, parts, w1a, w1b, b1.reshape(1, -1), w2, b2.reshape(1, -1))


def kernel(x, pos, edge_index, h_w1, h_b1, h_w2, h_b2, f_w1, f_b1, f_w2, f_b2,
           g_w1, g_b1, g_w2, g_b2):
    n, d = x.shape
    m = int(round(n * _RATIO))
    mp = 2560

    idx8, cx8, cy8, cz8, cn8 = _fps_pallas(pos, m)
    idx = idx8.reshape(-1)[:m]
    cxr = cx8.reshape(1, -1)
    cyr = cy8.reshape(1, -1)
    czr = cz8.reshape(1, -1)
    pos_s = jnp.concatenate([cxr, cyr, czr], axis=0).T[:m]

    ct8 = jnp.concatenate(
        [cxr, cyr, czr, jnp.zeros((5, mp), jnp.float32)], axis=0)
    cn = cn8.reshape(1, -1)

    idx_p = jnp.pad(idx, (0, mp - m))
    x_dst_p = _sc_gather(x, idx_p, mp)
    x_dst = x_dst_p[:m]

    e3 = _mlph_pallas(x_dst, pos_s, h_w1, h_b1, h_w2, h_b2)
    e8 = jnp.pad(e3, ((0, mp - m), (0, 5)))

    p8 = jnp.concatenate(
        [pos, jnp.ones((n, 1), jnp.float32), jnp.zeros((n, 4), jnp.float32)],
        axis=1)
    wd8 = jnp.concatenate([f_w1[:3], f_b1.reshape(1, -1),
                           jnp.zeros((4, d), jnp.float32)], axis=0)

    s, msg = _knn_msg_pallas(p8, x, ct8, cn, e8, f_w1[3:], wd8, f_w2,
                             f_b2.reshape(1, -1))

    parts = _sc_segmax(msg, s, m)

    out1 = _mlpg_pallas(x_dst, parts, g_w1[:d], g_w1[d:], g_b1, g_w2, g_b2)

    q = jnp.arange(n, dtype=jnp.int32)
    assign_index = jnp.stack([q, s])
    return (out1, pos_s, assign_index)

# --- scband reference (transcript-rebuilt; emitter-appended) ---
"""Pipeline reference for scband-samodule-13348758356090 (READ-ONLY COPY).

The authoritative reference and input builder live on the scoring server;
editing this copy changes nothing except your own understanding.
"""

import jax, jax.numpy as jnp
import numpy as np

RATIO = 0.25
EMBED = 128
CONFIG = 3
N_NODES = 10000
N_EDGES = 320000


def _mlp(x, w1, b1, w2, b2):
    return jnp.maximum(x @ w1 + b1, 0.0) @ w2 + b2


def _fps(pos, M):
    # farthest point sampling, deterministic start at point 0
    min_d = jnp.sum((pos - pos[0]) ** 2, axis=-1)
    idx0 = jnp.zeros((M,), dtype=jnp.int32)

    def body(i, state):
        idx_arr, md = state
        nxt = jnp.argmax(md).astype(jnp.int32)
        idx_arr = idx_arr.at[i].set(nxt)
        dn = jnp.sum((pos - pos[nxt]) ** 2, axis=-1)
        return (idx_arr, jnp.minimum(md, dn))

    idx_arr, _ = jax.lax.fori_loop(1, M, body, (idx0, min_d))
    return idx_arr


def setup_inputs(seed: int = 0) -> dict:
    key = jax.random.key(seed)
    ks = jax.random.split(key, 20)
    D = EMBED
    C = CONFIG
    inp = {}
    inp["x"] = jax.random.normal(ks[0], (N_NODES, D), dtype=jnp.float32)
    inp["pos"] = jax.random.uniform(ks[1], (N_NODES, 3), dtype=jnp.float32)
    inp["edge_index"] = jax.random.randint(ks[2], (2, N_EDGES), 0, N_NODES, dtype=jnp.int32)

    def lin(k, fi, fo):
        return jax.random.normal(k, (fi, fo), dtype=jnp.float32) / np.sqrt(fi)

    inp["h_w1"] = lin(ks[3], D, D)
    inp["h_b1"] = jnp.zeros((D,), jnp.float32)
    inp["h_w2"] = lin(ks[4], D, C)
    inp["h_b2"] = jnp.zeros((C,), jnp.float32)
    inp["f_w1"] = lin(ks[5], D + C, D)
    inp["f_b1"] = jnp.zeros((D,), jnp.float32)
    inp["f_w2"] = lin(ks[6], D, D)
    inp["f_b2"] = jnp.zeros((D,), jnp.float32)
    inp["g_w1"] = lin(ks[7], 2 * D, D)
    inp["g_b1"] = jnp.zeros((D,), jnp.float32)
    inp["g_w2"] = lin(ks[8], D, D)
    inp["g_b2"] = jnp.zeros((D,), jnp.float32)
    return inp


def reference(x, pos, edge_index, h_w1, h_b1, h_w2, h_b2, f_w1, f_b1, f_w2, f_b2, g_w1, g_b1, g_w2, g_b2):
    N = x.shape[0]
    M = int(round(N * RATIO))
    pos_sg = jax.lax.stop_gradient(pos)
    # fps(pos, ratio) -> M center indices
    idx = _fps(pos_sg, M)
    pos_s = pos[idx]
    pos_s_sg = pos_sg[idx]
    # knn(pos[idx], pos, k=1): nearest sampled center for each of the N points
    d2 = (jnp.sum(pos_sg ** 2, axis=1)[:, None]
          + jnp.sum(pos_s_sg ** 2, axis=1)[None, :]
          - 2.0 * pos_sg @ pos_s_sg.T)
    s = jnp.argmin(d2, axis=1).astype(jnp.int32)
    q = jnp.arange(N, dtype=jnp.int32)
    assign_index = jnp.stack([q, s])
    # PointConv over bipartite (all points -> sampled centers), aggr='max'
    x_dst = x[idx]
    x_i = x_dst[s]
    x_j = x
    dist = pos - pos_s[s]
    delta = _mlp(x_i, h_w1, h_b1, h_w2, h_b2)
    msg = _mlp(jnp.concatenate([dist + delta, x_j], axis=-1), f_w1, f_b1, f_w2, f_b2)
    agg = jax.ops.segment_max(msg, s, num_segments=M)
    agg = jnp.where(jnp.isfinite(agg), agg, 0.0)
    out = _mlp(jnp.concatenate([x_dst, agg], axis=-1), g_w1, g_b1, g_w2, g_b2)
    return (x_dst + out, pos_s, assign_index)

if __name__ == "__main__":
    import jax
    _d = setup_inputs()
    print(jax.jit(kernel)(*tuple(_d.values())))

</pallas_src>

<mosaic_0001>
#map = affine_map<(d0, d1) -> (0, 0)>
#map1 = affine_map<(d0, d1) -> (0)>
module attributes {stable_mosaic.version = 14 : i64} {
  func.func @gk(%arg0: i32, %arg1: i32, %arg2: memref<10000x128xf32, #tpu.memory_space<hbm>>, %arg3: memref<2560xi32, #tpu.memory_space<hbm>>, %arg4: memref<2560x128xf32, #tpu.memory_space<hbm>>, %arg5: memref<80xi32, #tpu.memory_space<vmem>>, %arg6: memref<80x128xf32, #tpu.memory_space<vmem>>, %arg7: memref<!tpu.dma_semaphore, #tpu.memory_space<semaphore_mem>>) attributes {dimension_semantics = [#tpu.dimension_semantics<core_parallel>, #tpu.dimension_semantics<subcore_parallel>], iteration_bounds = array<i64: 2, 16>, scalar_prefetch = 0 : i64, scratch_operands = 3 : i64, tpu.core_type = #tpu.core_type<sc_vector_subcore>, window_params = [{transform_indices = #map}, {transform_indices = #map1}, {transform_indices = #map}]} {
    %mul3A = arith.constant 2 : i32
    %mul3A_0 = arith.muli %arg1, %mul3A : i32
    %add3A = arith.addi %mul3A_0, %arg0 : i32
    %mul3A_1 = arith.constant 80 : i32
    %mul3A_2 = arith.muli %add3A, %mul3A_1 : i32
    "tpu.region"() ({
      %run_scoped3A = tpu.sem_alloc : memref<!tpu.dma_semaphore, #tpu.memory_space<semaphore_mem>>
      %dma_start3A_7 = tpu.memref_slice %arg3[%mul3A_2] : memref<2560xi32, #tpu.memory_space<hbm>> -> memref<80xi32, #tpu.memory_space<hbm>>
      %dma_start3A_8 = tpu.memref_slice %arg3[%mul3A_2] : memref<2560xi32, #tpu.memory_space<hbm>> -> memref<80xi32, #tpu.memory_space<hbm>>
      tpu.enqueue_dma source(%dma_start3A_8 : memref<80xi32, #tpu.memory_space<hbm>>) target(%arg5 : memref<80xi32, #tpu.memory_space<vmem>>) target_semaphore(%run_scoped3A : memref<!tpu.dma_semaphore, #tpu.memory_space<semaphore_mem>>)
      %dma_wait3A_9 = tpu.memref_slice %arg3[%mul3A_2] : memref<2560xi32, #tpu.memory_space<hbm>> -> memref<80xi32, #tpu.memory_space<hbm>>
      %dma_wait3A_10 = tpu.memref_slice %arg3[%mul3A_2] : memref<2560xi32, #tpu.memory_space<hbm>> -> memref<80xi32, #tpu.memory_space<hbm>>
      tpu.wait_dma2 semaphore(%run_scoped3A : memref<!tpu.dma_semaphore, #tpu.memory_space<semaphore_mem>>) src(%dma_wait3A_10 : memref<80xi32, #tpu.memory_space<hbm>>) dst(%arg5 : memref<80xi32, #tpu.memory_space<vmem>>)
      tpu.yield
    }) : () -> ()
    %dma_start3A = arith.constant 0 : i32
    %dma_start3A_3 = arith.constant 0 : i32
    %dma_start3A_4 = tpu.memref_slice %arg2[%dma_start3A, %dma_start3A_3] : memref<10000x128xf32, #tpu.memory_space<hbm>> -> memref<10000x128xf32, #tpu.memory_space<hbm>>
    tpu.enqueue_indirect_dma source(%dma_start3A_4 : memref<10000x128xf32, #tpu.memory_space<hbm>>) target(%arg6 : memref<80x128xf32, #tpu.memory_space<vmem>>) offsets(%arg5 : memref<80xi32, #tpu.memory_space<vmem>>) semaphore(%arg7 : memref<!tpu.dma_semaphore, #tpu.memory_space<semaphore_mem>>)
    %dma_wait3A = arith.constant 0 : i32
    %dma_wait3A_5 = arith.constant 0 : i32
    %dma_wait3A_6 = tpu.memref_slice %arg2[%dma_wait3A, %dma_wait3A_5] : memref<10000x128xf32, #tpu.memory_space<hbm>> -> memref<10000x128xf32, #tpu.memory_space<hbm>>
    tpu.wait_indirect_dma semaphore(%arg7 : memref<!tpu.dma_semaphore, #tpu.memory_space<semaphore_mem>>) src(%dma_wait3A_6 : memref<10000x128xf32, #tpu.memory_space<hbm>>) dst(%arg6 : memref<80x128xf32, #tpu.memory_space<vmem>>)
    "tpu.region"() ({
      %run_scoped3A = tpu.sem_alloc : memref<!tpu.dma_semaphore, #tpu.memory_space<semaphore_mem>>
      %dma_start3A_7 = arith.constant 0 : i32
      %dma_start3A_8 = tpu.memref_slice %arg4[%mul3A_2, %dma_start3A_7] : memref<2560x128xf32, #tpu.memory_space<hbm>> -> memref<80x128xf32, #tpu.memory_space<hbm>>
      %dma_start3A_9 = arith.constant 0 : i32
      %dma_start3A_10 = tpu.memref_slice %arg4[%mul3A_2, %dma_start3A_9] : memref<2560x128xf32, #tpu.memory_space<hbm>> -> memref<80x128xf32, #tpu.memory_space<hbm>>
      tpu.enqueue_dma source(%arg6 : memref<80x128xf32, #tpu.memory_space<vmem>>) target(%dma_start3A_10 : memref<80x128xf32, #tpu.memory_space<hbm>>) target_semaphore(%run_scoped3A : memref<!tpu.dma_semaphore, #tpu.memory_space<semaphore_mem>>)
      %dma_wait3A_11 = arith.constant 0 : i32
      %dma_wait3A_12 = tpu.memref_slice %arg4[%mul3A_2, %dma_wait3A_11] : memref<2560x128xf32, #tpu.memory_space<hbm>> -> memref<80x128xf32, #tpu.memory_space<hbm>>
      %dma_wait3A_13 = arith.constant 0 : i32
      %dma_wait3A_14 = tpu.memref_slice %arg4[%mul3A_2, %dma_wait3A_13] : memref<2560x128xf32, #tpu.memory_space<hbm>> -> memref<80x128xf32, #tpu.memory_space<hbm>>
      tpu.wait_dma2 semaphore(%run_scoped3A : memref<!tpu.dma_semaphore, #tpu.memory_space<semaphore_mem>>) src(%arg6 : memref<80x128xf32, #tpu.memory_space<vmem>>) dst(%dma_wait3A_14 : memref<80x128xf32, #tpu.memory_space<hbm>>)
      tpu.yield
    }) : () -> ()
    return
  }
}

#map = affine_map<(d0, d1) -> (0, 0)>
#map1 = affine_map<(d0, d1) -> (0)>
#map2 = affine_map<(d0, d1) -> (0, 0, 0)>
module attributes {stable_mosaic.version = 14 : i64} {
  func.func @sk(%arg0: i32, %arg1: i32, %arg2: memref<10000x128xf32, #tpu.memory_space<hbm>>, %arg3: memref<10000xi32, #tpu.memory_space<hbm>>, %arg4: memref<2x2500x128xf32, #tpu.memory_space<hbm>>, %arg5: memref<2500x16xf32, #tpu.memory_space<vmem>>, %arg6: memref<2504x16xf32, #tpu.memory_space<vmem>>, %arg7: memref<2504xi32, #tpu.memory_space<vmem>>, %arg8: memref<8x2500x16xf32, #tpu.memory_space<vmem_shared>>) attributes {dimension_semantics = [#tpu.dimension_semantics<core_parallel>, #tpu.dimension_semantics<subcore_parallel>], iteration_bounds = array<i64: 2, 16>, scalar_prefetch = 0 : i64, scratch_operands = 4 : i64, tpu.core_type = #tpu.core_type<sc_vector_subcore>, window_params = [{transform_indices = #map}, {transform_indices = #map1}, {transform_indices = #map2}]} {
    %jit3A = arith.constant 8 : i32
    %eq3A = arith.constant 0 : i32
    %eq3A_0 = arith.cmpi eq, %jit3A, %eq3A : i32
    %jit3A_1 = arith.constant 1 : i32
    %select_n3A = arith.select %eq3A_0, %jit3A_1, %jit3A : i32
    %rem3A = arith.remsi %arg1, %select_n3A : i32
    %ne3A = arith.constant 0 : i32
    %ne3A_2 = arith.cmpi ne, %rem3A, %ne3A : i32
    %lt3A = arith.constant 0 : i32
    %lt3A_3 = arith.cmpi slt, %rem3A, %lt3A : i32
    %lt3A_4 = arith.constant 0 : i32
    %lt3A_5 = arith.cmpi slt, %select_n3A, %lt3A_4 : i32
    %ne3A_6 = arith.xori %lt3A_3, %lt3A_5 : i1
    %and3A = arith.andi %ne3A_6, %ne3A_2 : i1
    %add3A = arith.addi %rem3A, %select_n3A : i32
    %select_n3A_7 = arith.select %and3A, %add3A, %rem3A : i32
    %jit3A_8 = arith.constant 8 : i32
    %div3A = arith.divsi %arg1, %jit3A_8 : i32
    %sign3A = arith.constant 0 : i32
    %sign3A_9 = arith.cmpi sgt, %arg1, %sign3A : i32
    %sign3A_10 = arith.extui %sign3A_9 : i1 to i32
    %sign3A_11 = arith.constant 0 : i32
    %sign3A_12 = arith.cmpi slt, %arg1, %sign3A_11 : i32
    %sign3A_13 = arith.extui %sign3A_12 : i1 to i32
    %sign3A_14 = arith.subi %sign3A_10, %sign3A_13 : i32
    %sign3A_15 = arith.constant 0 : i32
    %sign3A_16 = arith.cmpi sgt, %jit3A_8, %sign3A_15 : i32
    %sign3A_17 = arith.extui %sign3A_16 : i1 to i32
    %sign3A_18 = arith.constant 0 : i32
    %sign3A_19 = arith.cmpi slt, %jit3A_8, %sign3A_18 : i32
    %sign3A_20 = arith.extui %sign3A_19 : i1 to i32
    %sign3A_21 = arith.subi %sign3A_17, %sign3A_20 : i32
    %ne3A_22 = arith.cmpi ne, %sign3A_14, %sign3A_21 : i32
    %rem3A_23 = arith.remsi %arg1, %jit3A_8 : i32
    %ne3A_24 = arith.constant 0 : i32
    %ne3A_25 = arith.cmpi ne, %rem3A_23, %ne3A_24 : i32
    %and3A_26 = arith.andi %ne3A_22, %ne3A_25 : i1
    %sub3A = arith.constant 1 : i32
    %sub3A_27 = arith.subi %div3A, %sub3A : i32
    %select_n3A_28 = arith.select %and3A_26, %sub3A_27, %div3A : i32
    %mul3A = arith.constant 16 : i32
    %mul3A_29 = arith.muli %select_n3A_7, %mul3A : i32
    %mul3A_30 = arith.constant 2 : i32
    %mul3A_31 = arith.muli %arg0, %mul3A_30 : i32
    %add3A_32 = arith.addi %mul3A_31, %select_n3A_28 : i32
    %mul3A_33 = arith.constant 2500 : i32
    %mul3A_34 = arith.muli %add3A_32, %mul3A_33 : i32
    %jit3A_35 = arith.constant 8 : i32
    %div3A_36 = arith.divsi %mul3A_34, %jit3A_35 : i32
    %sign3A_37 = arith.constant 0 : i32
    %sign3A_38 = arith.cmpi sgt, %mul3A_34, %sign3A_37 : i32
    %sign3A_39 = arith.extui %sign3A_38 : i1 to i32
    %sign3A_40 = arith.constant 0 : i32
    %sign3A_41 = arith.cmpi slt, %mul3A_34, %sign3A_40 : i32
    %sign3A_42 = arith.extui %sign3A_41 : i1 to i32
    %sign3A_43 = arith.subi %sign3A_39, %sign3A_42 : i32
    %sign3A_44 = arith.constant 0 : i32
    %sign3A_45 = arith.cmpi sgt, %jit3A_35, %sign3A_44 : i32
    %sign3A_46 = arith.extui %sign3A_45 : i1 to i32
    %sign3A_47 = arith.constant 0 : i32
    %sign3A_48 = arith.cmpi slt, %jit3A_35, %sign3A_47 : i32
    %sign3A_49 = arith.extui %sign3A_48 : i1 to i32
    %sign3A_50 = arith.subi %sign3A_46, %sign3A_49 : i32
    %ne3A_51 = arith.cmpi ne, %sign3A_43, %sign3A_50 : i32
    %rem3A_52 = arith.remsi %mul3A_34, %jit3A_35 : i32
    %ne3A_53 = arith.constant 0 : i32
    %ne3A_54 = arith.cmpi ne, %rem3A_52, %ne3A_53 : i32
    %and3A_55 = arith.andi %ne3A_51, %ne3A_54 : i1
    %sub3A_56 = arith.constant 1 : i32
    %sub3A_57 = arith.subi %div3A_36, %sub3A_56 : i32
    %select_n3A_58 = arith.select %and3A_55, %sub3A_57, %div3A_36 : i32
    %mul3A_59 = arith.constant 8 : i32
    %mul3A_60 = arith.muli %select_n3A_58, %mul3A_59 : i32
    %multiple_of3A = tpu.assume_multiple %mul3A_60, 8 : i32
    "tpu.region"() ({
      %run_scoped3A = tpu.sem_alloc : memref<!tpu.dma_semaphore, #tpu.memory_space<semaphore_mem>>
      %dma_start3A = tpu.memref_slice %arg3[%multiple_of3A] : memref<10000xi32, #tpu.memory_space<hbm>> -> memref<2504xi32, #tpu.memory_space<hbm>>
      %dma_start3A_114 = tpu.memref_slice %arg3[%multiple_of3A] : memref<10000xi32, #tpu.memory_space<hbm>> -> memref<2504xi32, #tpu.memory_space<hbm>>
      tpu.enqueue_dma source(%dma_start3A_114 : memref<2504xi32, #tpu.memory_space<hbm>>) target(%arg7 : memref<2504xi32, #tpu.memory_space<vmem>>) target_semaphore(%run_scoped3A : memref<!tpu.dma_semaphore, #tpu.memory_space<semaphore_mem>>)
      %dma_wait3A = tpu.memref_slice %arg3[%multiple_of3A] : memref<10000xi32, #tpu.memory_space<hbm>> -> memref<2504xi32, #tpu.memory_space<hbm>>
      %dma_wait3A_115 = tpu.memref_slice %arg3[%multiple_of3A] : memref<10000xi32, #tpu.memory_space<hbm>> -> memref<2504xi32, #tpu.memory_space<hbm>>
      tpu.wait_dma2 semaphore(%run_scoped3A : memref<!tpu.dma_semaphore, #tpu.memory_space<semaphore_mem>>) src(%dma_wait3A_115 : memref<2504xi32, #tpu.memory_space<hbm>>) dst(%arg7 : memref<2504xi32, #tpu.memory_space<vmem>>)
      tpu.yield
    }) : () -> ()
    "tpu.region"() ({
      %run_scoped3A = tpu.sem_alloc : memref<!tpu.dma_semaphore, #tpu.memory_space<semaphore_mem>>
      %dma_start3A = tpu.memref_slice %arg2[%multiple_of3A, %mul3A_29] : memref<10000x128xf32, #tpu.memory_space<hbm>> -> memref<2504x16xf32, #tpu.memory_space<hbm>>
      %dma_start3A_114 = tpu.memref_slice %arg2[%multiple_of3A, %mul3A_29] : memref<10000x128xf32, #tpu.memory_space<hbm>> -> memref<2504x16xf32, #tpu.memory_space<hbm>>
      tpu.enqueue_dma source(%dma_start3A_114 : memref<2504x16xf32, #tpu.memory_space<hbm>>) target(%arg6 : memref<2504x16xf32, #tpu.memory_space<vmem>>) target_semaphore(%run_scoped3A : memref<!tpu.dma_semaphore, #tpu.memory_space<semaphore_mem>>)
      %dma_wait3A = tpu.memref_slice %arg2[%multiple_of3A, %mul3A_29] : memref<10000x128xf32, #tpu.memory_space<hbm>> -> memref<2504x16xf32, #tpu.memory_space<hbm>>
      %dma_wait3A_115 = tpu.memref_slice %arg2[%multiple_of3A, %mul3A_29] : memref<10000x128xf32, #tpu.memory_space<hbm>> -> memref<2504x16xf32, #tpu.memory_space<hbm>>
      tpu.wait_dma2 semaphore(%run_scoped3A : memref<!tpu.dma_semaphore, #tpu.memory_space<semaphore_mem>>) src(%dma_wait3A_115 : memref<2504x16xf32, #tpu.memory_space<hbm>>) dst(%arg6 : memref<2504x16xf32, #tpu.memory_space<vmem>>)
      tpu.yield
    }) : () -> ()
    %broadcast_in_dim3A = arith.constant 0xFF800000 : f32
    %broadcast_in_dim3A_61 = vector.broadcast %broadcast_in_dim3A : f32 to vector<16xf32>
    %scan3A = arith.constant 0 : i32
    %scan3A_62 = arith.constant 0 : i32
    %scan3A_63 = arith.constant 2496 : i32
    %scan3A_64 = arith.addi %scan3A_62, %scan3A_63 : i32
    %scan3A_65 = arith.constant 8 : i32
    %scan3A_66 = scf.for %scan3A_114 = %scan3A_62 to %scan3A_64 step %scan3A_65 iter_args(%scan3A_115 = %scan3A) -> (i32)  : i32 {
      %swap3A_116 = arith.index_cast %scan3A_114 : i32 to index
      %swap3A_117 = arith.constant 0 : index
      %swap3A_118 = tpu.vector_load %arg5[%swap3A_116, %swap3A_117] {strides = array<i32>} : memref<2500x16xf32, #tpu.memory_space<vmem>>, vector<1x16xf32>,
      %swap3A_119 = vector.shape_cast %swap3A_118 : vector<1x16xf32> to vector<16xf32>
      %swap3A_120 = vector.shape_cast %broadcast_in_dim3A_61 : vector<16xf32> to vector<1x16xf32>
      tpu.vector_store %arg5[%swap3A_116, %swap3A_117], %swap3A_120 {strides = array<i32>} : memref<2500x16xf32, #tpu.memory_space<vmem>>, vector<1x16xf32>,
      %scan3A_121 = arith.constant 0 : i32
      %scan3A_122 = arith.constant 1 : i32
      %scan3A_123 = arith.addi %scan3A_114, %scan3A_122 : i32
      %swap3A_124 = arith.index_cast %scan3A_123 : i32 to index
      %swap3A_125 = arith.constant 0 : index
      %swap3A_126 = tpu.vector_load %arg5[%swap3A_124, %swap3A_125] {strides = array<i32>} : memref<2500x16xf32, #tpu.memory_space<vmem>>, vector<1x16xf32>,
      %swap3A_127 = vector.shape_cast %swap3A_126 : vector<1x16xf32> to vector<16xf32>
      %swap3A_128 = vector.shape_cast %broadcast_in_dim3A_61 : vector<16xf32> to vector<1x16xf32>
      tpu.vector_store %arg5[%swap3A_124, %swap3A_125], %swap3A_128 {strides = array<i32>} : memref<2500x16xf32, #tpu.memory_space<vmem>>, vector<1x16xf32>,
      %scan3A_129 = arith.constant 0 : i32
      %scan3A_130 = arith.constant 2 : i32
      %scan3A_131 = arith.addi %scan3A_114, %scan3A_130 : i32
      %swap3A_132 = arith.index_cast %scan3A_131 : i32 to index
      %swap3A_133 = arith.constant 0 : index
      %swap3A_134 = tpu.vector_load %arg5[%swap3A_132, %swap3A_133] {strides = array<i32>} : memref<2500x16xf32, #tpu.memory_space<vmem>>, vector<1x16xf32>,
      %swap3A_135 = vector.shape_cast %swap3A_134 : vector<1x16xf32> to vector<16xf32>
      %swap3A_136 = vector.shape_cast %broadcast_in_dim3A_61 : vector<16xf32> to vector<1x16xf32>
      tpu.vector_store %arg5[%swap3A_132, %swap3A_133], %swap3A_136 {strides = array<i32>} : memref<2500x16xf32, #tpu.memory_space<vmem>>, vector<1x16xf32>,
      %scan3A_137 = arith.constant 0 : i32
      %scan3A_138 = arith.constant 3 : i32
      %scan3A_139 = arith.addi %scan3A_114, %scan3A_138 : i32
      %swap3A_140 = arith.index_cast %scan3A_139 : i32 to index
      %swap3A_141 = arith.constant 0 : index
      %swap3A_142 = tpu.vector_load %arg5[%swap3A_140, %swap3A_141] {strides = array<i32>} : memref<2500x16xf32, #tpu.memory_space<vmem>>, vector<1x16xf32>,
      %swap3A_143 = vector.shape_cast %swap3A_142 : vector<1x16xf32> to vector<16xf32>
      %swap3A_144 = vector.shape_cast %broadcast_in_dim3A_61 : vector<16xf32> to vector<1x16xf32>
      tpu.vector_store %arg5[%swap3A_140, %swap3A_141], %swap3A_144 {strides = array<i32>} : memref<2500x16xf32, #tpu.memory_space<vmem>>, vector<1x16xf32>,
      %scan3A_145 = arith.constant 0 : i32
      %scan3A_146 = arith.constant 4 : i32
      %scan3A_147 = arith.addi %scan3A_114, %scan3A_146 : i32
      %swap3A_148 = arith.index_cast %scan3A_147 : i32 to index
      %swap3A_149 = arith.constant 0 : index
      %swap3A_150 = tpu.vector_load %arg5[%swap3A_148, %swap3A_149] {strides = array<i32>} : memref<2500x16xf32, #tpu.memory_space<vmem>>, vector<1x16xf32>,
      %swap3A_151 = vector.shape_cast %swap3A_150 : vector<1x16xf32> to vector<16xf32>
      %swap3A_152 = vector.shape_cast %broadcast_in_dim3A_61 : vector<16xf32> to vector<1x16xf32>
      tpu.vector_store %arg5[%swap3A_148, %swap3A_149], %swap3A_152 {strides = array<i32>} : memref<2500x16xf32, #tpu.memory_space<vmem>>, vector<1x16xf32>,
      %scan3A_153 = arith.constant 0 : i32
      %scan3A_154 = arith.constant 5 : i32
      %scan3A_155 = arith.addi %scan3A_114, %scan3A_154 : i32
      %swap3A_156 = arith.index_cast %scan3A_155 : i32 to index
      %swap3A_157 = arith.constant 0 : index
      %swap3A_158 = tpu.vector_load %arg5[%swap3A_156, %swap3A_157] {strides = array<i32>} : memref<2500x16xf32, #tpu.memory_space<vmem>>, vector<1x16xf32>,
      %swap3A_159 = vector.shape_cast %swap3A_158 : vector<1x16xf32> to vector<16xf32>
      %swap3A_160 = vector.shape_cast %broadcast_in_dim3A_61 : vector<16xf32> to vector<1x16xf32>
      tpu.vector_store %arg5[%swap3A_156, %swap3A_157], %swap3A_160 {strides = array<i32>} : memref<2500x16xf32, #tpu.memory_space<vmem>>, vector<1x16xf32>,
      %scan3A_161 = arith.constant 0 : i32
      %scan3A_162 = arith.constant 6 : i32
      %scan3A_163 = arith.addi %scan3A_114, %scan3A_162 : i32
      %swap3A_164 = arith.index_cast %scan3A_163 : i32 to index
      %swap3A_165 = arith.constant 0 : index
      %swap3A_166 = tpu.vector_load %arg5[%swap3A_164, %swap3A_165] {strides = array<i32>} : memref<2500x16xf32, #tpu.memory_space<vmem>>, vector<1x16xf32>,
      %swap3A_167 = vector.shape_cast %swap3A_166 : vector<1x16xf32> to vector<16xf32>
      %swap3A_168 = vector.shape_cast %broadcast_in_dim3A_61 : vector<16xf32> to vector<1x16xf32>
      tpu.vector_store %arg5[%swap3A_164, %swap3A_165], %swap3A_168 {strides = array<i32>} : memref<2500x16xf32, #tpu.memory_space<vmem>>, vector<1x16xf32>,
      %scan3A_169 = arith.constant 0 : i32
      %scan3A_170 = arith.constant 7 : i32
      %scan3A_171 = arith.addi %scan3A_114, %scan3A_170 : i32
      %swap3A_172 = arith.index_cast %scan3A_171 : i32 to index
      %swap3A_173 = arith.constant 0 : index
      %swap3A_174 = tpu.vector_load %arg5[%swap3A_172, %swap3A_173] {strides = array<i32>} : memref<2500x16xf32, #tpu.memory_space<vmem>>, vector<1x16xf32>,
      %swap3A_175 = vector.shape_cast %swap3A_174 : vector<1x16xf32> to vector<16xf32>
      %swap3A_176 = vector.shape_cast %broadcast_in_dim3A_61 : vector<16xf32> to vector<1x16xf32>
      tpu.vector_store %arg5[%swap3A_172, %swap3A_173], %swap3A_176 {strides = array<i32>} : memref<2500x16xf32, #tpu.memory_space<vmem>>, vector<1x16xf32>,
      %scan3A_177 = arith.constant 0 : i32
      scf.yield %scan3A_177 : i32
    }
    %scan3A_67 = arith.constant 2496 : i32
    %scan3A_68 = arith.addi %scan3A_62, %scan3A_67 : i32
    %swap3A = arith.index_cast %scan3A_68 : i32 to index
    %swap3A_69 = arith.constant 0 : index
    %swap3A_70 = tpu.vector_load %arg5[%swap3A, %swap3A_69] {strides = array<i32>} : memref<2500x16xf32, #tpu.memory_space<vmem>>, vector<1x16xf32>,
    %swap3A_71 = vector.shape_cast %swap3A_70 : vector<1x16xf32> to vector<16xf32>
    %swap3A_72 = vector.shape_cast %broadcast_in_dim3A_61 : vector<16xf32> to vector<1x16xf32>
    tpu.vector_store %arg5[%swap3A, %swap3A_69], %swap3A_72 {strides = array<i32>} : memref<2500x16xf32, #tpu.memory_space<vmem>>, vector<1x16xf32>,
    %scan3A_73 = arith.constant 0 : i32
    %scan3A_74 = arith.constant 2497 : i32
    %scan3A_75 = arith.addi %scan3A_62, %scan3A_74 : i32
    %swap3A_76 = arith.index_cast %scan3A_75 : i32 to index
    %swap3A_77 = arith.constant 0 : index
    %swap3A_78 = tpu.vector_load %arg5[%swap3A_76, %swap3A_77] {strides = array<i32>} : memref<2500x16xf32, #tpu.memory_space<vmem>>, vector<1x16xf32>,
    %swap3A_79 = vector.shape_cast %swap3A_78 : vector<1x16xf32> to vector<16xf32>
    %swap3A_80 = vector.shape_cast %broadcast_in_dim3A_61 : vector<16xf32> to vector<1x16xf32>
    tpu.vector_store %arg5[%swap3A_76, %swap3A_77], %swap3A_80 {strides = array<i32>} : memref<2500x16xf32, #tpu.memory_space<vmem>>, vector<1x16xf32>,
    %scan3A_81 = arith.constant 0 : i32
    %scan3A_82 = arith.constant 2498 : i32
    %scan3A_83 = arith.addi %scan3A_62, %scan3A_82 : i32
    %swap3A_84 = arith.index_cast %scan3A_83 : i32 to index
    %swap3A_85 = arith.constant 0 : index
    %swap3A_86 = tpu.vector_load %arg5[%swap3A_84, %swap3A_85] {strides = array<i32>} : memref<2500x16xf32, #tpu.memory_space<vmem>>, vector<1x16xf32>,
    %swap3A_87 = vector.shape_cast %swap3A_86 : vector<1x16xf32> to vector<16xf32>
    %swap3A_88 = vector.shape_cast %broadcast_in_dim3A_61 : vector<16xf32> to vector<1x16xf32>
    tpu.vector_store %arg5[%swap3A_84, %swap3A_85], %swap3A_88 {strides = array<i32>} : memref<2500x16xf32, #tpu.memory_space<vmem>>, vector<1x16xf32>,
    %scan3A_89 = arith.constant 0 : i32
    %scan3A_90 = arith.constant 2499 : i32
    %scan3A_91 = arith.addi %scan3A_62, %scan3A_90 : i32
    %swap3A_92 = arith.index_cast %scan3A_91 : i32 to index
    %swap3A_93 = arith.constant 0 : index
    %swap3A_94 = tpu.vector_load %arg5[%swap3A_92, %swap3A_93] {strides = array<i32>} : memref<2500x16xf32, #tpu.memory_space<vmem>>, vector<1x16xf32>,
    %swap3A_95 = vector.shape_cast %swap3A_94 : vector<1x16xf32> to vector<16xf32>
    %swap3A_96 = vector.shape_cast %broadcast_in_dim3A_61 : vector<16xf32> to vector<1x16xf32>
    tpu.vector_store %arg5[%swap3A_92, %swap3A_93], %swap3A_96 {strides = array<i32>} : memref<2500x16xf32, #tpu.memory_space<vmem>>, vector<1x16xf32>,
    %scan3A_97 = arith.constant 0 : i32
    %scan3A_98 = arith.constant 2500 : i32
    %scan3A_99 = arith.constant 0 : i32
    %scan3A_100 = arith.constant 0 : i32
    %scan3A_101 = arith.constant 157 : i32
    %scan3A_102 = arith.addi %scan3A_100, %scan3A_101 : i32
    %scan3A_103 = arith.constant 1 : i32
    %scan3A_104 = scf.for %scan3A_114 = %scan3A_100 to %scan3A_102 step %scan3A_103 iter_args(%scan3A_115 = %scan3A_99) -> (i32)  : i32 {
      %mul3A_116 = arith.constant 16 : i32
      %mul3A_117 = arith.muli %scan3A_114, %mul3A_116 : i32
      %min3A = arith.constant 2488 : i32
      %min3A_118 = arith.minsi %mul3A_117, %min3A : i32
      %multiple_of3A_119 = tpu.assume_multiple %min3A_118, 8 : i32
      %get3A = arith.index_cast %multiple_of3A_119 : i32 to index
      %get3A_120 = tpu.vector_load %arg7[%get3A] {strides = array<i32>} : memref<2504xi32, #tpu.memory_space<vmem>>, vector<16xi32>,
      %get3A_121 = vector.shape_cast %get3A_120 : vector<16xi32> to vector<16xi32>
      %slice3A = vector.extract_strided_slice %get3A_121 {offsets = [0], sizes = [1], strides = [1]} : vector<16xi32> to vector<1xi32>
      %squeeze3A = vector.extract %slice3A[0] : i32 from vector<1xi32>
      %get3A_122 = arith.index_cast %squeeze3A : i32 to index
      %get3A_123 = arith.constant 0 : index
      %get3A_124 = tpu.vector_load %arg5[%get3A_122, %get3A_123] {strides = array<i32>} : memref<2500x16xf32, #tpu.memory_space<vmem>>, vector<1x16xf32>,
      %get3A_125 = vector.shape_cast %get3A_124 : vector<1x16xf32> to vector<16xf32>
      %add3A_126 = arith.constant 0 : i32
      %add3A_127 = arith.addi %multiple_of3A_119, %add3A_126 : i32
      %get3A_128 = arith.index_cast %add3A_127 : i32 to index
      %get3A_129 = arith.constant 0 : index
      %get3A_130 = tpu.vector_load %arg6[%get3A_128, %get3A_129] {strides = array<i32>} : memref<2504x16xf32, #tpu.memory_space<vmem>>, vector<1x16xf32>,
      %get3A_131 = vector.shape_cast %get3A_130 : vector<1x16xf32> to vector<16xf32>
      %max3A = arith.maximumf %get3A_125, %get3A_131 : vector<16xf32>
      %swap3A_132 = arith.index_cast %squeeze3A : i32 to index
      %swap3A_133 = arith.constant 0 : index
      %swap3A_134 = tpu.vector_load %arg5[%swap3A_132, %swap3A_133] {strides = array<i32>} : memref<2500x16xf32, #tpu.memory_space<vmem>>, vector<1x16xf32>,
      %swap3A_135 = vector.shape_cast %swap3A_134 : vector<1x16xf32> to vector<16xf32>
      %swap3A_136 = vector.shape_cast %max3A : vector<16xf32> to vector<1x16xf32>
      tpu.vector_store %arg5[%swap3A_132, %swap3A_133], %swap3A_136 {strides = array<i32>} : memref<2500x16xf32, #tpu.memory_space<vmem>>, vector<1x16xf32>,
      %slice3A_137 = vector.extract_strided_slice %get3A_121 {offsets = [1], sizes = [1], strides = [1]} : vector<16xi32> to vector<1xi32>
      %squeeze3A_138 = vector.extract %slice3A_137[0] : i32 from vector<1xi32>
      %get3A_139 = arith.index_cast %squeeze3A_138 : i32 to index
      %get3A_140 = arith.constant 0 : index
      %get3A_141 = tpu.vector_load %arg5[%get3A_139, %get3A_140] {strides = array<i32>} : memref<2500x16xf32, #tpu.memory_space<vmem>>, vector<1x16xf32>,
      %get3A_142 = vector.shape_cast %get3A_141 : vector<1x16xf32> to vector<16xf32>
      %add3A_143 = arith.constant 1 : i32
      %add3A_144 = arith.addi %multiple_of3A_119, %add3A_143 : i32
      %get3A_145 = arith.index_cast %add3A_144 : i32 to index
      %get3A_146 = arith.constant 0 : index
      %get3A_147 = tpu.vector_load %arg6[%get3A_145, %get3A_146] {strides = array<i32>} : memref<2504x16xf32, #tpu.memory_space<vmem>>, vector<1x16xf32>,
      %get3A_148 = vector.shape_cast %get3A_147 : vector<1x16xf32> to vector<16xf32>
      %max3A_149 = arith.maximumf %get3A_142, %get3A_148 : vector<16xf32>
      %swap3A_150 = arith.index_cast %squeeze3A_138 : i32 to index
      %swap3A_151 = arith.constant 0 : index
      %swap3A_152 = tpu.vector_load %arg5[%swap3A_150, %swap3A_151] {strides = array<i32>} : memref<2500x16xf32, #tpu.memory_space<vmem>>, vector<1x16xf32>,
      %swap3A_153 = vector.shape_cast %swap3A_152 : vector<1x16xf32> to vector<16xf32>
      %swap3A_154 = vector.shape_cast %max3A_149 : vector<16xf32> to vector<1x16xf32>
      tpu.vector_store %arg5[%swap3A_150, %swap3A_151], %swap3A_154 {strides = array<i32>} : memref<2500x16xf32, #tpu.memory_space<vmem>>, vector<1x16xf32>,
      %slice3A_155 = vector.extract_strided_slice %get3A_121 {offsets = [2], sizes = [1], strides = [1]} : vector<16xi32> to vector<1xi32>
      %squeeze3A_156 = vector.extract %slice3A_155[0] : i32 from vector<1xi32>
      %get3A_157 = arith.index_cast %squeeze3A_156 : i32 to index
      %get3A_158 = arith.constant 0 : index
      %get3A_159 = tpu.vector_load %arg5[%get3A_157, %get3A_158] {strides = array<i32>} : memref<2500x16xf32, #tpu.memory_space<vmem>>, vector<1x16xf32>,
      %get3A_160 = vector.shape_cast %get3A_159 : vector<1x16xf32> to vector<16xf32>
      %add3A_161 = arith.constant 2 : i32
      %add3A_162 = arith.addi %multiple_of3A_119, %add3A_161 : i32
      %get3A_163 = arith.index_cast %add3A_162 : i32 to index
      %get3A_164 = arith.constant 0 : index
      %get3A_165 = tpu.vector_load %arg6[%get3A_163, %get3A_164] {strides = array<i32>} : memref<2504x16xf32, #tpu.memory_space<vmem>>, vector<1x16xf32>,
      %get3A_166 = vector.shape_cast %get3A_165 : vector<1x16xf32> to vector<16xf32>
      %max3A_167 = arith.maximumf %get3A_160, %get3A_166 : vector<16xf32>
      %swap3A_168 = arith.index_cast %squeeze3A_156 : i32 to index
      %swap3A_169 = arith.constant 0 : index
      %swap3A_170 = tpu.vector_load %arg5[%swap3A_168, %swap3A_169] {strides = array<i32>} : memref<2500x16xf32, #tpu.memory_space<vmem>>, vector<1x16xf32>,
      %swap3A_171 = vector.shape_cast %swap3A_170 : vector<1x16xf32> to vector<16xf32>
      %swap3A_172 = vector.shape_cast %max3A_167 : vector<16xf32> to vector<1x16xf32>
      tpu.vector_store %arg5[%swap3A_168, %swap3A_169], %swap3A_172 {strides = array<i32>} : memref<2500x16xf32, #tpu.memory_space<vmem>>, vector<1x16xf32>,
      %slice3A_173 = vector.extract_strided_slice %get3A_121 {offsets = [3], sizes = [1], strides = [1]} : vector<16xi32> to vector<1xi32>
      %squeeze3A_174 = vector.extract %slice3A_173[0] : i32 from vector<1xi32>
      %get3A_175 = arith.index_cast %squeeze3A_174 : i32 to index
      %get3A_176 = arith.constant 0 : index
      %get3A_177 = tpu.vector_load %arg5[%get3A_175, %get3A_176] {strides = array<i32>} : memref<2500x16xf32, #tpu.memory_space<vmem>>, vector<1x16xf32>,
      %get3A_178 = vector.shape_cast %get3A_177 : vector<1x16xf32> to vector<16xf32>
      %add3A_179 = arith.constant 3 : i32
      %add3A_180 = arith.addi %multiple_of3A_119, %add3A_179 : i32
      %get3A_181 = arith.index_cast %add3A_180 : i32 to index
      %get3A_182 = arith.constant 0 : index
      %get3A_183 = tpu.vector_load %arg6[%get3A_181, %get3A_182] {strides = array<i32>} : memref<2504x16xf32, #tpu.memory_space<vmem>>, vector<1x16xf32>,
      %get3A_184 = vector.shape_cast %get3A_183 : vector<1x16xf32> to vector<16xf32>
      %max3A_185 = arith.maximumf %get3A_178, %get3A_184 : vector<16xf32>
      %swap3A_186 = arith.index_cast %squeeze3A_174 : i32 to index
      %swap3A_187 = arith.constant 0 : index
      %swap3A_188 = tpu.vector_load %arg5[%swap3A_186, %swap3A_187] {strides = array<i32>} : memref<2500x16xf32, #tpu.memory_space<vmem>>, vector<1x16xf32>,
      %swap3A_189 = vector.shape_cast %swap3A_188 : vector<1x16xf32> to vector<16xf32>
      %swap3A_190 = vector.shape_cast %max3A_185 : vector<16xf32> to vector<1x16xf32>
      tpu.vector_store %arg5[%swap3A_186, %swap3A_187], %swap3A_190 {strides = array<i32>} : memref<2500x16xf32, #tpu.memory_space<vmem>>, vector<1x16xf32>,
      %slice3A_191 = vector.extract_strided_slice %get3A_121 {offsets = [4], sizes = [1], strides = [1]} : vector<16xi32> to vector<1xi32>
      %squeeze3A_192 = vector.extract %slice3A_191[0] : i32 from vector<1xi32>
      %get3A_193 = arith.index_cast %squeeze3A_192 : i32 to index
      %get3A_194 = arith.constant 0 : index
      %get3A_195 = tpu.vector_load %arg5[%get3A_193, %get3A_194] {strides = array<i32>} : memref<2500x16xf32, #tpu.memory_space<vmem>>, vector<1x16xf32>,
      %get3A_196 = vector.shape_cast %get3A_195 : vector<1x16xf32> to vector<16xf32>
      %add3A_197 = arith.constant 4 : i32
      %add3A_198 = arith.addi %multiple_of3A_119, %add3A_197 : i32
      %get3A_199 = arith.index_cast %add3A_198 : i32 to index
      %get3A_200 = arith.constant 0 : index
      %get3A_201 = tpu.vector_load %arg6[%get3A_199, %get3A_200] {strides = array<i32>} : memref<2504x16xf32, #tpu.memory_space<vmem>>, vector<1x16xf32>,
      %get3A_202 = vector.shape_cast %get3A_201 : vector<1x16xf32> to vector<16xf32>
      %max3A_203 = arith.maximumf %get3A_196, %get3A_202 : vector<16xf32>
      %swap3A_204 = arith.index_cast %squeeze3A_192 : i32 to index
      %swap3A_205 = arith.constant 0 : index
      %swap3A_206 = tpu.vector_load %arg5[%swap3A_204, %swap3A_205] {strides = array<i32>} : memref<2500x16xf32, #tpu.memory_space<vmem>>, vector<1x16xf32>,
      %swap3A_207 = vector.shape_cast %swap3A_206 : vector<1x16xf32> to vector<16xf32>
      %swap3A_208 = vector.shape_cast %max3A_203 : vector<16xf32> to vector<1x16xf32>
      tpu.vector_store %arg5[%swap3A_204, %swap3A_205], %swap3A_208 {strides = array<i32>} : memref<2500x16xf32, #tpu.memory_space<vmem>>, vector<1x16xf32>,
      %slice3A_209 = vector.extract_strided_slice %get3A_121 {offsets = [5], sizes = [1], strides = [1]} : vector<16xi32> to vector<1xi32>
      %squeeze3A_210 = vector.extract %slice3A_209[0] : i32 from vector<1xi32>
      %get3A_211 = arith.index_cast %squeeze3A_210 : i32 to index
      %get3A_212 = arith.constant 0 : index
      %get3A_213 = tpu.vector_load %arg5[%get3A_211, %get3A_212] {strides = array<i32>} : memref<2500x16xf32, #tpu.memory_space<vmem>>, vector<1x16xf32>,
      %get3A_214 = vector.shape_cast %get3A_213 : vector<1x16xf32> to vector<16xf32>
      %add3A_215 = arith.constant 5 : i32
      %add3A_216 = arith.addi %multiple_of3A_119, %add3A_215 : i32
      %get3A_217 = arith.index_cast %add3A_216 : i32 to index
      %get3A_218 = arith.constant 0 : index
      %get3A_219 = tpu.vector_load %arg6[%get3A_217, %get3A_218] {strides = array<i32>} : memref<2504x16xf32, #tpu.memory_space<vmem>>, vector<1x16xf32>,
      %get3A_220 = vector.shape_cast %get3A_219 : vector<1x16xf32> to vector<16xf32>
      %max3A_221 = arith.maximumf %get3A_214, %get3A_220 : vector<16xf32>
      %swap3A_222 = arith.index_cast %squeeze3A_210 : i32 to index
      %swap3A_223 = arith.constant 0 : index
      %swap3A_224 = tpu.vector_load %arg5[%swap3A_222, %swap3A_223] {strides = array<i32>} : memref<2500x16xf32, #tpu.memory_space<vmem>>, vector<1x16xf32>,
      %swap3A_225 = vector.shape_cast %swap3A_224 : vector<1x16xf32> to vector<16xf32>
      %swap3A_226 = vector.shape_cast %max3A_221 : vector<16xf32> to vector<1x16xf32>
      tpu.vector_store %arg5[%swap3A_222, %swap3A_223], %swap3A_226 {strides = array<i32>} : memref<2500x16xf32, #tpu.memory_space<vmem>>, vector<1x16xf32>,
      %slice3A_227 = vector.extract_strided_slice %get3A_121 {offsets = [6], sizes = [1], strides = [1]} : vector<16xi32> to vector<1xi32>
      %squeeze3A_228 = vector.extract %slice3A_227[0] : i32 from vector<1xi32>
      %get3A_229 = arith.index_cast %squeeze3A_228 : i32 to index
      %get3A_230 = arith.constant 0 : index
      %get3A_231 = tpu.vector_load %arg5[%get3A_229, %get3A_230] {strides = array<i32>} : memref<2500x16xf32, #tpu.memory_space<vmem>>, vector<1x16xf32>,
      %get3A_232 = vector.shape_cast %get3A_231 : vector<1x16xf32> to vector<16xf32>
      %add3A_233 = arith.constant 6 : i32
      %add3A_234 = arith.addi %multiple_of3A_119, %add3A_233 : i32
      %get3A_235 = arith.index_cast %add3A_234 : i32 to index
      %get3A_236 = arith.constant 0 : index
      %get3A_237 = tpu.vector_load %arg6[%get3A_235, %get3A_236] {strides = array<i32>} : memref<2504x16xf32, #tpu.memory_space<vmem>>, vector<1x16xf32>,
      %get3A_238 = vector.shape_cast %get3A_237 : vector<1x16xf32> to vector<16xf32>
      %max3A_239 = arith.maximumf %get3A_232, %get3A_238 : vector<16xf32>
      %swap3A_240 = arith.index_cast %squeeze3A_228 : i32 to index
      %swap3A_241 = arith.constant 0 : index
      %swap3A_242 = tpu.vector_load %arg5[%swap3A_240, %swap3A_241] {strides = array<i32>} : memref<2500x16xf32, #tpu.memory_space<vmem>>, vector<1x16xf32>,
      %swap3A_243 = vector.shape_cast %swap3A_242 : vector<1x16xf32> to vector<16xf32>
      %swap3A_244 = vector.shape_cast %max3A_239 : vector<16xf32> to vector<1x16xf32>
      tpu.vector_store %arg5[%swap3A_240, %swap3A_241], %swap3A_244 {strides = array<i32>} : memref<2500x16xf32, #tpu.memory_space<vmem>>, vector<1x16xf32>,
      %slice3A_245 = vector.extract_strided_slice %get3A_121 {offsets = [7], sizes = [1], strides = [1]} : vector<16xi32> to vector<1xi32>
      %squeeze3A_246 = vector.extract %slice3A_245[0] : i32 from vector<1xi32>
      %get3A_247 = arith.index_cast %squeeze3A_246 : i32 to index
      %get3A_248 = arith.constant 0 : index
      %get3A_249 = tpu.vector_load %arg5[%get3A_247, %get3A_248] {strides = array<i32>} : memref<2500x16xf32, #tpu.memory_space<vmem>>, vector<1x16xf32>,
      %get3A_250 = vector.shape_cast %get3A_249 : vector<1x16xf32> to vector<16xf32>
      %add3A_251 = arith.constant 7 : i32
      %add3A_252 = arith.addi %multiple_of3A_119, %add3A_251 : i32
      %get3A_253 = arith.index_cast %add3A_252 : i32 to index
      %get3A_254 = arith.constant 0 : index
      %get3A_255 = tpu.vector_load %arg6[%get3A_253, %get3A_254] {strides = array<i32>} : memref<2504x16xf32, #tpu.memory_space<vmem>>, vector<1x16xf32>,
      %get3A_256 = vector.shape_cast %get3A_255 : vector<1x16xf32> to vector<16xf32>
      %max3A_257 = arith.maximumf %get3A_250, %get3A_256 : vector<16xf32>
      %swap3A_258 = arith.index_cast %squeeze3A_246 : i32 to index
      %swap3A_259 = arith.constant 0 : index
      %swap3A_260 = tpu.vector_load %arg5[%swap3A_258, %swap3A_259] {strides = array<i32>} : memref<2500x16xf32, #tpu.memory_space<vmem>>, vector<1x16xf32>,
      %swap3A_261 = vector.shape_cast %swap3A_260 : vector<1x16xf32> to vector<16xf32>
      %swap3A_262 = vector.shape_cast %max3A_257 : vector<16xf32> to vector<1x16xf32>
      tpu.vector_store %arg5[%swap3A_258, %swap3A_259], %swap3A_262 {strides = array<i32>} : memref<2500x16xf32, #tpu.memory_space<vmem>>, vector<1x16xf32>,
      %slice3A_263 = vector.extract_strided_slice %get3A_121 {offsets = [8], sizes = [1], strides = [1]} : vector<16xi32> to vector<1xi32>
      %squeeze3A_264 = vector.extract %slice3A_263[0] : i32 from vector<1xi32>
      %get3A_265 = arith.index_cast %squeeze3A_264 : i32 to index
      %get3A_266 = arith.constant 0 : index
      %get3A_267 = tpu.vector_load %arg5[%get3A_265, %get3A_266] {strides = array<i32>} : memref<2500x16xf32, #tpu.memory_space<vmem>>, vector<1x16xf32>,
      %get3A_268 = vector.shape_cast %get3A_267 : vector<1x16xf32> to vector<16xf32>
      %add3A_269 = arith.constant 8 : i32
      %add3A_270 = arith.addi %multiple_of3A_119, %add3A_269 : i32
      %get3A_271 = arith.index_cast %add3A_270 : i32 to index
      %get3A_272 = arith.constant 0 : index
      %get3A_273 = tpu.vector_load %arg6[%get3A_271, %get3A_272] {strides = array<i32>} : memref<2504x16xf32, #tpu.memory_space<vmem>>, vector<1x16xf32>,
      %get3A_274 = vector.shape_cast %get3A_273 : vector<1x16xf32> to vector<16xf32>
      %max3A_275 = arith.maximumf %get3A_268, %get3A_274 : vector<16xf32>
      %swap3A_276 = arith.index_cast %squeeze3A_264 : i32 to index
      %swap3A_277 = arith.constant 0 : index
      %swap3A_278 = tpu.vector_load %arg5[%swap3A_276, %swap3A_277] {strides = array<i32>} : memref<2500x16xf32, #tpu.memory_space<vmem>>, vector<1x16xf32>,
      %swap3A_279 = vector.shape_cast %swap3A_278 : vector<1x16xf32> to vector<16xf32>
      %swap3A_280 = vector.shape_cast %max3A_275 : vector<16xf32> to vector<1x16xf32>
      tpu.vector_store %arg5[%swap3A_276, %swap3A_277], %swap3A_280 {strides = array<i32>} : memref<2500x16xf32, #tpu.memory_space<vmem>>, vector<1x16xf32>,
      %slice3A_281 = vector.extract_strided_slice %get3A_121 {offsets = [9], sizes = [1], strides = [1]} : vector<16xi32> to vector<1xi32>
      %squeeze3A_282 = vector.extract %slice3A_281[0] : i32 from vector<1xi32>
      %get3A_283 = arith.index_cast %squeeze3A_282 : i32 to index
      %get3A_284 = arith.constant 0 : index
      %get3A_285 = tpu.vector_load %arg5[%get3A_283, %get3A_284] {strides = array<i32>} : memref<2500x16xf32, #tpu.memory_space<vmem>>, vector<1x16xf32>,
      %get3A_286 = vector.shape_cast %get3A_285 : vector<1x16xf32> to vector<16xf32>
      %add3A_287 = arith.constant 9 : i32
      %add3A_288 = arith.addi %multiple_of3A_119, %add3A_287 : i32
      %get3A_289 = arith.index_cast %add3A_288 : i32 to index
      %get3A_290 = arith.constant 0 : index
      %get3A_291 = tpu.vector_load %arg6[%get3A_289, %get3A_290] {strides = array<i32>} : memref<2504x16xf32, #tpu.memory_space<vmem>>, vector<1x16xf32>,
      %get3A_292 = vector.shape_cast %get3A_291 : vector<1x16xf32> to vector<16xf32>
      %max3A_293 = arith.maximumf %get3A_286, %get3A_292 : vector<16xf32>
      %swap3A_294 = arith.index_cast %squeeze3A_282 : i32 to index
      %swap3A_295 = arith.constant 0 : index
      %swap3A_296 = tpu.vector_load %arg5[%swap3A_294, %swap3A_295] {strides = array<i32>} : memref<2500x16xf32, #tpu.memory_space<vmem>>, vector<1x16xf32>,
      %swap3A_297 = vector.shape_cast %swap3A_296 : vector<1x16xf32> to vector<16xf32>
      %swap3A_298 = vector.shape_cast %max3A_293 : vector<16xf32> to vector<1x16xf32>
      tpu.vector_store %arg5[%swap3A_294, %swap3A_295], %swap3A_298 {strides = array<i32>} : memref<2500x16xf32, #tpu.memory_space<vmem>>, vector<1x16xf32>,
      %slice3A_299 = vector.extract_strided_slice %get3A_121 {offsets = [10], sizes = [1], strides = [1]} : vector<16xi32> to vector<1xi32>
      %squeeze3A_300 = vector.extract %slice3A_299[0] : i32 from vector<1xi32>
      %get3A_301 = arith.index_cast %squeeze3A_300 : i32 to index
      %get3A_302 = arith.constant 0 : index
      %get3A_303 = tpu.vector_load %arg5[%get3A_301, %get3A_302] {strides = array<i32>} : memref<2500x16xf32, #tpu.memory_space<vmem>>, vector<1x16xf32>,
      %get3A_304 = vector.shape_cast %get3A_303 : vector<1x16xf32> to vector<16xf32>
      %add3A_305 = arith.constant 10 : i32
      %add3A_306 = arith.addi %multiple_of3A_119, %add3A_305 : i32
      %get3A_307 = arith.index_cast %add3A_306 : i32 to index
      %get3A_308 = arith.constant 0 : index
      %get3A_309 = tpu.vector_load %arg6[%get3A_307, %get3A_308] {strides = array<i32>} : memref<2504x16xf32, #tpu.memory_space<vmem>>, vector<1x16xf32>,
      %get3A_310 = vector.shape_cast %get3A_309 : vector<1x16xf32> to vector<16xf32>
      %max3A_311 = arith.maximumf %get3A_304, %get3A_310 : vector<16xf32>
      %swap3A_312 = arith.index_cast %squeeze3A_300 : i32 to index
      %swap3A_313 = arith.constant 0 : index
      %swap3A_314 = tpu.vector_load %arg5[%swap3A_312, %swap3A_313] {strides = array<i32>} : memref<2500x16xf32, #tpu.memory_space<vmem>>, vector<1x16xf32>,
      %swap3A_315 = vector.shape_cast %swap3A_314 : vector<1x16xf32> to vector<16xf32>
      %swap3A_316 = vector.shape_cast %max3A_311 : vector<16xf32> to vector<1x16xf32>
      tpu.vector_store %arg5[%swap3A_312, %swap3A_313], %swap3A_316 {strides = array<i32>} : memref<2500x16xf32, #tpu.memory_space<vmem>>, vector<1x16xf32>,
      %slice3A_317 = vector.extract_strided_slice %get3A_121 {offsets = [11], sizes = [1], strides = [1]} : vector<16xi32> to vector<1xi32>
      %squeeze3A_318 = vector.extract %slice3A_317[0] : i32 from vector<1xi32>
      %get3A_319 = arith.index_cast %squeeze3A_318 : i32 to index
      %get3A_320 = arith.constant 0 : index
      %get3A_321 = tpu.vector_load %arg5[%get3A_319, %get3A_320] {strides = array<i32>} : memref<2500x16xf32, #tpu.memory_space<vmem>>, vector<1x16xf32>,
      %get3A_322 = vector.shape_cast %get3A_321 : vector<1x16xf32> to vector<16xf32>
      %add3A_323 = arith.constant 11 : i32
      %add3A_324 = arith.addi %multiple_of3A_119, %add3A_323 : i32
      %get3A_325 = arith.index_cast %add3A_324 : i32 to index
      %get3A_326 = arith.constant 0 : index
      %get3A_327 = tpu.vector_load %arg6[%get3A_325, %get3A_326] {strides = array<i32>} : memref<2504x16xf32, #tpu.memory_space<vmem>>, vector<1x16xf32>,
      %get3A_328 = vector.shape_cast %get3A_327 : vector<1x16xf32> to vector<16xf32>
      %max3A_329 = arith.maximumf %get3A_322, %get3A_328 : vector<16xf32>
      %swap3A_330 = arith.index_cast %squeeze3A_318 : i32 to index
      %swap3A_331 = arith.constant 0 : index
      %swap3A_332 = tpu.vector_load %arg5[%swap3A_330, %swap3A_331] {strides = array<i32>} : memref<2500x16xf32, #tpu.memory_space<vmem>>, vector<1x16xf32>,
      %swap3A_333 = vector.shape_cast %swap3A_332 : vector<1x16xf32> to vector<16xf32>
      %swap3A_334 = vector.shape_cast %max3A_329 : vector<16xf32> to vector<1x16xf32>
      tpu.vector_store %arg5[%swap3A_330, %swap3A_331], %swap3A_334 {strides = array<i32>} : memref<2500x16xf32, #tpu.memory_space<vmem>>, vector<1x16xf32>,
      %slice3A_335 = vector.extract_strided_slice %get3A_121 {offsets = [12], sizes = [1], strides = [1]} : vector<16xi32> to vector<1xi32>
      %squeeze3A_336 = vector.extract %slice3A_335[0] : i32 from vector<1xi32>
      %get3A_337 = arith.index_cast %squeeze3A_336 : i32 to index
      %get3A_338 = arith.constant 0 : index
      %get3A_339 = tpu.vector_load %arg5[%get3A_337, %get3A_338] {strides = array<i32>} : memref<2500x16xf32, #tpu.memory_space<vmem>>, vector<1x16xf32>,
      %get3A_340 = vector.shape_cast %get3A_339 : vector<1x16xf32> to vector<16xf32>
      %add3A_341 = arith.constant 12 : i32
      %add3A_342 = arith.addi %multiple_of3A_119, %add3A_341 : i32
      %get3A_343 = arith.index_cast %add3A_342 : i32 to index
      %get3A_344 = arith.constant 0 : index
      %get3A_345 = tpu.vector_load %arg6[%get3A_343, %get3A_344] {strides = array<i32>} : memref<2504x16xf32, #tpu.memory_space<vmem>>, vector<1x16xf32>,
      %get3A_346 = vector.shape_cast %get3A_345 : vector<1x16xf32> to vector<16xf32>
      %max3A_347 = arith.maximumf %get3A_340, %get3A_346 : vector<16xf32>
      %swap3A_348 = arith.index_cast %squeeze3A_336 : i32 to index
      %swap3A_349 = arith.constant 0 : index
      %swap3A_350 = tpu.vector_load %arg5[%swap3A_348, %swap3A_349] {strides = array<i32>} : memref<2500x16xf32, #tpu.memory_space<vmem>>, vector<1x16xf32>,
      %swap3A_351 = vector.shape_cast %swap3A_350 : vector<1x16xf32> to vector<16xf32>
      %swap3A_352 = vector.shape_cast %max3A_347 : vector<16xf32> to vector<1x16xf32>
      tpu.vector_store %arg5[%swap3A_348, %swap3A_349], %swap3A_352 {strides = array<i32>} : memref<2500x16xf32, #tpu.memory_space<vmem>>, vector<1x16xf32>,
      %slice3A_353 = vector.extract_strided_slice %get3A_121 {offsets = [13], sizes = [1], strides = [1]} : vector<16xi32> to vector<1xi32>
      %squeeze3A_354 = vector.extract %slice3A_353[0] : i32 from vector<1xi32>
      %get3A_355 = arith.index_cast %squeeze3A_354 : i32 to index
      %get3A_356 = arith.constant 0 : index
      %get3A_357 = tpu.vector_load %arg5[%get3A_355, %get3A_356] {strides = array<i32>} : memref<2500x16xf32, #tpu.memory_space<vmem>>, vector<1x16xf32>,
      %get3A_358 = vector.shape_cast %get3A_357 : vector<1x16xf32> to vector<16xf32>
      %add3A_359 = arith.constant 13 : i32
      %add3A_360 = arith.addi %multiple_of3A_119, %add3A_359 : i32
      %get3A_361 = arith.index_cast %add3A_360 : i32 to index
      %get3A_362 = arith.constant 0 : index
      %get3A_363 = tpu.vector_load %arg6[%get3A_361, %get3A_362] {strides = array<i32>} : memref<2504x16xf32, #tpu.memory_space<vmem>>, vector<1x16xf32>,
      %get3A_364 = vector.shape_cast %get3A_363 : vector<1x16xf32> to vector<16xf32>
      %max3A_365 = arith.maximumf %get3A_358, %get3A_364 : vector<16xf32>
      %swap3A_366 = arith.index_cast %squeeze3A_354 : i32 to index
      %swap3A_367 = arith.constant 0 : index
      %swap3A_368 = tpu.vector_load %arg5[%swap3A_366, %swap3A_367] {strides = array<i32>} : memref<2500x16xf32, #tpu.memory_space<vmem>>, vector<1x16xf32>,
      %swap3A_369 = vector.shape_cast %swap3A_368 : vector<1x16xf32> to vector<16xf32>
      %swap3A_370 = vector.shape_cast %max3A_365 : vector<16xf32> to vector<1x16xf32>
      tpu.vector_store %arg5[%swap3A_366, %swap3A_367], %swap3A_370 {strides = array<i32>} : memref<2500x16xf32, #tpu.memory_space<vmem>>, vector<1x16xf32>,
      %slice3A_371 = vector.extract_strided_slice %get3A_121 {offsets = [14], sizes = [1], strides = [1]} : vector<16xi32> to vector<1xi32>
      %squeeze3A_372 = vector.extract %slice3A_371[0] : i32 from vector<1xi32>
      %get3A_373 = arith.index_cast %squeeze3A_372 : i32 to index
      %get3A_374 = arith.constant 0 : index
      %get3A_375 = tpu.vector_load %arg5[%get3A_373, %get3A_374] {strides = array<i32>} : memref<2500x16xf32, #tpu.memory_space<vmem>>, vector<1x16xf32>,
      %get3A_376 = vector.shape_cast %get3A_375 : vector<1x16xf32> to vector<16xf32>
      %add3A_377 = arith.constant 14 : i32
      %add3A_378 = arith.addi %multiple_of3A_119, %add3A_377 : i32
      %get3A_379 = arith.index_cast %add3A_378 : i32 to index
      %get3A_380 = arith.constant 0 : index
      %get3A_381 = tpu.vector_load %arg6[%get3A_379, %get3A_380] {strides = array<i32>} : memref<2504x16xf32, #tpu.memory_space<vmem>>, vector<1x16xf32>,
      %get3A_382 = vector.shape_cast %get3A_381 : vector<1x16xf32> to vector<16xf32>
      %max3A_383 = arith.maximumf %get3A_376, %get3A_382 : vector<16xf32>
      %swap3A_384 = arith.index_cast %squeeze3A_372 : i32 to index
      %swap3A_385 = arith.constant 0 : index
      %swap3A_386 = tpu.vector_load %arg5[%swap3A_384, %swap3A_385] {strides = array<i32>} : memref<2500x16xf32, #tpu.memory_space<vmem>>, vector<1x16xf32>,
      %swap3A_387 = vector.shape_cast %swap3A_386 : vector<1x16xf32> to vector<16xf32>
      %swap3A_388 = vector.shape_cast %max3A_383 : vector<16xf32> to vector<1x16xf32>
      tpu.vector_store %arg5[%swap3A_384, %swap3A_385], %swap3A_388 {strides = array<i32>} : memref<2500x16xf32, #tpu.memory_space<vmem>>, vector<1x16xf32>,
      %slice3A_389 = vector.extract_strided_slice %get3A_121 {offsets = [15], sizes = [1], strides = [1]} : vector<16xi32> to vector<1xi32>
      %squeeze3A_390 = vector.extract %slice3A_389[0] : i32 from vector<1xi32>
      %get3A_391 = arith.index_cast %squeeze3A_390 : i32 to index
      %get3A_392 = arith.constant 0 : index
      %get3A_393 = tpu.vector_load %arg5[%get3A_391, %get3A_392] {strides = array<i32>} : memref<2500x16xf32, #tpu.memory_space<vmem>>, vector<1x16xf32>,
      %get3A_394 = vector.shape_cast %get3A_393 : vector<1x16xf32> to vector<16xf32>
      %add3A_395 = arith.constant 15 : i32
      %add3A_396 = arith.addi %multiple_of3A_119, %add3A_395 : i32
      %get3A_397 = arith.index_cast %add3A_396 : i32 to index
      %get3A_398 = arith.constant 0 : index
      %get3A_399 = tpu.vector_load %arg6[%get3A_397, %get3A_398] {strides = array<i32>} : memref<2504x16xf32, #tpu.memory_space<vmem>>, vector<1x16xf32>,
      %get3A_400 = vector.shape_cast %get3A_399 : vector<1x16xf32> to vector<16xf32>
      %max3A_401 = arith.maximumf %get3A_394, %get3A_400 : vector<16xf32>
      %swap3A_402 = arith.index_cast %squeeze3A_390 : i32 to index
      %swap3A_403 = arith.constant 0 : index
      %swap3A_404 = tpu.vector_load %arg5[%swap3A_402, %swap3A_403] {strides = array<i32>} : memref<2500x16xf32, #tpu.memory_space<vmem>>, vector<1x16xf32>,
      %swap3A_405 = vector.shape_cast %swap3A_404 : vector<1x16xf32> to vector<16xf32>
      %swap3A_406 = vector.shape_cast %max3A_401 : vector<16xf32> to vector<1x16xf32>
      tpu.vector_store %arg5[%swap3A_402, %swap3A_403], %swap3A_406 {strides = array<i32>} : memref<2500x16xf32, #tpu.memory_space<vmem>>, vector<1x16xf32>,
      %scan3A_407 = arith.constant 0 : i32
      scf.yield %scan3A_407 : i32
    }
    %scan3A_105 = arith.constant 157 : i32
    %eq3A_106 = arith.constant 1 : i32
    %eq3A_107 = arith.cmpi eq, %select_n3A_28, %eq3A_106 : i32
    %convert_element_type3A = arith.extui %eq3A_107 : i1 to i32
    %cond3A = arith.constant 0 : i32
    %cond3A_108 = arith.cmpi ne, %convert_element_type3A, %cond3A : i32
    scf.if %cond3A_108 {
      "tpu.region"() ({
        %run_scoped3A = tpu.sem_alloc : memref<!tpu.dma_semaphore, #tpu.memory_space<semaphore_mem>>
        %dma_start3A = arith.constant 0 : i32
        %dma_start3A_114 = arith.constant 0 : i32
        %dma_start3A_115 = tpu.memref_slice %arg8[%select_n3A_7, %dma_start3A, %dma_start3A_114] : memref<8x2500x16xf32, #tpu.memory_space<vmem_shared>> -> memref<1x2500x16xf32, #tpu.memory_space<vmem_shared>>
        %dma_start3A_116 = tpu.memref_squeeze %dma_start3A_115 : memref<1x2500x16xf32, #tpu.memory_space<vmem_shared>> -> memref<2500x16xf32, #tpu.memory_space<vmem_shared>>
        %dma_start3A_117 = arith.constant 0 : i32
        %dma_start3A_118 = arith.constant 0 : i32
        %dma_start3A_119 = tpu.memref_slice %arg8[%select_n3A_7, %dma_start3A_117, %dma_start3A_118] : memref<8x2500x16xf32, #tpu.memory_space<vmem_shared>> -> memref<1x2500x16xf32, #tpu.memory_space<vmem_shared>>
        %dma_start3A_120 = tpu.memref_squeeze %dma_start3A_119 : memref<1x2500x16xf32, #tpu.memory_space<vmem_shared>> -> memref<2500x16xf32, #tpu.memory_space<vmem_shared>>
        tpu.enqueue_dma source(%arg5 : memref<2500x16xf32, #tpu.memory_space<vmem>>) target(%dma_start3A_120 : memref<2500x16xf32, #tpu.memory_space<vmem_shared>>) target_semaphore(%run_scoped3A : memref<!tpu.dma_semaphore, #tpu.memory_space<semaphore_mem>>)
        %dma_wait3A = arith.constant 0 : i32
        %dma_wait3A_121 = arith.constant 0 : i32
        %dma_wait3A_122 = tpu.memref_slice %arg8[%select_n3A_7, %dma_wait3A, %dma_wait3A_121] : memref<8x2500x16xf32, #tpu.memory_space<vmem_shared>> -> memref<1x2500x16xf32, #tpu.memory_space<vmem_shared>>
        %dma_wait3A_123 = tpu.memref_squeeze %dma_wait3A_122 : memref<1x2500x16xf32, #tpu.memory_space<vmem_shared>> -> memref<2500x16xf32, #tpu.memory_space<vmem_shared>>
        %dma_wait3A_124 = arith.constant 0 : i32
        %dma_wait3A_125 = arith.constant 0 : i32
        %dma_wait3A_126 = tpu.memref_slice %arg8[%select_n3A_7, %dma_wait3A_124, %dma_wait3A_125] : memref<8x2500x16xf32, #tpu.memory_space<vmem_shared>> -> memref<1x2500x16xf32, #tpu.memory_space<vmem_shared>>
        %dma_wait3A_127 = tpu.memref_squeeze %dma_wait3A_126 : memref<1x2500x16xf32, #tpu.memory_space<vmem_shared>> -> memref<2500x16xf32, #tpu.memory_space<vmem_shared>>
        tpu.wait_dma2 semaphore(%run_scoped3A : memref<!tpu.dma_semaphore, #tpu.memory_space<semaphore_mem>>) src(%arg5 : memref<2500x16xf32, #tpu.memory_space<vmem>>) dst(%dma_wait3A_127 : memref<2500x16xf32, #tpu.memory_space<vmem_shared>>)
        tpu.yield
      }) : () -> ()
    } else {
    }
    %barrier3A = arith.constant 0 : index
    tpu.barrier barrier_id(%barrier3A)
    %eq3A_109 = arith.constant 0 : i32
    %eq3A_110 = arith.cmpi eq, %select_n3A_28, %eq3A_109 : i32
    %convert_element_type3A_111 = arith.extui %eq3A_110 : i1 to i32
    %cond3A_112 = arith.constant 0 : i32
    %cond3A_113 = arith.cmpi ne, %convert_element_type3A_111, %cond3A_112 : i32
    scf.if %cond3A_113 {
      "tpu.region"() ({
        %run_scoped3A = tpu.sem_alloc : memref<!tpu.dma_semaphore, #tpu.memory_space<semaphore_mem>>
        %dma_start3A = arith.constant 0 : i32
        %dma_start3A_187 = arith.constant 0 : i32
        %dma_start3A_188 = tpu.memref_slice %arg6[%dma_start3A, %dma_start3A_187] : memref<2504x16xf32, #tpu.memory_space<vmem>> -> memref<2500x16xf32, #tpu.memory_space<vmem>>
        %dma_start3A_189 = arith.constant 0 : i32
        %dma_start3A_190 = arith.constant 0 : i32
        %dma_start3A_191 = tpu.memref_slice %arg8[%select_n3A_7, %dma_start3A_189, %dma_start3A_190] : memref<8x2500x16xf32, #tpu.memory_space<vmem_shared>> -> memref<1x2500x16xf32, #tpu.memory_space<vmem_shared>>
        %dma_start3A_192 = tpu.memref_squeeze %dma_start3A_191 : memref<1x2500x16xf32, #tpu.memory_space<vmem_shared>> -> memref<2500x16xf32, #tpu.memory_space<vmem_shared>>
        %dma_start3A_193 = arith.constant 0 : i32
        %dma_start3A_194 = arith.constant 0 : i32
        %dma_start3A_195 = tpu.memref_slice %arg6[%dma_start3A_193, %dma_start3A_194] : memref<2504x16xf32, #tpu.memory_space<vmem>> -> memref<2500x16xf32, #tpu.memory_space<vmem>>
        %dma_start3A_196 = arith.constant 0 : i32
        %dma_start3A_197 = arith.constant 0 : i32
        %dma_start3A_198 = tpu.memref_slice %arg8[%select_n3A_7, %dma_start3A_196, %dma_start3A_197] : memref<8x2500x16xf32, #tpu.memory_space<vmem_shared>> -> memref<1x2500x16xf32, #tpu.memory_space<vmem_shared>>
        %dma_start3A_199 = tpu.memref_squeeze %dma_start3A_198 : memref<1x2500x16xf32, #tpu.memory_space<vmem_shared>> -> memref<2500x16xf32, #tpu.memory_space<vmem_shared>>
        tpu.enqueue_dma source(%dma_start3A_199 : memref<2500x16xf32, #tpu.memory_space<vmem_shared>>) target(%dma_start3A_195 : memref<2500x16xf32, #tpu.memory_space<vmem>>) target_semaphore(%run_scoped3A : memref<!tpu.dma_semaphore, #tpu.memory_space<semaphore_mem>>)
        %dma_wait3A = arith.constant 0 : i32
        %dma_wait3A_200 = arith.constant 0 : i32
        %dma_wait3A_201 = tpu.memref_slice %arg6[%dma_wait3A, %dma_wait3A_200] : memref<2504x16xf32, #tpu.memory_space<vmem>> -> memref<2500x16xf32, #tpu.memory_space<vmem>>
        %dma_wait3A_202 = arith.constant 0 : i32
        %dma_wait3A_203 = arith.constant 0 : i32
        %dma_wait3A_204 = tpu.memref_slice %arg8[%select_n3A_7, %dma_wait3A_202, %dma_wait3A_203] : memref<8x2500x16xf32, #tpu.memory_space<vmem_shared>> -> memref<1x2500x16xf32, #tpu.memory_space<vmem_shared>>
        %dma_wait3A_205 = tpu.memref_squeeze %dma_wait3A_204 : memref<1x2500x16xf32, #tpu.memory_space<vmem_shared>> -> memref<2500x16xf32, #tpu.memory_space<vmem_shared>>
        %dma_wait3A_206 = arith.constant 0 : i32
        %dma_wait3A_207 = arith.constant 0 : i32
        %dma_wait3A_208 = tpu.memref_slice %arg6[%dma_wait3A_206, %dma_wait3A_207] : memref<2504x16xf32, #tpu.memory_space<vmem>> -> memref<2500x16xf32, #tpu.memory_space<vmem>>
        %dma_wait3A_209 = arith.constant 0 : i32
        %dma_wait3A_210 = arith.constant 0 : i32
        %dma_wait3A_211 = tpu.memref_slice %arg8[%select_n3A_7, %dma_wait3A_209, %dma_wait3A_210] : memref<8x2500x16xf32, #tpu.memory_space<vmem_shared>> -> memref<1x2500x16xf32, #tpu.memory_space<vmem_shared>>
        %dma_wait3A_212 = tpu.memref_squeeze %dma_wait3A_211 : memref<1x2500x16xf32, #tpu.memory_space<vmem_shared>> -> memref<2500x16xf32, #tpu.memory_space<vmem_shared>>
        tpu.wait_dma2 semaphore(%run_scoped3A : memref<!tpu.dma_semaphore, #tpu.memory_space<semaphore_mem>>) src(%dma_wait3A_212 : memref<2500x16xf32, #tpu.memory_space<vmem_shared>>) dst(%dma_wait3A_208 : memref<2500x16xf32, #tpu.memory_space<vmem>>)
        tpu.yield
      }) : () -> ()
      %scan3A_114 = arith.constant 0 : i32
      %scan3A_115 = arith.constant 0 : i32
      %scan3A_116 = arith.constant 2496 : i32
      %scan3A_117 = arith.addi %scan3A_115, %scan3A_116 : i32
      %scan3A_118 = arith.constant 8 : i32
      %scan3A_119 = scf.for %scan3A_187 = %scan3A_115 to %scan3A_117 step %scan3A_118 iter_args(%scan3A_188 = %scan3A_114) -> (i32)  : i32 {
        %get3A_189 = arith.index_cast %scan3A_187 : i32 to index
        %get3A_190 = arith.constant 0 : index
        %get3A_191 = tpu.vector_load %arg5[%get3A_189, %get3A_190] {strides = array<i32>} : memref<2500x16xf32, #tpu.memory_space<vmem>>, vector<1x16xf32>,
        %get3A_192 = vector.shape_cast %get3A_191 : vector<1x16xf32> to vector<16xf32>
        %get3A_193 = arith.index_cast %scan3A_187 : i32 to index
        %get3A_194 = arith.constant 0 : index
        %get3A_195 = tpu.vector_load %arg6[%get3A_193, %get3A_194] {strides = array<i32>} : memref<2504x16xf32, #tpu.memory_space<vmem>>, vector<1x16xf32>,
        %get3A_196 = vector.shape_cast %get3A_195 : vector<1x16xf32> to vector<16xf32>
        %max3A_197 = arith.maximumf %get3A_192, %get3A_196 : vector<16xf32>
        %swap3A_198 = arith.index_cast %scan3A_187 : i32 to index
        %swap3A_199 = arith.constant 0 : index
        %swap3A_200 = tpu.vector_load %arg5[%swap3A_198, %swap3A_199] {strides = array<i32>} : memref<2500x16xf32, #tpu.memory_space<vmem>>, vector<1x16xf32>,
        %swap3A_201 = vector.shape_cast %swap3A_200 : vector<1x16xf32> to vector<16xf32>
        %swap3A_202 = vector.shape_cast %max3A_197 : vector<16xf32> to vector<1x16xf32>
        tpu.vector_store %arg5[%swap3A_198, %swap3A_199], %swap3A_202 {strides = array<i32>} : memref<2500x16xf32, #tpu.memory_space<vmem>>, vector<1x16xf32>,
        %scan3A_203 = arith.constant 0 : i32
        %scan3A_204 = arith.constant 1 : i32
        %scan3A_205 = arith.addi %scan3A_187, %scan3A_204 : i32
        %get3A_206 = arith.index_cast %scan3A_205 : i32 to index
        %get3A_207 = arith.constant 0 : index
        %get3A_208 = tpu.vector_load %arg5[%get3A_206, %get3A_207] {strides = array<i32>} : memref<2500x16xf32, #tpu.memory_space<vmem>>, vector<1x16xf32>,
        %get3A_209 = vector.shape_cast %get3A_208 : vector<1x16xf32> to vector<16xf32>
        %get3A_210 = arith.index_cast %scan3A_205 : i32 to index
        %get3A_211 = arith.constant 0 : index
        %get3A_212 = tpu.vector_load %arg6[%get3A_210, %get3A_211] {strides = array<i32>} : memref<2504x16xf32, #tpu.memory_space<vmem>>, vector<1x16xf32>,
        %get3A_213 = vector.shape_cast %get3A_212 : vector<1x16xf32> to vector<16xf32>
        %max3A_214 = arith.maximumf %get3A_209, %get3A_213 : vector<16xf32>
        %swap3A_215 = arith.index_cast %scan3A_205 : i32 to index
        %swap3A_216 = arith.constant 0 : index
        %swap3A_217 = tpu.vector_load %arg5[%swap3A_215, %swap3A_216] {strides = array<i32>} : memref<2500x16xf32, #tpu.memory_space<vmem>>, vector<1x16xf32>,
        %swap3A_218 = vector.shape_cast %swap3A_217 : vector<1x16xf32> to vector<16xf32>
        %swap3A_219 = vector.shape_cast %max3A_214 : vector<16xf32> to vector<1x16xf32>
        tpu.vector_store %arg5[%swap3A_215, %swap3A_216], %swap3A_219 {strides = array<i32>} : memref<2500x16xf32, #tpu.memory_space<vmem>>, vector<1x16xf32>,
        %scan3A_220 = arith.constant 0 : i32
        %scan3A_221 = arith.constant 2 : i32
        %scan3A_222 = arith.addi %scan3A_187, %scan3A_221 : i32
        %get3A_223 = arith.index_cast %scan3A_222 : i32 to index
        %get3A_224 = arith.constant 0 : index
        %get3A_225 = tpu.vector_load %arg5[%get3A_223, %get3A_224] {strides = array<i32>} : memref<2500x16xf32, #tpu.memory_space<vmem>>, vector<1x16xf32>,
        %get3A_226 = vector.shape_cast %get3A_225 : vector<1x16xf32> to vector<16xf32>
        %get3A_227 = arith.index_cast %scan3A_222 : i32 to index
        %get3A_228 = arith.constant 0 : index
        %get3A_229 = tpu.vector_load %arg6[%get3A_227, %get3A_228] {strides = array<i32>} : memref<2504x16xf32, #tpu.memory_space<vmem>>, vector<1x16xf32>,
        %get3A_230 = vector.shape_cast %get3A_229 : vector<1x16xf32> to vector<16xf32>
        %max3A_231 = arith.maximumf %get3A_226, %get3A_230 : vector<16xf32>
        %swap3A_232 = arith.index_cast %scan3A_222 : i32 to index
        %swap3A_233 = arith.constant 0 : index
        %swap3A_234 = tpu.vector_load %arg5[%swap3A_232, %swap3A_233] {strides = array<i32>} : memref<2500x16xf32, #tpu.memory_space<vmem>>, vector<1x16xf32>,
        %swap3A_235 = vector.shape_cast %swap3A_234 : vector<1x16xf32> to vector<16xf32>
        %swap3A_236 = vector.shape_cast %max3A_231 : vector<16xf32> to vector<1x16xf32>
        tpu.vector_store %arg5[%swap3A_232, %swap3A_233], %swap3A_236 {strides = array<i32>} : memref<2500x16xf32, #tpu.memory_space<vmem>>, vector<1x16xf32>,
        %scan3A_237 = arith.constant 0 : i32
        %scan3A_238 = arith.constant 3 : i32
        %scan3A_239 = arith.addi %scan3A_187, %scan3A_238 : i32
        %get3A_240 = arith.index_cast %scan3A_239 : i32 to index
        %get3A_241 = arith.constant 0 : index
        %get3A_242 = tpu.vector_load %arg5[%get3A_240, %get3A_241] {strides = array<i32>} : memref<2500x16xf32, #tpu.memory_space<vmem>>, vector<1x16xf32>,
        %get3A_243 = vector.shape_cast %get3A_242 : vector<1x16xf32> to vector<16xf32>
        %get3A_244 = arith.index_cast %scan3A_239 : i32 to index
        %get3A_245 = arith.constant 0 : index
        %get3A_246 = tpu.vector_load %arg6[%get3A_244, %get3A_245] {strides = array<i32>} : memref<2504x16xf32, #tpu.memory_space<vmem>>, vector<1x16xf32>,
        %get3A_247 = vector.shape_cast %get3A_246 : vector<1x16xf32> to vector<16xf32>
        %max3A_248 = arith.maximumf %get3A_243, %get3A_247 : vector<16xf32>
        %swap3A_249 = arith.index_cast %scan3A_239 : i32 to index
        %swap3A_250 = arith.constant 0 : index
        %swap3A_251 = tpu.vector_load %arg5[%swap3A_249, %swap3A_250] {strides = array<i32>} : memref<2500x16xf32, #tpu.memory_space<vmem>>, vector<1x16xf32>,
        %swap3A_252 = vector.shape_cast %swap3A_251 : vector<1x16xf32> to vector<16xf32>
        %swap3A_253 = vector.shape_cast %max3A_248 : vector<16xf32> to vector<1x16xf32>
        tpu.vector_store %arg5[%swap3A_249, %swap3A_250], %swap3A_253 {strides = array<i32>} : memref<2500x16xf32, #tpu.memory_space<vmem>>, vector<1x16xf32>,
        %scan3A_254 = arith.constant 0 : i32
        %scan3A_255 = arith.constant 4 : i32
        %scan3A_256 = arith.addi %scan3A_187, %scan3A_255 : i32
        %get3A_257 = arith.index_cast %scan3A_256 : i32 to index
        %get3A_258 = arith.constant 0 : index
        %get3A_259 = tpu.vector_load %arg5[%get3A_257, %get3A_258] {strides = array<i32>} : memref<2500x16xf32, #tpu.memory_space<vmem>>, vector<1x16xf32>,
        %get3A_260 = vector.shape_cast %get3A_259 : vector<1x16xf32> to vector<16xf32>
        %get3A_261 = arith.index_cast %scan3A_256 : i32 to index
        %get3A_262 = arith.constant 0 : index
        %get3A_263 = tpu.vector_load %arg6[%get3A_261, %get3A_262] {strides = array<i32>} : memref<2504x16xf32, #tpu.memory_space<vmem>>, vector<1x16xf32>,
        %get3A_264 = vector.shape_cast %get3A_263 : vector<1x16xf32> to vector<16xf32>
        %max3A_265 = arith.maximumf %get3A_260, %get3A_264 : vector<16xf32>
        %swap3A_266 = arith.index_cast %scan3A_256 : i32 to index
        %swap3A_267 = arith.constant 0 : index
        %swap3A_268 = tpu.vector_load %arg5[%swap3A_266, %swap3A_267] {strides = array<i32>} : memref<2500x16xf32, #tpu.memory_space<vmem>>, vector<1x16xf32>,
        %swap3A_269 = vector.shape_cast %swap3A_268 : vector<1x16xf32> to vector<16xf32>
        %swap3A_270 = vector.shape_cast %max3A_265 : vector<16xf32> to vector<1x16xf32>
        tpu.vector_store %arg5[%swap3A_266, %swap3A_267], %swap3A_270 {strides = array<i32>} : memref<2500x16xf32, #tpu.memory_space<vmem>>, vector<1x16xf32>,
        %scan3A_271 = arith.constant 0 : i32
        %scan3A_272 = arith.constant 5 : i32
        %scan3A_273 = arith.addi %scan3A_187, %scan3A_272 : i32
        %get3A_274 = arith.index_cast %scan3A_273 : i32 to index
        %get3A_275 = arith.constant 0 : index
        %get3A_276 = tpu.vector_load %arg5[%get3A_274, %get3A_275] {strides = array<i32>} : memref<2500x16xf32, #tpu.memory_space<vmem>>, vector<1x16xf32>,
        %get3A_277 = vector.shape_cast %get3A_276 : vector<1x16xf32> to vector<16xf32>
        %get3A_278 = arith.index_cast %scan3A_273 : i32 to index
        %get3A_279 = arith.constant 0 : index
        %get3A_280 = tpu.vector_load %arg6[%get3A_278, %get3A_279] {strides = array<i32>} : memref<2504x16xf32, #tpu.memory_space<vmem>>, vector<1x16xf32>,
        %get3A_281 = vector.shape_cast %get3A_280 : vector<1x16xf32> to vector<16xf32>
        %max3A_282 = arith.maximumf %get3A_277, %get3A_281 : vector<16xf32>
        %swap3A_283 = arith.index_cast %scan3A_273 : i32 to index
        %swap3A_284 = arith.constant 0 : index
        %swap3A_285 = tpu.vector_load %arg5[%swap3A_283, %swap3A_284] {strides = array<i32>} : memref<2500x16xf32, #tpu.memory_space<vmem>>, vector<1x16xf32>,
        %swap3A_286 = vector.shape_cast %swap3A_285 : vector<1x16xf32> to vector<16xf32>
        %swap3A_287 = vector.shape_cast %max3A_282 : vector<16xf32> to vector<1x16xf32>
        tpu.vector_store %arg5[%swap3A_283, %swap3A_284], %swap3A_287 {strides = array<i32>} : memref<2500x16xf32, #tpu.memory_space<vmem>>, vector<1x16xf32>,
        %scan3A_288 = arith.constant 0 : i32
        %scan3A_289 = arith.constant 6 : i32
        %scan3A_290 = arith.addi %scan3A_187, %scan3A_289 : i32
        %get3A_291 = arith.index_cast %scan3A_290 : i32 to index
        %get3A_292 = arith.constant 0 : index
        %get3A_293 = tpu.vector_load %arg5[%get3A_291, %get3A_292] {strides = array<i32>} : memref<2500x16xf32, #tpu.memory_space<vmem>>, vector<1x16xf32>,
        %get3A_294 = vector.shape_cast %get3A_293 : vector<1x16xf32> to vector<16xf32>
        %get3A_295 = arith.index_cast %scan3A_290 : i32 to index
        %get3A_296 = arith.constant 0 : index
        %get3A_297 = tpu.vector_load %arg6[%get3A_295, %get3A_296] {strides = array<i32>} : memref<2504x16xf32, #tpu.memory_space<vmem>>, vector<1x16xf32>,
        %get3A_298 = vector.shape_cast %get3A_297 : vector<1x16xf32> to vector<16xf32>
        %max3A_299 = arith.maximumf %get3A_294, %get3A_298 : vector<16xf32>
        %swap3A_300 = arith.index_cast %scan3A_290 : i32 to index
        %swap3A_301 = arith.constant 0 : index
        %swap3A_302 = tpu.vector_load %arg5[%swap3A_300, %swap3A_301] {strides = array<i32>} : memref<2500x16xf32, #tpu.memory_space<vmem>>, vector<1x16xf32>,
        %swap3A_303 = vector.shape_cast %swap3A_302 : vector<1x16xf32> to vector<16xf32>
        %swap3A_304 = vector.shape_cast %max3A_299 : vector<16xf32> to vector<1x16xf32>
        tpu.vector_store %arg5[%swap3A_300, %swap3A_301], %swap3A_304 {strides = array<i32>} : memref<2500x16xf32, #tpu.memory_space<vmem>>, vector<1x16xf32>,
        %scan3A_305 = arith.constant 0 : i32
        %scan3A_306 = arith.constant 7 : i32
        %scan3A_307 = arith.addi %scan3A_187, %scan3A_306 : i32
        %get3A_308 = arith.index_cast %scan3A_307 : i32 to index
        %get3A_309 = arith.constant 0 : index
        %get3A_310 = tpu.vector_load %arg5[%get3A_308, %get3A_309] {strides = array<i32>} : memref<2500x16xf32, #tpu.memory_space<vmem>>, vector<1x16xf32>,
        %get3A_311 = vector.shape_cast %get3A_310 : vector<1x16xf32> to vector<16xf32>
        %get3A_312 = arith.index_cast %scan3A_307 : i32 to index
        %get3A_313 = arith.constant 0 : index
        %get3A_314 = tpu.vector_load %arg6[%get3A_312, %get3A_313] {strides = array<i32>} : memref<2504x16xf32, #tpu.memory_space<vmem>>, vector<1x16xf32>,
        %get3A_315 = vector.shape_cast %get3A_314 : vector<1x16xf32> to vector<16xf32>
        %max3A_316 = arith.maximumf %get3A_311, %get3A_315 : vector<16xf32>
        %swap3A_317 = arith.index_cast %scan3A_307 : i32 to index
        %swap3A_318 = arith.constant 0 : index
        %swap3A_319 = tpu.vector_load %arg5[%swap3A_317, %swap3A_318] {strides = array<i32>} : memref<2500x16xf32, #tpu.memory_space<vmem>>, vector<1x16xf32>,
        %swap3A_320 = vector.shape_cast %swap3A_319 : vector<1x16xf32> to vector<16xf32>
        %swap3A_321 = vector.shape_cast %max3A_316 : vector<16xf32> to vector<1x16xf32>
        tpu.vector_store %arg5[%swap3A_317, %swap3A_318], %swap3A_321 {strides = array<i32>} : memref<2500x16xf32, #tpu.memory_space<vmem>>, vector<1x16xf32>,
        %scan3A_322 = arith.constant 0 : i32
        scf.yield %scan3A_322 : i32
      }
      %scan3A_120 = arith.constant 2496 : i32
      %scan3A_121 = arith.addi %scan3A_115, %scan3A_120 : i32
      %get3A = arith.index_cast %scan3A_121 : i32 to index
      %get3A_122 = arith.constant 0 : index
      %get3A_123 = tpu.vector_load %arg5[%get3A, %get3A_122] {strides = array<i32>} : memref<2500x16xf32, #tpu.memory_space<vmem>>, vector<1x16xf32>,
      %get3A_124 = vector.shape_cast %get3A_123 : vector<1x16xf32> to vector<16xf32>
      %get3A_125 = arith.index_cast %scan3A_121 : i32 to index
      %get3A_126 = arith.constant 0 : index
      %get3A_127 = tpu.vector_load %arg6[%get3A_125, %get3A_126] {strides = array<i32>} : memref<2504x16xf32, #tpu.memory_space<vmem>>, vector<1x16xf32>,
      %get3A_128 = vector.shape_cast %get3A_127 : vector<1x16xf32> to vector<16xf32>
      %max3A = arith.maximumf %get3A_124, %get3A_128 : vector<16xf32>
      %swap3A_129 = arith.index_cast %scan3A_121 : i32 to index
      %swap3A_130 = arith.constant 0 : index
      %swap3A_131 = tpu.vector_load %arg5[%swap3A_129, %swap3A_130] {strides = array<i32>} : memref<2500x16xf32, #tpu.memory_space<vmem>>, vector<1x16xf32>,
      %swap3A_132 = vector.shape_cast %swap3A_131 : vector<1x16xf32> to vector<16xf32>
      %swap3A_133 = vector.shape_cast %max3A : vector<16xf32> to vector<1x16xf32>
      tpu.vector_store %arg5[%swap3A_129, %swap3A_130], %swap3A_133 {strides = array<i32>} : memref<2500x16xf32, #tpu.memory_space<vmem>>, vector<1x16xf32>,
      %scan3A_134 = arith.constant 0 : i32
      %scan3A_135 = arith.constant 2497 : i32
      %scan3A_136 = arith.addi %scan3A_115, %scan3A_135 : i32
      %get3A_137 = arith.index_cast %scan3A_136 : i32 to index
      %get3A_138 = arith.constant 0 : index
      %get3A_139 = tpu.vector_load %arg5[%get3A_137, %get3A_138] {strides = array<i32>} : memref<2500x16xf32, #tpu.memory_space<vmem>>, vector<1x16xf32>,
      %get3A_140 = vector.shape_cast %get3A_139 : vector<1x16xf32> to vector<16xf32>
      %get3A_141 = arith.index_cast %scan3A_136 : i32 to index
      %get3A_142 = arith.constant 0 : index
      %get3A_143 = tpu.vector_load %arg6[%get3A_141, %get3A_142] {strides = array<i32>} : memref<2504x16xf32, #tpu.memory_space<vmem>>, vector<1x16xf32>,
      %get3A_144 = vector.shape_cast %get3A_143 : vector<1x16xf32> to vector<16xf32>
      %max3A_145 = arith.maximumf %get3A_140, %get3A_144 : vector<16xf32>
      %swap3A_146 = arith.index_cast %scan3A_136 : i32 to index
      %swap3A_147 = arith.constant 0 : index
      %swap3A_148 = tpu.vector_load %arg5[%swap3A_146, %swap3A_147] {strides = array<i32>} : memref<2500x16xf32, #tpu.memory_space<vmem>>, vector<1x16xf32>,
      %swap3A_149 = vector.shape_cast %swap3A_148 : vector<1x16xf32> to vector<16xf32>
      %swap3A_150 = vector.shape_cast %max3A_145 : vector<16xf32> to vector<1x16xf32>
      tpu.vector_store %arg5[%swap3A_146, %swap3A_147], %swap3A_150 {strides = array<i32>} : memref<2500x16xf32, #tpu.memory_space<vmem>>, vector<1x16xf32>,
      %scan3A_151 = arith.constant 0 : i32
      %scan3A_152 = arith.constant 2498 : i32
      %scan3A_153 = arith.addi %scan3A_115, %scan3A_152 : i32
      %get3A_154 = arith.index_cast %scan3A_153 : i32 to index
      %get3A_155 = arith.constant 0 : index
      %get3A_156 = tpu.vector_load %arg5[%get3A_154, %get3A_155] {strides = array<i32>} : memref<2500x16xf32, #tpu.memory_space<vmem>>, vector<1x16xf32>,
      %get3A_157 = vector.shape_cast %get3A_156 : vector<1x16xf32> to vector<16xf32>
      %get3A_158 = arith.index_cast %scan3A_153 : i32 to index
      %get3A_159 = arith.constant 0 : index
      %get3A_160 = tpu.vector_load %arg6[%get3A_158, %get3A_159] {strides = array<i32>} : memref<2504x16xf32, #tpu.memory_space<vmem>>, vector<1x16xf32>,
      %get3A_161 = vector.shape_cast %get3A_160 : vector<1x16xf32> to vector<16xf32>
      %max3A_162 = arith.maximumf %get3A_157, %get3A_161 : vector<16xf32>
      %swap3A_163 = arith.index_cast %scan3A_153 : i32 to index
      %swap3A_164 = arith.constant 0 : index
      %swap3A_165 = tpu.vector_load %arg5[%swap3A_163, %swap3A_164] {strides = array<i32>} : memref<2500x16xf32, #tpu.memory_space<vmem>>, vector<1x16xf32>,
      %swap3A_166 = vector.shape_cast %swap3A_165 : vector<1x16xf32> to vector<16xf32>
      %swap3A_167 = vector.shape_cast %max3A_162 : vector<16xf32> to vector<1x16xf32>
      tpu.vector_store %arg5[%swap3A_163, %swap3A_164], %swap3A_167 {strides = array<i32>} : memref<2500x16xf32, #tpu.memory_space<vmem>>, vector<1x16xf32>,
      %scan3A_168 = arith.constant 0 : i32
      %scan3A_169 = arith.constant 2499 : i32
      %scan3A_170 = arith.addi %scan3A_115, %scan3A_169 : i32
      %get3A_171 = arith.index_cast %scan3A_170 : i32 to index
      %get3A_172 = arith.constant 0 : index
      %get3A_173 = tpu.vector_load %arg5[%get3A_171, %get3A_172] {strides = array<i32>} : memref<2500x16xf32, #tpu.memory_space<vmem>>, vector<1x16xf32>,
      %get3A_174 = vector.shape_cast %get3A_173 : vector<1x16xf32> to vector<16xf32>
      %get3A_175 = arith.index_cast %scan3A_170 : i32 to index
      %get3A_176 = arith.constant 0 : index
      %get3A_177 = tpu.vector_load %arg6[%get3A_175, %get3A_176] {strides = array<i32>} : memref<2504x16xf32, #tpu.memory_space<vmem>>, vector<1x16xf32>,
      %get3A_178 = vector.shape_cast %get3A_177 : vector<1x16xf32> to vector<16xf32>
      %max3A_179 = arith.maximumf %get3A_174, %get3A_178 : vector<16xf32>
      %swap3A_180 = arith.index_cast %scan3A_170 : i32 to index
      %swap3A_181 = arith.constant 0 : index
      %swap3A_182 = tpu.vector_load %arg5[%swap3A_180, %swap3A_181] {strides = array<i32>} : memref<2500x16xf32, #tpu.memory_space<vmem>>, vector<1x16xf32>,
      %swap3A_183 = vector.shape_cast %swap3A_182 : vector<1x16xf32> to vector<16xf32>
      %swap3A_184 = vector.shape_cast %max3A_179 : vector<16xf32> to vector<1x16xf32>
      tpu.vector_store %arg5[%swap3A_180, %swap3A_181], %swap3A_184 {strides = array<i32>} : memref<2500x16xf32, #tpu.memory_space<vmem>>, vector<1x16xf32>,
      %scan3A_185 = arith.constant 0 : i32
      %scan3A_186 = arith.constant 2500 : i32
      "tpu.region"() ({
        %run_scoped3A = tpu.sem_alloc : memref<!tpu.dma_semaphore, #tpu.memory_space<semaphore_mem>>
        %dma_start3A = arith.constant 0 : i32
        %dma_start3A_187 = tpu.memref_slice %arg4[%arg0, %dma_start3A, %mul3A_29] : memref<2x2500x128xf32, #tpu.memory_space<hbm>> -> memref<1x2500x16xf32, #tpu.memory_space<hbm>>
        %dma_start3A_188 = tpu.memref_squeeze %dma_start3A_187 : memref<1x2500x16xf32, #tpu.memory_space<hbm>> -> memref<2500x16xf32, #tpu.memory_space<hbm>>
        %dma_start3A_189 = arith.constant 0 : i32
        %dma_start3A_190 = tpu.memref_slice %arg4[%arg0, %dma_start3A_189, %mul3A_29] : memref<2x2500x128xf32, #tpu.memory_space<hbm>> -> memref<1x2500x16xf32, #tpu.memory_space<hbm>>
        %dma_start3A_191 = tpu.memref_squeeze %dma_start3A_190 : memref<1x2500x16xf32, #tpu.memory_space<hbm>> -> memref<2500x16xf32, #tpu.memory_space<hbm>>
        tpu.enqueue_dma source(%arg5 : memref<2500x16xf32, #tpu.memory_space<vmem>>) target(%dma_start3A_191 : memref<2500x16xf32, #tpu.memory_space<hbm>>) target_semaphore(%run_scoped3A : memref<!tpu.dma_semaphore, #tpu.memory_space<semaphore_mem>>)
        %dma_wait3A = arith.constant 0 : i32
        %dma_wait3A_192 = tpu.memref_slice %arg4[%arg0, %dma_wait3A, %mul3A_29] : memref<2x2500x128xf32, #tpu.memory_space<hbm>> -> memref<1x2500x16xf32, #tpu.memory_space<hbm>>
        %dma_wait3A_193 = tpu.memref_squeeze %dma_wait3A_192 : memref<1x2500x16xf32, #tpu.memory_space<hbm>> -> memref<2500x16xf32, #tpu.memory_space<hbm>>
        %dma_wait3A_194 = arith.constant 0 : i32
        %dma_wait3A_195 = tpu.memref_slice %arg4[%arg0, %dma_wait3A_194, %mul3A_29] : memref<2x2500x128xf32, #tpu.memory_space<hbm>> -> memref<1x2500x16xf32, #tpu.memory_space<hbm>>
        %dma_wait3A_196 = tpu.memref_squeeze %dma_wait3A_195 : memref<1x2500x16xf32, #tpu.memory_space<hbm>> -> memref<2500x16xf32, #tpu.memory_space<hbm>>
        tpu.wait_dma2 semaphore(%run_scoped3A : memref<!tpu.dma_semaphore, #tpu.memory_space<semaphore_mem>>) src(%arg5 : memref<2500x16xf32, #tpu.memory_space<vmem>>) dst(%dma_wait3A_196 : memref<2500x16xf32, #tpu.memory_space<hbm>>)
        tpu.yield
      }) : () -> ()
    } else {
    }
    return
  }
}

module attributes {stable_mosaic.version = 14 : i64} {
  func.func @_fps_body(%arg0: memref<8x1280xf32, #tpu.memory_space<vmem>>, %arg1: memref<8x1280xf32, #tpu.memory_space<vmem>>, %arg2: memref<8x1280xf32, #tpu.memory_space<vmem>>, %arg3: memref<8x320xi32, #tpu.memory_space<vmem>>, %arg4: memref<8x320xf32, #tpu.memory_space<vmem>>, %arg5: memref<8x320xf32, #tpu.memory_space<vmem>>, %arg6: memref<8x320xf32, #tpu.memory_space<vmem>>, %arg7: memref<8x320xf32, #tpu.memory_space<vmem>>, %arg8: memref<8x1280xf32, #tpu.memory_space<vmem>>) attributes {dimension_semantics = [], scalar_prefetch = 0 : i64, scratch_operands = 1 : i64, tpu.core_type = #tpu.core_type<tc>} {
    %get3A = arith.constant 0 : index
    %get3A_0 = arith.constant 0 : index
    %get3A_1 = vector.load %arg0[%get3A, %get3A_0] : memref<8x1280xf32, #tpu.memory_space<vmem>>, vector<8x1280xf32>
    %get3A_2 = arith.constant 0 : index
    %get3A_3 = arith.constant 0 : index
    %get3A_4 = vector.load %arg1[%get3A_2, %get3A_3] : memref<8x1280xf32, #tpu.memory_space<vmem>>, vector<8x1280xf32>
    %get3A_5 = arith.constant 0 : index
    %get3A_6 = arith.constant 0 : index
    %get3A_7 = vector.load %arg2[%get3A_5, %get3A_6] : memref<8x1280xf32, #tpu.memory_space<vmem>>, vector<8x1280xf32>
    %iota3A = tpu.iota {dimensions = array<i32: 0>} : vector<8x1280xi32>
    %mul3A = arith.constant 1280 : i32
    %mul3A_8 = vector.broadcast %mul3A : i32 to vector<8x1280xi32>
    %mul3A_9 = arith.muli %iota3A, %mul3A_8 : vector<8x1280xi32>
    %iota3A_10 = tpu.iota {dimensions = array<i32: 1>} : vector<8x1280xi32>
    %add3A = arith.addi %mul3A_9, %iota3A_10 : vector<8x1280xi32>
    %iota3A_11 = tpu.iota {dimensions = array<i32: 0>} : vector<8x320xi32>
    %mul3A_12 = arith.constant 320 : i32
    %mul3A_13 = vector.broadcast %mul3A_12 : i32 to vector<8x320xi32>
    %mul3A_14 = arith.muli %iota3A_11, %mul3A_13 : vector<8x320xi32>
    %iota3A_15 = tpu.iota {dimensions = array<i32: 1>} : vector<8x320xi32>
    %add3A_16 = arith.addi %mul3A_14, %iota3A_15 : vector<8x320xi32>
    %eq3A = arith.constant 0 : i32
    %eq3A_17 = vector.broadcast %eq3A : i32 to vector<8x1280xi32>
    %eq3A_18 = arith.cmpi eq, %add3A, %eq3A_17 : vector<8x1280xi32>
    %broadcast_in_dim3A = arith.constant 0.000000e+00 : f32
    %broadcast_in_dim3A_19 = vector.broadcast %broadcast_in_dim3A : f32 to vector<8x1280xf32>
    %select_n3A = arith.select %eq3A_18, %get3A_1, %broadcast_in_dim3A_19 : vector<8x1280xi1>, vector<8x1280xf32>
    %reduce_sum3A = vector.shape_cast %select_n3A : vector<8x1280xf32> to vector<1x8x1280xf32>
    %reduce_sum3A_20 = arith.constant dense<0.000000e+00> : vector<1xf32>
    %reduce_sum3A_21 = vector.multi_reduction <add>, %reduce_sum3A, %reduce_sum3A_20 [1, 2] : vector<1x8x1280xf32> to vector<1xf32>
    %reduce_sum3A_22 = vector.shape_cast %reduce_sum3A_21 : vector<1xf32> to vector<1x1x1xf32>
    %reduce_sum3A_23 = vector.extract %reduce_sum3A_22[0, 0, 0] : f32 from vector<1x1x1xf32>
    %select_n3A_24 = arith.select %eq3A_18, %get3A_4, %broadcast_in_dim3A_19 : vector<8x1280xi1>, vector<8x1280xf32>
    %reduce_sum3A_25 = vector.shape_cast %select_n3A_24 : vector<8x1280xf32> to vector<1x8x1280xf32>
    %reduce_sum3A_26 = arith.constant dense<0.000000e+00> : vector<1xf32>
    %reduce_sum3A_27 = vector.multi_reduction <add>, %reduce_sum3A_25, %reduce_sum3A_26 [1, 2] : vector<1x8x1280xf32> to vector<1xf32>
    %reduce_sum3A_28 = vector.shape_cast %reduce_sum3A_27 : vector<1xf32> to vector<1x1x1xf32>
    %reduce_sum3A_29 = vector.extract %reduce_sum3A_28[0, 0, 0] : f32 from vector<1x1x1xf32>
    %select_n3A_30 = arith.select %eq3A_18, %get3A_7, %broadcast_in_dim3A_19 : vector<8x1280xi1>, vector<8x1280xf32>
    %reduce_sum3A_31 = vector.shape_cast %select_n3A_30 : vector<8x1280xf32> to vector<1x8x1280xf32>
    %reduce_sum3A_32 = arith.constant dense<0.000000e+00> : vector<1xf32>
    %reduce_sum3A_33 = vector.multi_reduction <add>, %reduce_sum3A_31, %reduce_sum3A_32 [1, 2] : vector<1x8x1280xf32> to vector<1xf32>
    %reduce_sum3A_34 = vector.shape_cast %reduce_sum3A_33 : vector<1xf32> to vector<1x1x1xf32>
    %reduce_sum3A_35 = vector.extract %reduce_sum3A_34[0, 0, 0] : f32 from vector<1x1x1xf32>
    %sub3A = vector.broadcast %reduce_sum3A_23 : f32 to vector<8x1280xf32>
    %sub3A_36 = arith.subf %get3A_1, %sub3A : vector<8x1280xf32>
    %sub3A_37 = vector.broadcast %reduce_sum3A_29 : f32 to vector<8x1280xf32>
    %sub3A_38 = arith.subf %get3A_4, %sub3A_37 : vector<8x1280xf32>
    %sub3A_39 = vector.broadcast %reduce_sum3A_35 : f32 to vector<8x1280xf32>
    %sub3A_40 = arith.subf %get3A_7, %sub3A_39 : vector<8x1280xf32>
    %mul3A_41 = arith.mulf %sub3A_36, %sub3A_36 : vector<8x1280xf32>
    %mul3A_42 = arith.mulf %sub3A_38, %sub3A_38 : vector<8x1280xf32>
    %add3A_43 = arith.addf %mul3A_41, %mul3A_42 : vector<8x1280xf32>
    %mul3A_44 = arith.mulf %sub3A_40, %sub3A_40 : vector<8x1280xf32>
    %add3A_45 = arith.addf %add3A_43, %mul3A_44 : vector<8x1280xf32>
    %lt3A = arith.constant 10000 : i32
    %lt3A_46 = vector.broadcast %lt3A : i32 to vector<8x1280xi32>
    %lt3A_47 = arith.cmpi slt, %add3A, %lt3A_46 : vector<8x1280xi32>
    %jit3A = arith.constant 0xFF800000 : f32
    %broadcast_in_dim3A_48 = vector.broadcast %jit3A : f32 to vector<8x1280xf32>
    %select_n3A_49 = arith.select %lt3A_47, %add3A_45, %broadcast_in_dim3A_48 : vector<8x1280xi1>, vector<8x1280xf32>
    %broadcast_in_dim3A_50 = arith.constant 0 : i32
    %broadcast_in_dim3A_51 = vector.broadcast %broadcast_in_dim3A_50 : i32 to vector<8x320xi32>
    %swap3A = arith.constant 0 : index
    %swap3A_52 = arith.constant 0 : index
    %swap3A_53 = vector.load %arg3[%swap3A, %swap3A_52] : memref<8x320xi32, #tpu.memory_space<vmem>>, vector<8x320xi32>
    tpu.vector_store %arg3[%swap3A, %swap3A_52], %broadcast_in_dim3A_51 {strides = array<i32>} : memref<8x320xi32, #tpu.memory_space<vmem>>, vector<8x320xi32>,
    %eq3A_54 = arith.constant 0 : i32
    %eq3A_55 = vector.broadcast %eq3A_54 : i32 to vector<8x320xi32>
    %eq3A_56 = arith.cmpi eq, %add3A_16, %eq3A_55 : vector<8x320xi32>
    %broadcast_in_dim3A_57 = arith.constant 0.000000e+00 : f32
    %broadcast_in_dim3A_58 = vector.broadcast %broadcast_in_dim3A_57 : f32 to vector<8x320xf32>
    %broadcast_in_dim3A_59 = vector.broadcast %reduce_sum3A_23 : f32 to vector<8x320xf32>
    %select_n3A_60 = arith.select %eq3A_56, %broadcast_in_dim3A_59, %broadcast_in_dim3A_58 : vector<8x320xi1>, vector<8x320xf32>
    %swap3A_61 = arith.constant 0 : index
    %swap3A_62 = arith.constant 0 : index
    %swap3A_63 = vector.load %arg4[%swap3A_61, %swap3A_62] : memref<8x320xf32, #tpu.memory_space<vmem>>, vector<8x320xf32>
    tpu.vector_store %arg4[%swap3A_61, %swap3A_62], %select_n3A_60 {strides = array<i32>} : memref<8x320xf32, #tpu.memory_space<vmem>>, vector<8x320xf32>,
    %broadcast_in_dim3A_64 = vector.broadcast %reduce_sum3A_29 : f32 to vector<8x320xf32>
    %select_n3A_65 = arith.select %eq3A_56, %broadcast_in_dim3A_64, %broadcast_in_dim3A_58 : vector<8x320xi1>, vector<8x320xf32>
    %swap3A_66 = arith.constant 0 : index
    %swap3A_67 = arith.constant 0 : index
    %swap3A_68 = vector.load %arg5[%swap3A_66, %swap3A_67] : memref<8x320xf32, #tpu.memory_space<vmem>>, vector<8x320xf32>
    tpu.vector_store %arg5[%swap3A_66, %swap3A_67], %select_n3A_65 {strides = array<i32>} : memref<8x320xf32, #tpu.memory_space<vmem>>, vector<8x320xf32>,
    %broadcast_in_dim3A_69 = vector.broadcast %reduce_sum3A_35 : f32 to vector<8x320xf32>
    %select_n3A_70 = arith.select %eq3A_56, %broadcast_in_dim3A_69, %broadcast_in_dim3A_58 : vector<8x320xi1>, vector<8x320xf32>
    %swap3A_71 = arith.constant 0 : index
    %swap3A_72 = arith.constant 0 : index
    %swap3A_73 = vector.load %arg6[%swap3A_71, %swap3A_72] : memref<8x320xf32, #tpu.memory_space<vmem>>, vector<8x320xf32>
    tpu.vector_store %arg6[%swap3A_71, %swap3A_72], %select_n3A_70 {strides = array<i32>} : memref<8x320xf32, #tpu.memory_space<vmem>>, vector<8x320xf32>,
    %convert_element_type3A = arith.sitofp %add3A : vector<8x1280xi32> to vector<8x1280xf32>
    %swap3A_74 = arith.constant 0 : index
    %swap3A_75 = arith.constant 0 : index
    %swap3A_76 = vector.load %arg8[%swap3A_74, %swap3A_75] : memref<8x1280xf32, #tpu.memory_space<vmem>>, vector<8x1280xf32>
    tpu.vector_store %arg8[%swap3A_74, %swap3A_75], %convert_element_type3A {strides = array<i32>} : memref<8x1280xf32, #tpu.memory_space<vmem>>, vector<8x1280xf32>,
    %scan3A = arith.constant 1 : i32
    %scan3A_77 = arith.constant 2498 : i32
    %scan3A_78 = arith.addi %scan3A, %scan3A_77 : i32
    %scan3A_79 = arith.constant 2 : i32
    %scan3A_80 = scf.for %scan3A_235 = %scan3A to %scan3A_78 step %scan3A_79 iter_args(%scan3A_236 = %select_n3A_49) -> (vector<8x1280xf32>)  : i32 {
      %reduce_max3A_237 = arith.constant dense<0xFF800000> : vector<8xf32>
      %reduce_max3A_238 = vector.multi_reduction <maximumf>, %scan3A_236, %reduce_max3A_237 [1] : vector<8x1280xf32> to vector<8xf32>
      %broadcast_in_dim3A_239 = vector.shape_cast %reduce_max3A_238 : vector<8xf32> to vector<8x1xf32>
      %reduce_max3A_240 = arith.constant dense<0xFF800000> : vector<1xf32>
      %reduce_max3A_241 = vector.multi_reduction <maximumf>, %broadcast_in_dim3A_239, %reduce_max3A_240 [0] : vector<8x1xf32> to vector<1xf32>
      %broadcast_in_dim3A_242 = vector.shape_cast %reduce_max3A_241 : vector<1xf32> to vector<1x1xf32>
      %eq3A_243 = vector.broadcast %broadcast_in_dim3A_242 : vector<1x1xf32> to vector<8x1280xf32>
      %eq3A_244 = arith.cmpf oeq, %scan3A_236, %eq3A_243 : vector<8x1280xf32>
      %get3A_245 = arith.constant 0 : index
      %get3A_246 = arith.constant 0 : index
      %get3A_247 = vector.load %arg8[%get3A_245, %get3A_246] : memref<8x1280xf32, #tpu.memory_space<vmem>>, vector<8x1280xf32>
      %jit3A_248 = arith.constant 3.000000e+07 : f32
      %broadcast_in_dim3A_249 = vector.broadcast %jit3A_248 : f32 to vector<8x1280xf32>
      %select_n3A_250 = arith.select %eq3A_244, %get3A_247, %broadcast_in_dim3A_249 : vector<8x1280xi1>, vector<8x1280xf32>
      %reduce_min3A_251 = arith.constant dense<0x7F800000> : vector<8xf32>
      %reduce_min3A_252 = vector.multi_reduction <minimumf>, %select_n3A_250, %reduce_min3A_251 [1] : vector<8x1280xf32> to vector<8xf32>
      %broadcast_in_dim3A_253 = vector.shape_cast %reduce_min3A_252 : vector<8xf32> to vector<8x1xf32>
      %reduce_min3A_254 = arith.constant dense<0x7F800000> : vector<1xf32>
      %reduce_min3A_255 = vector.multi_reduction <minimumf>, %broadcast_in_dim3A_253, %reduce_min3A_254 [0] : vector<8x1xf32> to vector<1xf32>
      %broadcast_in_dim3A_256 = vector.shape_cast %reduce_min3A_255 : vector<1xf32> to vector<1x1xf32>
      %get3A_257 = arith.constant 0 : index
      %get3A_258 = arith.constant 0 : index
      %get3A_259 = vector.load %arg0[%get3A_257, %get3A_258] : memref<8x1280xf32, #tpu.memory_space<vmem>>, vector<8x1280xf32>
      %jit3A_260 = arith.constant 0.000000e+00 : f32
      %broadcast_in_dim3A_261 = vector.broadcast %jit3A_260 : f32 to vector<8x1280xf32>
      %select_n3A_262 = arith.select %eq3A_244, %get3A_259, %broadcast_in_dim3A_261 : vector<8x1280xi1>, vector<8x1280xf32>
      %reduce_sum3A_263 = arith.constant dense<0.000000e+00> : vector<8xf32>
      %reduce_sum3A_264 = vector.multi_reduction <add>, %select_n3A_262, %reduce_sum3A_263 [1] : vector<8x1280xf32> to vector<8xf32>
      %broadcast_in_dim3A_265 = vector.shape_cast %reduce_sum3A_264 : vector<8xf32> to vector<8x1xf32>
      %reduce_sum3A_266 = arith.constant dense<0.000000e+00> : vector<1xf32>
      %reduce_sum3A_267 = vector.multi_reduction <add>, %broadcast_in_dim3A_265, %reduce_sum3A_266 [0] : vector<8x1xf32> to vector<1xf32>
      %broadcast_in_dim3A_268 = vector.shape_cast %reduce_sum3A_267 : vector<1xf32> to vector<1x1xf32>
      %get3A_269 = arith.constant 0 : index
      %get3A_270 = arith.constant 0 : index
      %get3A_271 = vector.load %arg1[%get3A_269, %get3A_270] : memref<8x1280xf32, #tpu.memory_space<vmem>>, vector<8x1280xf32>
      %jit3A_272 = arith.constant 0.000000e+00 : f32
      %broadcast_in_dim3A_273 = vector.broadcast %jit3A_272 : f32 to vector<8x1280xf32>
      %select_n3A_274 = arith.select %eq3A_244, %get3A_271, %broadcast_in_dim3A_273 : vector<8x1280xi1>, vector<8x1280xf32>
      %reduce_sum3A_275 = arith.constant dense<0.000000e+00> : vector<8xf32>
      %reduce_sum3A_276 = vector.multi_reduction <add>, %select_n3A_274, %reduce_sum3A_275 [1] : vector<8x1280xf32> to vector<8xf32>
      %broadcast_in_dim3A_277 = vector.shape_cast %reduce_sum3A_276 : vector<8xf32> to vector<8x1xf32>
      %reduce_sum3A_278 = arith.constant dense<0.000000e+00> : vector<1xf32>
      %reduce_sum3A_279 = vector.multi_reduction <add>, %broadcast_in_dim3A_277, %reduce_sum3A_278 [0] : vector<8x1xf32> to vector<1xf32>
      %broadcast_in_dim3A_280 = vector.shape_cast %reduce_sum3A_279 : vector<1xf32> to vector<1x1xf32>
      %get3A_281 = arith.constant 0 : index
      %get3A_282 = arith.constant 0 : index
      %get3A_283 = vector.load %arg2[%get3A_281, %get3A_282] : memref<8x1280xf32, #tpu.memory_space<vmem>>, vector<8x1280xf32>
      %jit3A_284 = arith.constant 0.000000e+00 : f32
      %broadcast_in_dim3A_285 = vector.broadcast %jit3A_284 : f32 to vector<8x1280xf32>
      %select_n3A_286 = arith.select %eq3A_244, %get3A_283, %broadcast_in_dim3A_285 : vector<8x1280xi1>, vector<8x1280xf32>
      %reduce_sum3A_287 = arith.constant dense<0.000000e+00> : vector<8xf32>
      %reduce_sum3A_288 = vector.multi_reduction <add>, %select_n3A_286, %reduce_sum3A_287 [1] : vector<8x1280xf32> to vector<8xf32>
      %broadcast_in_dim3A_289 = vector.shape_cast %reduce_sum3A_288 : vector<8xf32> to vector<8x1xf32>
      %reduce_sum3A_290 = arith.constant dense<0.000000e+00> : vector<1xf32>
      %reduce_sum3A_291 = vector.multi_reduction <add>, %broadcast_in_dim3A_289, %reduce_sum3A_290 [0] : vector<8x1xf32> to vector<1xf32>
      %broadcast_in_dim3A_292 = vector.shape_cast %reduce_sum3A_291 : vector<1xf32> to vector<1x1xf32>
      %jit3A_293 = arith.constant 1.000000e+00 : f32
      %jit3A_294 = arith.constant 0.000000e+00 : f32
      %broadcast_in_dim3A_295 = vector.broadcast %jit3A_293 : f32 to vector<8x1280xf32>
      %broadcast_in_dim3A_296 = vector.broadcast %jit3A_294 : f32 to vector<8x1280xf32>
      %select_n3A_297 = arith.select %eq3A_244, %broadcast_in_dim3A_295, %broadcast_in_dim3A_296 : vector<8x1280xi1>, vector<8x1280xf32>
      %reduce_sum3A_298 = arith.constant dense<0.000000e+00> : vector<8xf32>
      %reduce_sum3A_299 = vector.multi_reduction <add>, %select_n3A_297, %reduce_sum3A_298 [1] : vector<8x1280xf32> to vector<8xf32>
      %broadcast_in_dim3A_300 = vector.shape_cast %reduce_sum3A_299 : vector<8xf32> to vector<8x1xf32>
      %reduce_sum3A_301 = arith.constant dense<0.000000e+00> : vector<1xf32>
      %reduce_sum3A_302 = vector.multi_reduction <add>, %broadcast_in_dim3A_300, %reduce_sum3A_301 [0] : vector<8x1xf32> to vector<1xf32>
      %broadcast_in_dim3A_303 = vector.shape_cast %reduce_sum3A_302 : vector<1xf32> to vector<1x1xf32>
      %get3A_304 = arith.constant 0 : index
      %get3A_305 = arith.constant 0 : index
      %get3A_306 = vector.load %arg0[%get3A_304, %get3A_305] : memref<8x1280xf32, #tpu.memory_space<vmem>>, vector<8x1280xf32>
      %sub3A_307 = vector.broadcast %broadcast_in_dim3A_268 : vector<1x1xf32> to vector<8x1280xf32>
      %sub3A_308 = arith.subf %get3A_306, %sub3A_307 : vector<8x1280xf32>
      %get3A_309 = arith.constant 0 : index
      %get3A_310 = arith.constant 0 : index
      %get3A_311 = vector.load %arg1[%get3A_309, %get3A_310] : memref<8x1280xf32, #tpu.memory_space<vmem>>, vector<8x1280xf32>
      %sub3A_312 = vector.broadcast %broadcast_in_dim3A_280 : vector<1x1xf32> to vector<8x1280xf32>
      %sub3A_313 = arith.subf %get3A_311, %sub3A_312 : vector<8x1280xf32>
      %get3A_314 = arith.constant 0 : index
      %get3A_315 = arith.constant 0 : index
      %get3A_316 = vector.load %arg2[%get3A_314, %get3A_315] : memref<8x1280xf32, #tpu.memory_space<vmem>>, vector<8x1280xf32>
      %sub3A_317 = vector.broadcast %broadcast_in_dim3A_292 : vector<1x1xf32> to vector<8x1280xf32>
      %sub3A_318 = arith.subf %get3A_316, %sub3A_317 : vector<8x1280xf32>
      %mul3A_319 = arith.mulf %sub3A_308, %sub3A_308 : vector<8x1280xf32>
      %mul3A_320 = arith.mulf %sub3A_313, %sub3A_313 : vector<8x1280xf32>
      %add3A_321 = arith.addf %mul3A_319, %mul3A_320 : vector<8x1280xf32>
      %mul3A_322 = arith.mulf %sub3A_318, %sub3A_318 : vector<8x1280xf32>
      %add3A_323 = arith.addf %add3A_321, %mul3A_322 : vector<8x1280xf32>
      %min3A_324 = arith.minimumf %scan3A_236, %add3A_323 : vector<8x1280xf32>
      %squeeze3A_325 = vector.extract %broadcast_in_dim3A_303[0, 0] : f32 from vector<1x1xf32>
      %gt3A_326 = arith.constant 1.000000e+00 : f32
      %gt3A_327 = arith.cmpf ogt, %squeeze3A_325, %gt3A_326 : f32
      %convert_element_type3A_328 = arith.extui %gt3A_327 : i1 to i32
      %cond3A_329 = arith.constant 0 : i32
      %cond3A_330 = arith.cmpi ne, %convert_element_type3A_328, %cond3A_329 : i32
      %cond3A_331:4 = scf.if %cond3A_330 -> (vector<8x1280xf32>, vector<1x1xf32>, vector<1x1xf32>, vector<1x1xf32>) {
        %get3A_507 = arith.constant 0 : index
        %get3A_508 = arith.constant 0 : index
        %get3A_509 = vector.load %arg8[%get3A_507, %get3A_508] : memref<8x1280xf32, #tpu.memory_space<vmem>>, vector<8x1280xf32>
        %eq3A_510 = vector.broadcast %broadcast_in_dim3A_256 : vector<1x1xf32> to vector<8x1280xf32>
        %eq3A_511 = arith.cmpf oeq, %get3A_509, %eq3A_510 : vector<8x1280xf32>
        %get3A_512 = arith.constant 0 : index
        %get3A_513 = arith.constant 0 : index
        %get3A_514 = vector.load %arg0[%get3A_512, %get3A_513] : memref<8x1280xf32, #tpu.memory_space<vmem>>, vector<8x1280xf32>
        %jit3A_515 = arith.constant 0.000000e+00 : f32
        %broadcast_in_dim3A_516 = vector.broadcast %jit3A_515 : f32 to vector<8x1280xf32>
        %select_n3A_517 = arith.select %eq3A_511, %get3A_514, %broadcast_in_dim3A_516 : vector<8x1280xi1>, vector<8x1280xf32>
        %reduce_sum3A_518 = arith.constant dense<0.000000e+00> : vector<8xf32>
        %reduce_sum3A_519 = vector.multi_reduction <add>, %select_n3A_517, %reduce_sum3A_518 [1] : vector<8x1280xf32> to vector<8xf32>
        %broadcast_in_dim3A_520 = vector.shape_cast %reduce_sum3A_519 : vector<8xf32> to vector<8x1xf32>
        %reduce_sum3A_521 = arith.constant dense<0.000000e+00> : vector<1xf32>
        %reduce_sum3A_522 = vector.multi_reduction <add>, %broadcast_in_dim3A_520, %reduce_sum3A_521 [0] : vector<8x1xf32> to vector<1xf32>
        %broadcast_in_dim3A_523 = vector.shape_cast %reduce_sum3A_522 : vector<1xf32> to vector<1x1xf32>
        %get3A_524 = arith.constant 0 : index
        %get3A_525 = arith.constant 0 : index
        %get3A_526 = vector.load %arg1[%get3A_524, %get3A_525] : memref<8x1280xf32, #tpu.memory_space<vmem>>, vector<8x1280xf32>
        %jit3A_527 = arith.constant 0.000000e+00 : f32
        %broadcast_in_dim3A_528 = vector.broadcast %jit3A_527 : f32 to vector<8x1280xf32>
        %select_n3A_529 = arith.select %eq3A_511, %get3A_526, %broadcast_in_dim3A_528 : vector<8x1280xi1>, vector<8x1280xf32>
        %reduce_sum3A_530 = arith.constant dense<0.000000e+00> : vector<8xf32>
        %reduce_sum3A_531 = vector.multi_reduction <add>, %select_n3A_529, %reduce_sum3A_530 [1] : vector<8x1280xf32> to vector<8xf32>
        %broadcast_in_dim3A_532 = vector.shape_cast %reduce_sum3A_531 : vector<8xf32> to vector<8x1xf32>
        %reduce_sum3A_533 = arith.constant dense<0.000000e+00> : vector<1xf32>
        %reduce_sum3A_534 = vector.multi_reduction <add>, %broadcast_in_dim3A_532, %reduce_sum3A_533 [0] : vector<8x1xf32> to vector<1xf32>
        %broadcast_in_dim3A_535 = vector.shape_cast %reduce_sum3A_534 : vector<1xf32> to vector<1x1xf32>
        %get3A_536 = arith.constant 0 : index
        %get3A_537 = arith.constant 0 : index
        %get3A_538 = vector.load %arg2[%get3A_536, %get3A_537] : memref<8x1280xf32, #tpu.memory_space<vmem>>, vector<8x1280xf32>
        %jit3A_539 = arith.constant 0.000000e+00 : f32
        %broadcast_in_dim3A_540 = vector.broadcast %jit3A_539 : f32 to vector<8x1280xf32>
        %select_n3A_541 = arith.select %eq3A_511, %get3A_538, %broadcast_in_dim3A_540 : vector<8x1280xi1>, vector<8x1280xf32>
        %reduce_sum3A_542 = arith.constant dense<0.000000e+00> : vector<8xf32>
        %reduce_sum3A_543 = vector.multi_reduction <add>, %select_n3A_541, %reduce_sum3A_542 [1] : vector<8x1280xf32> to vector<8xf32>
        %broadcast_in_dim3A_544 = vector.shape_cast %reduce_sum3A_543 : vector<8xf32> to vector<8x1xf32>
        %reduce_sum3A_545 = arith.constant dense<0.000000e+00> : vector<1xf32>
        %reduce_sum3A_546 = vector.multi_reduction <add>, %broadcast_in_dim3A_544, %reduce_sum3A_545 [0] : vector<8x1xf32> to vector<1xf32>
        %broadcast_in_dim3A_547 = vector.shape_cast %reduce_sum3A_546 : vector<1xf32> to vector<1x1xf32>
        %get3A_548 = arith.constant 0 : index
        %get3A_549 = arith.constant 0 : index
        %get3A_550 = vector.load %arg0[%get3A_548, %get3A_549] : memref<8x1280xf32, #tpu.memory_space<vmem>>, vector<8x1280xf32>
        %sub3A_551 = vector.broadcast %broadcast_in_dim3A_523 : vector<1x1xf32> to vector<8x1280xf32>
        %sub3A_552 = arith.subf %get3A_550, %sub3A_551 : vector<8x1280xf32>
        %get3A_553 = arith.constant 0 : index
        %get3A_554 = arith.constant 0 : index
        %get3A_555 = vector.load %arg1[%get3A_553, %get3A_554] : memref<8x1280xf32, #tpu.memory_space<vmem>>, vector<8x1280xf32>
        %sub3A_556 = vector.broadcast %broadcast_in_dim3A_535 : vector<1x1xf32> to vector<8x1280xf32>
        %sub3A_557 = arith.subf %get3A_555, %sub3A_556 : vector<8x1280xf32>
        %get3A_558 = arith.constant 0 : index
        %get3A_559 = arith.constant 0 : index
        %get3A_560 = vector.load %arg2[%get3A_558, %get3A_559] : memref<8x1280xf32, #tpu.memory_space<vmem>>, vector<8x1280xf32>
        %sub3A_561 = vector.broadcast %broadcast_in_dim3A_547 : vector<1x1xf32> to vector<8x1280xf32>
        %sub3A_562 = arith.subf %get3A_560, %sub3A_561 : vector<8x1280xf32>
        %mul3A_563 = arith.mulf %sub3A_552, %sub3A_552 : vector<8x1280xf32>
        %mul3A_564 = arith.mulf %sub3A_557, %sub3A_557 : vector<8x1280xf32>
        %add3A_565 = arith.addf %mul3A_563, %mul3A_564 : vector<8x1280xf32>
        %mul3A_566 = arith.mulf %sub3A_562, %sub3A_562 : vector<8x1280xf32>
        %add3A_567 = arith.addf %add3A_565, %mul3A_566 : vector<8x1280xf32>
        %min3A_568 = arith.minimumf %scan3A_236, %add3A_567 : vector<8x1280xf32>
        scf.yield %min3A_568, %broadcast_in_dim3A_523, %broadcast_in_dim3A_535, %broadcast_in_dim3A_547 : vector<8x1280xf32>, vector<1x1xf32>, vector<1x1xf32>, vector<1x1xf32>
      } else {
        scf.yield %min3A_324, %broadcast_in_dim3A_268, %broadcast_in_dim3A_280, %broadcast_in_dim3A_292 : vector<8x1280xf32>, vector<1x1xf32>, vector<1x1xf32>, vector<1x1xf32>
      }
      %convert_element_type3A_332 = arith.fptosi %broadcast_in_dim3A_256 : vector<1x1xf32> to vector<1x1xi32>
      %eq3A_333 = vector.broadcast %scan3A_235 : i32 to vector<8x320xi32>
      %eq3A_334 = arith.cmpi eq, %add3A_16, %eq3A_333 : vector<8x320xi32>
      %get3A_335 = arith.constant 0 : index
      %get3A_336 = arith.constant 0 : index
      %get3A_337 = vector.load %arg3[%get3A_335, %get3A_336] : memref<8x320xi32, #tpu.memory_space<vmem>>, vector<8x320xi32>
      %broadcast_in_dim3A_338 = vector.shape_cast %convert_element_type3A_332 : vector<1x1xi32> to vector<1x1xi32>
      %broadcast_in_dim3A_339 = vector.broadcast %broadcast_in_dim3A_338 : vector<1x1xi32> to vector<8x320xi32>
      %select_n3A_340 = arith.select %eq3A_334, %broadcast_in_dim3A_339, %get3A_337 : vector<8x320xi1>, vector<8x320xi32>
      %swap3A_341 = arith.constant 0 : index
      %swap3A_342 = arith.constant 0 : index
      %swap3A_343 = vector.load %arg3[%swap3A_341, %swap3A_342] : memref<8x320xi32, #tpu.memory_space<vmem>>, vector<8x320xi32>
      tpu.vector_store %arg3[%swap3A_341, %swap3A_342], %select_n3A_340 {strides = array<i32>} : memref<8x320xi32, #tpu.memory_space<vmem>>, vector<8x320xi32>,
      %get3A_344 = arith.constant 0 : index
      %get3A_345 = arith.constant 0 : index
      %get3A_346 = vector.load %arg4[%get3A_344, %get3A_345] : memref<8x320xf32, #tpu.memory_space<vmem>>, vector<8x320xf32>
      %broadcast_in_dim3A_347 = vector.shape_cast %cond3A_331#1 : vector<1x1xf32> to vector<1x1xf32>
      %broadcast_in_dim3A_348 = vector.broadcast %broadcast_in_dim3A_347 : vector<1x1xf32> to vector<8x320xf32>
      %select_n3A_349 = arith.select %eq3A_334, %broadcast_in_dim3A_348, %get3A_346 : vector<8x320xi1>, vector<8x320xf32>
      %swap3A_350 = arith.constant 0 : index
      %swap3A_351 = arith.constant 0 : index
      %swap3A_352 = vector.load %arg4[%swap3A_350, %swap3A_351] : memref<8x320xf32, #tpu.memory_space<vmem>>, vector<8x320xf32>
      tpu.vector_store %arg4[%swap3A_350, %swap3A_351], %select_n3A_349 {strides = array<i32>} : memref<8x320xf32, #tpu.memory_space<vmem>>, vector<8x320xf32>,
      %get3A_353 = arith.constant 0 : index
      %get3A_354 = arith.constant 0 : index
      %get3A_355 = vector.load %arg5[%get3A_353, %get3A_354] : memref<8x320xf32, #tpu.memory_space<vmem>>, vector<8x320xf32>
      %broadcast_in_dim3A_356 = vector.shape_cast %cond3A_331#2 : vector<1x1xf32> to vector<1x1xf32>
      %broadcast_in_dim3A_357 = vector.broadcast %broadcast_in_dim3A_356 : vector<1x1xf32> to vector<8x320xf32>
      %select_n3A_358 = arith.select %eq3A_334, %broadcast_in_dim3A_357, %get3A_355 : vector<8x320xi1>, vector<8x320xf32>
      %swap3A_359 = arith.constant 0 : index
      %swap3A_360 = arith.constant 0 : index
      %swap3A_361 = vector.load %arg5[%swap3A_359, %swap3A_360] : memref<8x320xf32, #tpu.memory_space<vmem>>, vector<8x320xf32>
      tpu.vector_store %arg5[%swap3A_359, %swap3A_360], %select_n3A_358 {strides = array<i32>} : memref<8x320xf32, #tpu.memory_space<vmem>>, vector<8x320xf32>,
      %get3A_362 = arith.constant 0 : index
      %get3A_363 = arith.constant 0 : index
      %get3A_364 = vector.load %arg6[%get3A_362, %get3A_363] : memref<8x320xf32, #tpu.memory_space<vmem>>, vector<8x320xf32>
      %broadcast_in_dim3A_365 = vector.shape_cast %cond3A_331#3 : vector<1x1xf32> to vector<1x1xf32>
      %broadcast_in_dim3A_366 = vector.broadcast %broadcast_in_dim3A_365 : vector<1x1xf32> to vector<8x320xf32>
      %select_n3A_367 = arith.select %eq3A_334, %broadcast_in_dim3A_366, %get3A_364 : vector<8x320xi1>, vector<8x320xf32>
      %swap3A_368 = arith.constant 0 : index
      %swap3A_369 = arith.constant 0 : index
      %swap3A_370 = vector.load %arg6[%swap3A_368, %swap3A_369] : memref<8x320xf32, #tpu.memory_space<vmem>>, vector<8x320xf32>
      tpu.vector_store %arg6[%swap3A_368, %swap3A_369], %select_n3A_367 {strides = array<i32>} : memref<8x320xf32, #tpu.memory_space<vmem>>, vector<8x320xf32>,
      %scan3A_371 = arith.constant 1 : i32
      %scan3A_372 = arith.addi %scan3A_235, %scan3A_371 : i32
      %reduce_max3A_373 = arith.constant dense<0xFF800000> : vector<8xf32>
      %reduce_max3A_374 = vector.multi_reduction <maximumf>, %cond3A_331#0, %reduce_max3A_373 [1] : vector<8x1280xf32> to vector<8xf32>
      %broadcast_in_dim3A_375 = vector.shape_cast %reduce_max3A_374 : vector<8xf32> to vector<8x1xf32>
      %reduce_max3A_376 = arith.constant dense<0xFF800000> : vector<1xf32>
      %reduce_max3A_377 = vector.multi_reduction <maximumf>, %broadcast_in_dim3A_375, %reduce_max3A_376 [0] : vector<8x1xf32> to vector<1xf32>
      %broadcast_in_dim3A_378 = vector.shape_cast %reduce_max3A_377 : vector<1xf32> to vector<1x1xf32>
      %eq3A_379 = vector.broadcast %broadcast_in_dim3A_378 : vector<1x1xf32> to vector<8x1280xf32>
      %eq3A_380 = arith.cmpf oeq, %cond3A_331#0, %eq3A_379 : vector<8x1280xf32>
      %get3A_381 = arith.constant 0 : index
      %get3A_382 = arith.constant 0 : index
      %get3A_383 = vector.load %arg8[%get3A_381, %get3A_382] : memref<8x1280xf32, #tpu.memory_space<vmem>>, vector<8x1280xf32>
      %jit3A_384 = arith.constant 3.000000e+07 : f32
      %broadcast_in_dim3A_385 = vector.broadcast %jit3A_384 : f32 to vector<8x1280xf32>
      %select_n3A_386 = arith.select %eq3A_380, %get3A_383, %broadcast_in_dim3A_385 : vector<8x1280xi1>, vector<8x1280xf32>
      %reduce_min3A_387 = arith.constant dense<0x7F800000> : vector<8xf32>
      %reduce_min3A_388 = vector.multi_reduction <minimumf>, %select_n3A_386, %reduce_min3A_387 [1] : vector<8x1280xf32> to vector<8xf32>
      %broadcast_in_dim3A_389 = vector.shape_cast %reduce_min3A_388 : vector<8xf32> to vector<8x1xf32>
      %reduce_min3A_390 = arith.constant dense<0x7F800000> : vector<1xf32>
      %reduce_min3A_391 = vector.multi_reduction <minimumf>, %broadcast_in_dim3A_389, %reduce_min3A_390 [0] : vector<8x1xf32> to vector<1xf32>
      %broadcast_in_dim3A_392 = vector.shape_cast %reduce_min3A_391 : vector<1xf32> to vector<1x1xf32>
      %get3A_393 = arith.constant 0 : index
      %get3A_394 = arith.constant 0 : index
      %get3A_395 = vector.load %arg0[%get3A_393, %get3A_394] : memref<8x1280xf32, #tpu.memory_space<vmem>>, vector<8x1280xf32>
      %jit3A_396 = arith.constant 0.000000e+00 : f32
      %broadcast_in_dim3A_397 = vector.broadcast %jit3A_396 : f32 to vector<8x1280xf32>
      %select_n3A_398 = arith.select %eq3A_380, %get3A_395, %broadcast_in_dim3A_397 : vector<8x1280xi1>, vector<8x1280xf32>
      %reduce_sum3A_399 = arith.constant dense<0.000000e+00> : vector<8xf32>
      %reduce_sum3A_400 = vector.multi_reduction <add>, %select_n3A_398, %reduce_sum3A_399 [1] : vector<8x1280xf32> to vector<8xf32>
      %broadcast_in_dim3A_401 = vector.shape_cast %reduce_sum3A_400 : vector<8xf32> to vector<8x1xf32>
      %reduce_sum3A_402 = arith.constant dense<0.000000e+00> : vector<1xf32>
      %reduce_sum3A_403 = vector.multi_reduction <add>, %broadcast_in_dim3A_401, %reduce_sum3A_402 [0] : vector<8x1xf32> to vector<1xf32>
      %broadcast_in_dim3A_404 = vector.shape_cast %reduce_sum3A_403 : vector<1xf32> to vector<1x1xf32>
      %get3A_405 = arith.constant 0 : index
      %get3A_406 = arith.constant 0 : index
      %get3A_407 = vector.load %arg1[%get3A_405, %get3A_406] : memref<8x1280xf32, #tpu.memory_space<vmem>>, vector<8x1280xf32>
      %jit3A_408 = arith.constant 0.000000e+00 : f32
      %broadcast_in_dim3A_409 = vector.broadcast %jit3A_408 : f32 to vector<8x1280xf32>
      %select_n3A_410 = arith.select %eq3A_380, %get3A_407, %broadcast_in_dim3A_409 : vector<8x1280xi1>, vector<8x1280xf32>
      %reduce_sum3A_411 = arith.constant dense<0.000000e+00> : vector<8xf32>
      %reduce_sum3A_412 = vector.multi_reduction <add>, %select_n3A_410, %reduce_sum3A_411 [1] : vector<8x1280xf32> to vector<8xf32>
      %broadcast_in_dim3A_413 = vector.shape_cast %reduce_sum3A_412 : vector<8xf32> to vector<8x1xf32>
      %reduce_sum3A_414 = arith.constant dense<0.000000e+00> : vector<1xf32>
      %reduce_sum3A_415 = vector.multi_reduction <add>, %broadcast_in_dim3A_413, %reduce_sum3A_414 [0] : vector<8x1xf32> to vector<1xf32>
      %broadcast_in_dim3A_416 = vector.shape_cast %reduce_sum3A_415 : vector<1xf32> to vector<1x1xf32>
      %get3A_417 = arith.constant 0 : index
      %get3A_418 = arith.constant 0 : index
      %get3A_419 = vector.load %arg2[%get3A_417, %get3A_418] : memref<8x1280xf32, #tpu.memory_space<vmem>>, vector<8x1280xf32>
      %jit3A_420 = arith.constant 0.000000e+00 : f32
      %broadcast_in_dim3A_421 = vector.broadcast %jit3A_420 : f32 to vector<8x1280xf32>
      %select_n3A_422 = arith.select %eq3A_380, %get3A_419, %broadcast_in_dim3A_421 : vector<8x1280xi1>, vector<8x1280xf32>
      %reduce_sum3A_423 = arith.constant dense<0.000000e+00> : vector<8xf32>
      %reduce_sum3A_424 = vector.multi_reduction <add>, %select_n3A_422, %reduce_sum3A_423 [1] : vector<8x1280xf32> to vector<8xf32>
      %broadcast_in_dim3A_425 = vector.shape_cast %reduce_sum3A_424 : vector<8xf32> to vector<8x1xf32>
      %reduce_sum3A_426 = arith.constant dense<0.000000e+00> : vector<1xf32>
      %reduce_sum3A_427 = vector.multi_reduction <add>, %broadcast_in_dim3A_425, %reduce_sum3A_426 [0] : vector<8x1xf32> to vector<1xf32>
      %broadcast_in_dim3A_428 = vector.shape_cast %reduce_sum3A_427 : vector<1xf32> to vector<1x1xf32>
      %jit3A_429 = arith.constant 1.000000e+00 : f32
      %jit3A_430 = arith.constant 0.000000e+00 : f32
      %broadcast_in_dim3A_431 = vector.broadcast %jit3A_429 : f32 to vector<8x1280xf32>
      %broadcast_in_dim3A_432 = vector.broadcast %jit3A_430 : f32 to vector<8x1280xf32>
      %select_n3A_433 = arith.select %eq3A_380, %broadcast_in_dim3A_431, %broadcast_in_dim3A_432 : vector<8x1280xi1>, vector<8x1280xf32>
      %reduce_sum3A_434 = arith.constant dense<0.000000e+00> : vector<8xf32>
      %reduce_sum3A_435 = vector.multi_reduction <add>, %select_n3A_433, %reduce_sum3A_434 [1] : vector<8x1280xf32> to vector<8xf32>
      %broadcast_in_dim3A_436 = vector.shape_cast %reduce_sum3A_435 : vector<8xf32> to vector<8x1xf32>
      %reduce_sum3A_437 = arith.constant dense<0.000000e+00> : vector<1xf32>
      %reduce_sum3A_438 = vector.multi_reduction <add>, %broadcast_in_dim3A_436, %reduce_sum3A_437 [0] : vector<8x1xf32> to vector<1xf32>
      %broadcast_in_dim3A_439 = vector.shape_cast %reduce_sum3A_438 : vector<1xf32> to vector<1x1xf32>
      %get3A_440 = arith.constant 0 : index
      %get3A_441 = arith.constant 0 : index
      %get3A_442 = vector.load %arg0[%get3A_440, %get3A_441] : memref<8x1280xf32, #tpu.memory_space<vmem>>, vector<8x1280xf32>
      %sub3A_443 = vector.broadcast %broadcast_in_dim3A_404 : vector<1x1xf32> to vector<8x1280xf32>
      %sub3A_444 = arith.subf %get3A_442, %sub3A_443 : vector<8x1280xf32>
      %get3A_445 = arith.constant 0 : index
      %get3A_446 = arith.constant 0 : index
      %get3A_447 = vector.load %arg1[%get3A_445, %get3A_446] : memref<8x1280xf32, #tpu.memory_space<vmem>>, vector<8x1280xf32>
      %sub3A_448 = vector.broadcast %broadcast_in_dim3A_416 : vector<1x1xf32> to vector<8x1280xf32>
      %sub3A_449 = arith.subf %get3A_447, %sub3A_448 : vector<8x1280xf32>
      %get3A_450 = arith.constant 0 : index
      %get3A_451 = arith.constant 0 : index
      %get3A_452 = vector.load %arg2[%get3A_450, %get3A_451] : memref<8x1280xf32, #tpu.memory_space<vmem>>, vector<8x1280xf32>
      %sub3A_453 = vector.broadcast %broadcast_in_dim3A_428 : vector<1x1xf32> to vector<8x1280xf32>
      %sub3A_454 = arith.subf %get3A_452, %sub3A_453 : vector<8x1280xf32>
      %mul3A_455 = arith.mulf %sub3A_444, %sub3A_444 : vector<8x1280xf32>
      %mul3A_456 = arith.mulf %sub3A_449, %sub3A_449 : vector<8x1280xf32>
      %add3A_457 = arith.addf %mul3A_455, %mul3A_456 : vector<8x1280xf32>
      %mul3A_458 = arith.mulf %sub3A_454, %sub3A_454 : vector<8x1280xf32>
      %add3A_459 = arith.addf %add3A_457, %mul3A_458 : vector<8x1280xf32>
      %min3A_460 = arith.minimumf %cond3A_331#0, %add3A_459 : vector<8x1280xf32>
      %squeeze3A_461 = vector.extract %broadcast_in_dim3A_439[0, 0] : f32 from vector<1x1xf32>
      %gt3A_462 = arith.constant 1.000000e+00 : f32
      %gt3A_463 = arith.cmpf ogt, %squeeze3A_461, %gt3A_462 : f32
      %convert_element_type3A_464 = arith.extui %gt3A_463 : i1 to i32
      %cond3A_465 = arith.constant 0 : i32
      %cond3A_466 = arith.cmpi ne, %convert_element_type3A_464, %cond3A_465 : i32
      %cond3A_467:4 = scf.if %cond3A_466 -> (vector<8x1280xf32>, vector<1x1xf32>, vector<1x1xf32>, vector<1x1xf32>) {
        %get3A_507 = arith.constant 0 : index
        %get3A_508 = arith.constant 0 : index
        %get3A_509 = vector.load %arg8[%get3A_507, %get3A_508] : memref<8x1280xf32, #tpu.memory_space<vmem>>, vector<8x1280xf32>
        %eq3A_510 = vector.broadcast %broadcast_in_dim3A_392 : vector<1x1xf32> to vector<8x1280xf32>
        %eq3A_511 = arith.cmpf oeq, %get3A_509, %eq3A_510 : vector<8x1280xf32>
        %get3A_512 = arith.constant 0 : index
        %get3A_513 = arith.constant 0 : index
        %get3A_514 = vector.load %arg0[%get3A_512, %get3A_513] : memref<8x1280xf32, #tpu.memory_space<vmem>>, vector<8x1280xf32>
        %jit3A_515 = arith.constant 0.000000e+00 : f32
        %broadcast_in_dim3A_516 = vector.broadcast %jit3A_515 : f32 to vector<8x1280xf32>
        %select_n3A_517 = arith.select %eq3A_511, %get3A_514, %broadcast_in_dim3A_516 : vector<8x1280xi1>, vector<8x1280xf32>
        %reduce_sum3A_518 = arith.constant dense<0.000000e+00> : vector<8xf32>
        %reduce_sum3A_519 = vector.multi_reduction <add>, %select_n3A_517, %reduce_sum3A_518 [1] : vector<8x1280xf32> to vector<8xf32>
        %broadcast_in_dim3A_520 = vector.shape_cast %reduce_sum3A_519 : vector<8xf32> to vector<8x1xf32>
        %reduce_sum3A_521 = arith.constant dense<0.000000e+00> : vector<1xf32>
        %reduce_sum3A_522 = vector.multi_reduction <add>, %broadcast_in_dim3A_520, %reduce_sum3A_521 [0] : vector<8x1xf32> to vector<1xf32>
        %broadcast_in_dim3A_523 = vector.shape_cast %reduce_sum3A_522 : vector<1xf32> to vector<1x1xf32>
        %get3A_524 = arith.constant 0 : index
        %get3A_525 = arith.constant 0 : index
        %get3A_526 = vector.load %arg1[%get3A_524, %get3A_525] : memref<8x1280xf32, #tpu.memory_space<vmem>>, vector<8x1280xf32>
        %jit3A_527 = arith.constant 0.000000e+00 : f32
        %broadcast_in_dim3A_528 = vector.broadcast %jit3A_527 : f32 to vector<8x1280xf32>
        %select_n3A_529 = arith.select %eq3A_511, %get3A_526, %broadcast_in_dim3A_528 : vector<8x1280xi1>, vector<8x1280xf32>
        %reduce_sum3A_530 = arith.constant dense<0.000000e+00> : vector<8xf32>
        %reduce_sum3A_531 = vector.multi_reduction <add>, %select_n3A_529, %reduce_sum3A_530 [1] : vector<8x1280xf32> to vector<8xf32>
        %broadcast_in_dim3A_532 = vector.shape_cast %reduce_sum3A_531 : vector<8xf32> to vector<8x1xf32>
        %reduce_sum3A_533 = arith.constant dense<0.000000e+00> : vector<1xf32>
        %reduce_sum3A_534 = vector.multi_reduction <add>, %broadcast_in_dim3A_532, %reduce_sum3A_533 [0] : vector<8x1xf32> to vector<1xf32>
        %broadcast_in_dim3A_535 = vector.shape_cast %reduce_sum3A_534 : vector<1xf32> to vector<1x1xf32>
        %get3A_536 = arith.constant 0 : index
        %get3A_537 = arith.constant 0 : index
        %get3A_538 = vector.load %arg2[%get3A_536, %get3A_537] : memref<8x1280xf32, #tpu.memory_space<vmem>>, vector<8x1280xf32>
        %jit3A_539 = arith.constant 0.000000e+00 : f32
        %broadcast_in_dim3A_540 = vector.broadcast %jit3A_539 : f32 to vector<8x1280xf32>
        %select_n3A_541 = arith.select %eq3A_511, %get3A_538, %broadcast_in_dim3A_540 : vector<8x1280xi1>, vector<8x1280xf32>
        %reduce_sum3A_542 = arith.constant dense<0.000000e+00> : vector<8xf32>
        %reduce_sum3A_543 = vector.multi_reduction <add>, %select_n3A_541, %reduce_sum3A_542 [1] : vector<8x1280xf32> to vector<8xf32>
        %broadcast_in_dim3A_544 = vector.shape_cast %reduce_sum3A_543 : vector<8xf32> to vector<8x1xf32>
        %reduce_sum3A_545 = arith.constant dense<0.000000e+00> : vector<1xf32>
        %reduce_sum3A_546 = vector.multi_reduction <add>, %broadcast_in_dim3A_544, %reduce_sum3A_545 [0] : vector<8x1xf32> to vector<1xf32>
        %broadcast_in_dim3A_547 = vector.shape_cast %reduce_sum3A_546 : vector<1xf32> to vector<1x1xf32>
        %get3A_548 = arith.constant 0 : index
        %get3A_549 = arith.constant 0 : index
        %get3A_550 = vector.load %arg0[%get3A_548, %get3A_549] : memref<8x1280xf32, #tpu.memory_space<vmem>>, vector<8x1280xf32>
        %sub3A_551 = vector.broadcast %broadcast_in_dim3A_523 : vector<1x1xf32> to vector<8x1280xf32>
        %sub3A_552 = arith.subf %get3A_550, %sub3A_551 : vector<8x1280xf32>
        %get3A_553 = arith.constant 0 : index
        %get3A_554 = arith.constant 0 : index
        %get3A_555 = vector.load %arg1[%get3A_553, %get3A_554] : memref<8x1280xf32, #tpu.memory_space<vmem>>, vector<8x1280xf32>
        %sub3A_556 = vector.broadcast %broadcast_in_dim3A_535 : vector<1x1xf32> to vector<8x1280xf32>
        %sub3A_557 = arith.subf %get3A_555, %sub3A_556 : vector<8x1280xf32>
        %get3A_558 = arith.constant 0 : index
        %get3A_559 = arith.constant 0 : index
        %get3A_560 = vector.load %arg2[%get3A_558, %get3A_559] : memref<8x1280xf32, #tpu.memory_space<vmem>>, vector<8x1280xf32>
        %sub3A_561 = vector.broadcast %broadcast_in_dim3A_547 : vector<1x1xf32> to vector<8x1280xf32>
        %sub3A_562 = arith.subf %get3A_560, %sub3A_561 : vector<8x1280xf32>
        %mul3A_563 = arith.mulf %sub3A_552, %sub3A_552 : vector<8x1280xf32>
        %mul3A_564 = arith.mulf %sub3A_557, %sub3A_557 : vector<8x1280xf32>
        %add3A_565 = arith.addf %mul3A_563, %mul3A_564 : vector<8x1280xf32>
        %mul3A_566 = arith.mulf %sub3A_562, %sub3A_562 : vector<8x1280xf32>
        %add3A_567 = arith.addf %add3A_565, %mul3A_566 : vector<8x1280xf32>
        %min3A_568 = arith.minimumf %cond3A_331#0, %add3A_567 : vector<8x1280xf32>
        scf.yield %min3A_568, %broadcast_in_dim3A_523, %broadcast_in_dim3A_535, %broadcast_in_dim3A_547 : vector<8x1280xf32>, vector<1x1xf32>, vector<1x1xf32>, vector<1x1xf32>
      } else {
        scf.yield %min3A_460, %broadcast_in_dim3A_404, %broadcast_in_dim3A_416, %broadcast_in_dim3A_428 : vector<8x1280xf32>, vector<1x1xf32>, vector<1x1xf32>, vector<1x1xf32>
      }
      %convert_element_type3A_468 = arith.fptosi %broadcast_in_dim3A_392 : vector<1x1xf32> to vector<1x1xi32>
      %eq3A_469 = vector.broadcast %scan3A_372 : i32 to vector<8x320xi32>
      %eq3A_470 = arith.cmpi eq, %add3A_16, %eq3A_469 : vector<8x320xi32>
      %get3A_471 = arith.constant 0 : index
      %get3A_472 = arith.constant 0 : index
      %get3A_473 = vector.load %arg3[%get3A_471, %get3A_472] : memref<8x320xi32, #tpu.memory_space<vmem>>, vector<8x320xi32>
      %broadcast_in_dim3A_474 = vector.shape_cast %convert_element_type3A_468 : vector<1x1xi32> to vector<1x1xi32>
      %broadcast_in_dim3A_475 = vector.broadcast %broadcast_in_dim3A_474 : vector<1x1xi32> to vector<8x320xi32>
      %select_n3A_476 = arith.select %eq3A_470, %broadcast_in_dim3A_475, %get3A_473 : vector<8x320xi1>, vector<8x320xi32>
      %swap3A_477 = arith.constant 0 : index
      %swap3A_478 = arith.constant 0 : index
      %swap3A_479 = vector.load %arg3[%swap3A_477, %swap3A_478] : memref<8x320xi32, #tpu.memory_space<vmem>>, vector<8x320xi32>
      tpu.vector_store %arg3[%swap3A_477, %swap3A_478], %select_n3A_476 {strides = array<i32>} : memref<8x320xi32, #tpu.memory_space<vmem>>, vector<8x320xi32>,
      %get3A_480 = arith.constant 0 : index
      %get3A_481 = arith.constant 0 : index
      %get3A_482 = vector.load %arg4[%get3A_480, %get3A_481] : memref<8x320xf32, #tpu.memory_space<vmem>>, vector<8x320xf32>
      %broadcast_in_dim3A_483 = vector.shape_cast %cond3A_467#1 : vector<1x1xf32> to vector<1x1xf32>
      %broadcast_in_dim3A_484 = vector.broadcast %broadcast_in_dim3A_483 : vector<1x1xf32> to vector<8x320xf32>
      %select_n3A_485 = arith.select %eq3A_470, %broadcast_in_dim3A_484, %get3A_482 : vector<8x320xi1>, vector<8x320xf32>
      %swap3A_486 = arith.constant 0 : index
      %swap3A_487 = arith.constant 0 : index
      %swap3A_488 = vector.load %arg4[%swap3A_486, %swap3A_487] : memref<8x320xf32, #tpu.memory_space<vmem>>, vector<8x320xf32>
      tpu.vector_store %arg4[%swap3A_486, %swap3A_487], %select_n3A_485 {strides = array<i32>} : memref<8x320xf32, #tpu.memory_space<vmem>>, vector<8x320xf32>,
      %get3A_489 = arith.constant 0 : index
      %get3A_490 = arith.constant 0 : index
      %get3A_491 = vector.load %arg5[%get3A_489, %get3A_490] : memref<8x320xf32, #tpu.memory_space<vmem>>, vector<8x320xf32>
      %broadcast_in_dim3A_492 = vector.shape_cast %cond3A_467#2 : vector<1x1xf32> to vector<1x1xf32>
      %broadcast_in_dim3A_493 = vector.broadcast %broadcast_in_dim3A_492 : vector<1x1xf32> to vector<8x320xf32>
      %select_n3A_494 = arith.select %eq3A_470, %broadcast_in_dim3A_493, %get3A_491 : vector<8x320xi1>, vector<8x320xf32>
      %swap3A_495 = arith.constant 0 : index
      %swap3A_496 = arith.constant 0 : index
      %swap3A_497 = vector.load %arg5[%swap3A_495, %swap3A_496] : memref<8x320xf32, #tpu.memory_space<vmem>>, vector<8x320xf32>
      tpu.vector_store %arg5[%swap3A_495, %swap3A_496], %select_n3A_494 {strides = array<i32>} : memref<8x320xf32, #tpu.memory_space<vmem>>, vector<8x320xf32>,
      %get3A_498 = arith.constant 0 : index
      %get3A_499 = arith.constant 0 : index
      %get3A_500 = vector.load %arg6[%get3A_498, %get3A_499] : memref<8x320xf32, #tpu.memory_space<vmem>>, vector<8x320xf32>
      %broadcast_in_dim3A_501 = vector.shape_cast %cond3A_467#3 : vector<1x1xf32> to vector<1x1xf32>
      %broadcast_in_dim3A_502 = vector.broadcast %broadcast_in_dim3A_501 : vector<1x1xf32> to vector<8x320xf32>
      %select_n3A_503 = arith.select %eq3A_470, %broadcast_in_dim3A_502, %get3A_500 : vector<8x320xi1>, vector<8x320xf32>
      %swap3A_504 = arith.constant 0 : index
      %swap3A_505 = arith.constant 0 : index
      %swap3A_506 = vector.load %arg6[%swap3A_504, %swap3A_505] : memref<8x320xf32, #tpu.memory_space<vmem>>, vector<8x320xf32>
      tpu.vector_store %arg6[%swap3A_504, %swap3A_505], %select_n3A_503 {strides = array<i32>} : memref<8x320xf32, #tpu.memory_space<vmem>>, vector<8x320xf32>,
      scf.yield %cond3A_467#0 : vector<8x1280xf32>
    }
    %scan3A_81 = arith.constant 2498 : i32
    %scan3A_82 = arith.addi %scan3A, %scan3A_81 : i32
    %reduce_max3A = arith.constant dense<0xFF800000> : vector<8xf32>
    %reduce_max3A_83 = vector.multi_reduction <maximumf>, %scan3A_80, %reduce_max3A [1] : vector<8x1280xf32> to vector<8xf32>
    %broadcast_in_dim3A_84 = vector.shape_cast %reduce_max3A_83 : vector<8xf32> to vector<8x1xf32>
    %reduce_max3A_85 = arith.constant dense<0xFF800000> : vector<1xf32>
    %reduce_max3A_86 = vector.multi_reduction <maximumf>, %broadcast_in_dim3A_84, %reduce_max3A_85 [0] : vector<8x1xf32> to vector<1xf32>
    %broadcast_in_dim3A_87 = vector.shape_cast %reduce_max3A_86 : vector<1xf32> to vector<1x1xf32>
    %eq3A_88 = vector.broadcast %broadcast_in_dim3A_87 : vector<1x1xf32> to vector<8x1280xf32>
    %eq3A_89 = arith.cmpf oeq, %scan3A_80, %eq3A_88 : vector<8x1280xf32>
    %get3A_90 = arith.constant 0 : index
    %get3A_91 = arith.constant 0 : index
    %get3A_92 = vector.load %arg8[%get3A_90, %get3A_91] : memref<8x1280xf32, #tpu.memory_space<vmem>>, vector<8x1280xf32>
    %jit3A_93 = arith.constant 3.000000e+07 : f32
    %broadcast_in_dim3A_94 = vector.broadcast %jit3A_93 : f32 to vector<8x1280xf32>
    %select_n3A_95 = arith.select %eq3A_89, %get3A_92, %broadcast_in_dim3A_94 : vector<8x1280xi1>, vector<8x1280xf32>
    %reduce_min3A = arith.constant dense<0x7F800000> : vector<8xf32>
    %reduce_min3A_96 = vector.multi_reduction <minimumf>, %select_n3A_95, %reduce_min3A [1] : vector<8x1280xf32> to vector<8xf32>
    %broadcast_in_dim3A_97 = vector.shape_cast %reduce_min3A_96 : vector<8xf32> to vector<8x1xf32>
    %reduce_min3A_98 = arith.constant dense<0x7F800000> : vector<1xf32>
    %reduce_min3A_99 = vector.multi_reduction <minimumf>, %broadcast_in_dim3A_97, %reduce_min3A_98 [0] : vector<8x1xf32> to vector<1xf32>
    %broadcast_in_dim3A_100 = vector.shape_cast %reduce_min3A_99 : vector<1xf32> to vector<1x1xf32>
    %get3A_101 = arith.constant 0 : index
    %get3A_102 = arith.constant 0 : index
    %get3A_103 = vector.load %arg0[%get3A_101, %get3A_102] : memref<8x1280xf32, #tpu.memory_space<vmem>>, vector<8x1280xf32>
    %jit3A_104 = arith.constant 0.000000e+00 : f32
    %broadcast_in_dim3A_105 = vector.broadcast %jit3A_104 : f32 to vector<8x1280xf32>
    %select_n3A_106 = arith.select %eq3A_89, %get3A_103, %broadcast_in_dim3A_105 : vector<8x1280xi1>, vector<8x1280xf32>
    %reduce_sum3A_107 = arith.constant dense<0.000000e+00> : vector<8xf32>
    %reduce_sum3A_108 = vector.multi_reduction <add>, %select_n3A_106, %reduce_sum3A_107 [1] : vector<8x1280xf32> to vector<8xf32>
    %broadcast_in_dim3A_109 = vector.shape_cast %reduce_sum3A_108 : vector<8xf32> to vector<8x1xf32>
    %reduce_sum3A_110 = arith.constant dense<0.000000e+00> : vector<1xf32>
    %reduce_sum3A_111 = vector.multi_reduction <add>, %broadcast_in_dim3A_109, %reduce_sum3A_110 [0] : vector<8x1xf32> to vector<1xf32>
    %broadcast_in_dim3A_112 = vector.shape_cast %reduce_sum3A_111 : vector<1xf32> to vector<1x1xf32>
    %get3A_113 = arith.constant 0 : index
    %get3A_114 = arith.constant 0 : index
    %get3A_115 = vector.load %arg1[%get3A_113, %get3A_114] : memref<8x1280xf32, #tpu.memory_space<vmem>>, vector<8x1280xf32>
    %jit3A_116 = arith.constant 0.000000e+00 : f32
    %broadcast_in_dim3A_117 = vector.broadcast %jit3A_116 : f32 to vector<8x1280xf32>
    %select_n3A_118 = arith.select %eq3A_89, %get3A_115, %broadcast_in_dim3A_117 : vector<8x1280xi1>, vector<8x1280xf32>
    %reduce_sum3A_119 = arith.constant dense<0.000000e+00> : vector<8xf32>
    %reduce_sum3A_120 = vector.multi_reduction <add>, %select_n3A_118, %reduce_sum3A_119 [1] : vector<8x1280xf32> to vector<8xf32>
    %broadcast_in_dim3A_121 = vector.shape_cast %reduce_sum3A_120 : vector<8xf32> to vector<8x1xf32>
    %reduce_sum3A_122 = arith.constant dense<0.000000e+00> : vector<1xf32>
    %reduce_sum3A_123 = vector.multi_reduction <add>, %broadcast_in_dim3A_121, %reduce_sum3A_122 [0] : vector<8x1xf32> to vector<1xf32>
    %broadcast_in_dim3A_124 = vector.shape_cast %reduce_sum3A_123 : vector<1xf32> to vector<1x1xf32>
    %get3A_125 = arith.constant 0 : index
    %get3A_126 = arith.constant 0 : index
    %get3A_127 = vector.load %arg2[%get3A_125, %get3A_126] : memref<8x1280xf32, #tpu.memory_space<vmem>>, vector<8x1280xf32>
    %jit3A_128 = arith.constant 0.000000e+00 : f32
    %broadcast_in_dim3A_129 = vector.broadcast %jit3A_128 : f32 to vector<8x1280xf32>
    %select_n3A_130 = arith.select %eq3A_89, %get3A_127, %broadcast_in_dim3A_129 : vector<8x1280xi1>, vector<8x1280xf32>
    %reduce_sum3A_131 = arith.constant dense<0.000000e+00> : vector<8xf32>
    %reduce_sum3A_132 = vector.multi_reduction <add>, %select_n3A_130, %reduce_sum3A_131 [1] : vector<8x1280xf32> to vector<8xf32>
    %broadcast_in_dim3A_133 = vector.shape_cast %reduce_sum3A_132 : vector<8xf32> to vector<8x1xf32>
    %reduce_sum3A_134 = arith.constant dense<0.000000e+00> : vector<1xf32>
    %reduce_sum3A_135 = vector.multi_reduction <add>, %broadcast_in_dim3A_133, %reduce_sum3A_134 [0] : vector<8x1xf32> to vector<1xf32>
    %broadcast_in_dim3A_136 = vector.shape_cast %reduce_sum3A_135 : vector<1xf32> to vector<1x1xf32>
    %jit3A_137 = arith.constant 1.000000e+00 : f32
    %jit3A_138 = arith.constant 0.000000e+00 : f32
    %broadcast_in_dim3A_139 = vector.broadcast %jit3A_137 : f32 to vector<8x1280xf32>
    %broadcast_in_dim3A_140 = vector.broadcast %jit3A_138 : f32 to vector<8x1280xf32>
    %select_n3A_141 = arith.select %eq3A_89, %broadcast_in_dim3A_139, %broadcast_in_dim3A_140 : vector<8x1280xi1>, vector<8x1280xf32>
    %reduce_sum3A_142 = arith.constant dense<0.000000e+00> : vector<8xf32>
    %reduce_sum3A_143 = vector.multi_reduction <add>, %select_n3A_141, %reduce_sum3A_142 [1] : vector<8x1280xf32> to vector<8xf32>
    %broadcast_in_dim3A_144 = vector.shape_cast %reduce_sum3A_143 : vector<8xf32> to vector<8x1xf32>
    %reduce_sum3A_145 = arith.constant dense<0.000000e+00> : vector<1xf32>
    %reduce_sum3A_146 = vector.multi_reduction <add>, %broadcast_in_dim3A_144, %reduce_sum3A_145 [0] : vector<8x1xf32> to vector<1xf32>
    %broadcast_in_dim3A_147 = vector.shape_cast %reduce_sum3A_146 : vector<1xf32> to vector<1x1xf32>
    %get3A_148 = arith.constant 0 : index
    %get3A_149 = arith.constant 0 : index
    %get3A_150 = vector.load %arg0[%get3A_148, %get3A_149] : memref<8x1280xf32, #tpu.memory_space<vmem>>, vector<8x1280xf32>
    %sub3A_151 = vector.broadcast %broadcast_in_dim3A_112 : vector<1x1xf32> to vector<8x1280xf32>
    %sub3A_152 = arith.subf %get3A_150, %sub3A_151 : vector<8x1280xf32>
    %get3A_153 = arith.constant 0 : index
    %get3A_154 = arith.constant 0 : index
    %get3A_155 = vector.load %arg1[%get3A_153, %get3A_154] : memref<8x1280xf32, #tpu.memory_space<vmem>>, vector<8x1280xf32>
    %sub3A_156 = vector.broadcast %broadcast_in_dim3A_124 : vector<1x1xf32> to vector<8x1280xf32>
    %sub3A_157 = arith.subf %get3A_155, %sub3A_156 : vector<8x1280xf32>
    %get3A_158 = arith.constant 0 : index
    %get3A_159 = arith.constant 0 : index
    %get3A_160 = vector.load %arg2[%get3A_158, %get3A_159] : memref<8x1280xf32, #tpu.memory_space<vmem>>, vector<8x1280xf32>
    %sub3A_161 = vector.broadcast %broadcast_in_dim3A_136 : vector<1x1xf32> to vector<8x1280xf32>
    %sub3A_162 = arith.subf %get3A_160, %sub3A_161 : vector<8x1280xf32>
    %mul3A_163 = arith.mulf %sub3A_152, %sub3A_152 : vector<8x1280xf32>
    %mul3A_164 = arith.mulf %sub3A_157, %sub3A_157 : vector<8x1280xf32>
    %add3A_165 = arith.addf %mul3A_163, %mul3A_164 : vector<8x1280xf32>
    %mul3A_166 = arith.mulf %sub3A_162, %sub3A_162 : vector<8x1280xf32>
    %add3A_167 = arith.addf %add3A_165, %mul3A_166 : vector<8x1280xf32>
    %min3A = arith.minimumf %scan3A_80, %add3A_167 : vector<8x1280xf32>
    %squeeze3A = vector.extract %broadcast_in_dim3A_147[0, 0] : f32 from vector<1x1xf32>
    %gt3A = arith.constant 1.000000e+00 : f32
    %gt3A_168 = arith.cmpf ogt, %squeeze3A, %gt3A : f32
    %convert_element_type3A_169 = arith.extui %gt3A_168 : i1 to i32
    %cond3A = arith.constant 0 : i32
    %cond3A_170 = arith.cmpi ne, %convert_element_type3A_169, %cond3A : i32
    %cond3A_171:4 = scf.if %cond3A_170 -> (vector<8x1280xf32>, vector<1x1xf32>, vector<1x1xf32>, vector<1x1xf32>) {
      %get3A_235 = arith.constant 0 : index
      %get3A_236 = arith.constant 0 : index
      %get3A_237 = vector.load %arg8[%get3A_235, %get3A_236] : memref<8x1280xf32, #tpu.memory_space<vmem>>, vector<8x1280xf32>
      %eq3A_238 = vector.broadcast %broadcast_in_dim3A_100 : vector<1x1xf32> to vector<8x1280xf32>
      %eq3A_239 = arith.cmpf oeq, %get3A_237, %eq3A_238 : vector<8x1280xf32>
      %get3A_240 = arith.constant 0 : index
      %get3A_241 = arith.constant 0 : index
      %get3A_242 = vector.load %arg0[%get3A_240, %get3A_241] : memref<8x1280xf32, #tpu.memory_space<vmem>>, vector<8x1280xf32>
      %jit3A_243 = arith.constant 0.000000e+00 : f32
      %broadcast_in_dim3A_244 = vector.broadcast %jit3A_243 : f32 to vector<8x1280xf32>
      %select_n3A_245 = arith.select %eq3A_239, %get3A_242, %broadcast_in_dim3A_244 : vector<8x1280xi1>, vector<8x1280xf32>
      %reduce_sum3A_246 = arith.constant dense<0.000000e+00> : vector<8xf32>
      %reduce_sum3A_247 = vector.multi_reduction <add>, %select_n3A_245, %reduce_sum3A_246 [1] : vector<8x1280xf32> to vector<8xf32>
      %broadcast_in_dim3A_248 = vector.shape_cast %reduce_sum3A_247 : vector<8xf32> to vector<8x1xf32>
      %reduce_sum3A_249 = arith.constant dense<0.000000e+00> : vector<1xf32>
      %reduce_sum3A_250 = vector.multi_reduction <add>, %broadcast_in_dim3A_248, %reduce_sum3A_249 [0] : vector<8x1xf32> to vector<1xf32>
      %broadcast_in_dim3A_251 = vector.shape_cast %reduce_sum3A_250 : vector<1xf32> to vector<1x1xf32>
      %get3A_252 = arith.constant 0 : index
      %get3A_253 = arith.constant 0 : index
      %get3A_254 = vector.load %arg1[%get3A_252, %get3A_253] : memref<8x1280xf32, #tpu.memory_space<vmem>>, vector<8x1280xf32>
      %jit3A_255 = arith.constant 0.000000e+00 : f32
      %broadcast_in_dim3A_256 = vector.broadcast %jit3A_255 : f32 to vector<8x1280xf32>
      %select_n3A_257 = arith.select %eq3A_239, %get3A_254, %broadcast_in_dim3A_256 : vector<8x1280xi1>, vector<8x1280xf32>
      %reduce_sum3A_258 = arith.constant dense<0.000000e+00> : vector<8xf32>
      %reduce_sum3A_259 = vector.multi_reduction <add>, %select_n3A_257, %reduce_sum3A_258 [1] : vector<8x1280xf32> to vector<8xf32>
      %broadcast_in_dim3A_260 = vector.shape_cast %reduce_sum3A_259 : vector<8xf32> to vector<8x1xf32>
      %reduce_sum3A_261 = arith.constant dense<0.000000e+00> : vector<1xf32>
      %reduce_sum3A_262 = vector.multi_reduction <add>, %broadcast_in_dim3A_260, %reduce_sum3A_261 [0] : vector<8x1xf32> to vector<1xf32>
      %broadcast_in_dim3A_263 = vector.shape_cast %reduce_sum3A_262 : vector<1xf32> to vector<1x1xf32>
      %get3A_264 = arith.constant 0 : index
      %get3A_265 = arith.constant 0 : index
      %get3A_266 = vector.load %arg2[%get3A_264, %get3A_265] : memref<8x1280xf32, #tpu.memory_space<vmem>>, vector<8x1280xf32>
      %jit3A_267 = arith.constant 0.000000e+00 : f32
      %broadcast_in_dim3A_268 = vector.broadcast %jit3A_267 : f32 to vector<8x1280xf32>
      %select_n3A_269 = arith.select %eq3A_239, %get3A_266, %broadcast_in_dim3A_268 : vector<8x1280xi1>, vector<8x1280xf32>
      %reduce_sum3A_270 = arith.constant dense<0.000000e+00> : vector<8xf32>
      %reduce_sum3A_271 = vector.multi_reduction <add>, %select_n3A_269, %reduce_sum3A_270 [1] : vector<8x1280xf32> to vector<8xf32>
      %broadcast_in_dim3A_272 = vector.shape_cast %reduce_sum3A_271 : vector<8xf32> to vector<8x1xf32>
      %reduce_sum3A_273 = arith.constant dense<0.000000e+00> : vector<1xf32>
      %reduce_sum3A_274 = vector.multi_reduction <add>, %broadcast_in_dim3A_272, %reduce_sum3A_273 [0] : vector<8x1xf32> to vector<1xf32>
      %broadcast_in_dim3A_275 = vector.shape_cast %reduce_sum3A_274 : vector<1xf32> to vector<1x1xf32>
      %get3A_276 = arith.constant 0 : index
      %get3A_277 = arith.constant 0 : index
      %get3A_278 = vector.load %arg0[%get3A_276, %get3A_277] : memref<8x1280xf32, #tpu.memory_space<vmem>>, vector<8x1280xf32>
      %sub3A_279 = vector.broadcast %broadcast_in_dim3A_251 : vector<1x1xf32> to vector<8x1280xf32>
      %sub3A_280 = arith.subf %get3A_278, %sub3A_279 : vector<8x1280xf32>
      %get3A_281 = arith.constant 0 : index
      %get3A_282 = arith.constant 0 : index
      %get3A_283 = vector.load %arg1[%get3A_281, %get3A_282] : memref<8x1280xf32, #tpu.memory_space<vmem>>, vector<8x1280xf32>
      %sub3A_284 = vector.broadcast %broadcast_in_dim3A_263 : vector<1x1xf32> to vector<8x1280xf32>
      %sub3A_285 = arith.subf %get3A_283, %sub3A_284 : vector<8x1280xf32>
      %get3A_286 = arith.constant 0 : index
      %get3A_287 = arith.constant 0 : index
      %get3A_288 = vector.load %arg2[%get3A_286, %get3A_287] : memref<8x1280xf32, #tpu.memory_space<vmem>>, vector<8x1280xf32>
      %sub3A_289 = vector.broadcast %broadcast_in_dim3A_275 : vector<1x1xf32> to vector<8x1280xf32>
      %sub3A_290 = arith.subf %get3A_288, %sub3A_289 : vector<8x1280xf32>
      %mul3A_291 = arith.mulf %sub3A_280, %sub3A_280 : vector<8x1280xf32>
      %mul3A_292 = arith.mulf %sub3A_285, %sub3A_285 : vector<8x1280xf32>
      %add3A_293 = arith.addf %mul3A_291, %mul3A_292 : vector<8x1280xf32>
      %mul3A_294 = arith.mulf %sub3A_290, %sub3A_290 : vector<8x1280xf32>
      %add3A_295 = arith.addf %add3A_293, %mul3A_294 : vector<8x1280xf32>
      %min3A_296 = arith.minimumf %scan3A_80, %add3A_295 : vector<8x1280xf32>
      scf.yield %min3A_296, %broadcast_in_dim3A_251, %broadcast_in_dim3A_263, %broadcast_in_dim3A_275 : vector<8x1280xf32>, vector<1x1xf32>, vector<1x1xf32>, vector<1x1xf32>
    } else {
      scf.yield %min3A, %broadcast_in_dim3A_112, %broadcast_in_dim3A_124, %broadcast_in_dim3A_136 : vector<8x1280xf32>, vector<1x1xf32>, vector<1x1xf32>, vector<1x1xf32>
    }
    %convert_element_type3A_172 = arith.fptosi %broadcast_in_dim3A_100 : vector<1x1xf32> to vector<1x1xi32>
    %eq3A_173 = vector.broadcast %scan3A_82 : i32 to vector<8x320xi32>
    %eq3A_174 = arith.cmpi eq, %add3A_16, %eq3A_173 : vector<8x320xi32>
    %get3A_175 = arith.constant 0 : index
    %get3A_176 = arith.constant 0 : index
    %get3A_177 = vector.load %arg3[%get3A_175, %get3A_176] : memref<8x320xi32, #tpu.memory_space<vmem>>, vector<8x320xi32>
    %broadcast_in_dim3A_178 = vector.shape_cast %convert_element_type3A_172 : vector<1x1xi32> to vector<1x1xi32>
    %broadcast_in_dim3A_179 = vector.broadcast %broadcast_in_dim3A_178 : vector<1x1xi32> to vector<8x320xi32>
    %select_n3A_180 = arith.select %eq3A_174, %broadcast_in_dim3A_179, %get3A_177 : vector<8x320xi1>, vector<8x320xi32>
    %swap3A_181 = arith.constant 0 : index
    %swap3A_182 = arith.constant 0 : index
    %swap3A_183 = vector.load %arg3[%swap3A_181, %swap3A_182] : memref<8x320xi32, #tpu.memory_space<vmem>>, vector<8x320xi32>
    tpu.vector_store %arg3[%swap3A_181, %swap3A_182], %select_n3A_180 {strides = array<i32>} : memref<8x320xi32, #tpu.memory_space<vmem>>, vector<8x320xi32>,
    %get3A_184 = arith.constant 0 : index
    %get3A_185 = arith.constant 0 : index
    %get3A_186 = vector.load %arg4[%get3A_184, %get3A_185] : memref<8x320xf32, #tpu.memory_space<vmem>>, vector<8x320xf32>
    %broadcast_in_dim3A_187 = vector.shape_cast %cond3A_171#1 : vector<1x1xf32> to vector<1x1xf32>
    %broadcast_in_dim3A_188 = vector.broadcast %broadcast_in_dim3A_187 : vector<1x1xf32> to vector<8x320xf32>
    %select_n3A_189 = arith.select %eq3A_174, %broadcast_in_dim3A_188, %get3A_186 : vector<8x320xi1>, vector<8x320xf32>
    %swap3A_190 = arith.constant 0 : index
    %swap3A_191 = arith.constant 0 : index
    %swap3A_192 = vector.load %arg4[%swap3A_190, %swap3A_191] : memref<8x320xf32, #tpu.memory_space<vmem>>, vector<8x320xf32>
    tpu.vector_store %arg4[%swap3A_190, %swap3A_191], %select_n3A_189 {strides = array<i32>} : memref<8x320xf32, #tpu.memory_space<vmem>>, vector<8x320xf32>,
    %get3A_193 = arith.constant 0 : index
    %get3A_194 = arith.constant 0 : index
    %get3A_195 = vector.load %arg5[%get3A_193, %get3A_194] : memref<8x320xf32, #tpu.memory_space<vmem>>, vector<8x320xf32>
    %broadcast_in_dim3A_196 = vector.shape_cast %cond3A_171#2 : vector<1x1xf32> to vector<1x1xf32>
    %broadcast_in_dim3A_197 = vector.broadcast %broadcast_in_dim3A_196 : vector<1x1xf32> to vector<8x320xf32>
    %select_n3A_198 = arith.select %eq3A_174, %broadcast_in_dim3A_197, %get3A_195 : vector<8x320xi1>, vector<8x320xf32>
    %swap3A_199 = arith.constant 0 : index
    %swap3A_200 = arith.constant 0 : index
    %swap3A_201 = vector.load %arg5[%swap3A_199, %swap3A_200] : memref<8x320xf32, #tpu.memory_space<vmem>>, vector<8x320xf32>
    tpu.vector_store %arg5[%swap3A_199, %swap3A_200], %select_n3A_198 {strides = array<i32>} : memref<8x320xf32, #tpu.memory_space<vmem>>, vector<8x320xf32>,
    %get3A_202 = arith.constant 0 : index
    %get3A_203 = arith.constant 0 : index
    %get3A_204 = vector.load %arg6[%get3A_202, %get3A_203] : memref<8x320xf32, #tpu.memory_space<vmem>>, vector<8x320xf32>
    %broadcast_in_dim3A_205 = vector.shape_cast %cond3A_171#3 : vector<1x1xf32> to vector<1x1xf32>
    %broadcast_in_dim3A_206 = vector.broadcast %broadcast_in_dim3A_205 : vector<1x1xf32> to vector<8x320xf32>
    %select_n3A_207 = arith.select %eq3A_174, %broadcast_in_dim3A_206, %get3A_204 : vector<8x320xi1>, vector<8x320xf32>
    %swap3A_208 = arith.constant 0 : index
    %swap3A_209 = arith.constant 0 : index
    %swap3A_210 = vector.load %arg6[%swap3A_208, %swap3A_209] : memref<8x320xf32, #tpu.memory_space<vmem>>, vector<8x320xf32>
    tpu.vector_store %arg6[%swap3A_208, %swap3A_209], %select_n3A_207 {strides = array<i32>} : memref<8x320xf32, #tpu.memory_space<vmem>>, vector<8x320xf32>,
    %scan3A_211 = arith.constant 2499 : i32
    %get3A_212 = arith.constant 0 : index
    %get3A_213 = arith.constant 0 : index
    %get3A_214 = vector.load %arg4[%get3A_212, %get3A_213] : memref<8x320xf32, #tpu.memory_space<vmem>>, vector<8x320xf32>
    %get3A_215 = arith.constant 0 : index
    %get3A_216 = arith.constant 0 : index
    %get3A_217 = vector.load %arg5[%get3A_215, %get3A_216] : memref<8x320xf32, #tpu.memory_space<vmem>>, vector<8x320xf32>
    %get3A_218 = arith.constant 0 : index
    %get3A_219 = arith.constant 0 : index
    %get3A_220 = vector.load %arg6[%get3A_218, %get3A_219] : memref<8x320xf32, #tpu.memory_space<vmem>>, vector<8x320xf32>
    %mul3A_221 = arith.mulf %get3A_214, %get3A_214 : vector<8x320xf32>
    %mul3A_222 = arith.mulf %get3A_217, %get3A_217 : vector<8x320xf32>
    %add3A_223 = arith.addf %mul3A_221, %mul3A_222 : vector<8x320xf32>
    %mul3A_224 = arith.mulf %get3A_220, %get3A_220 : vector<8x320xf32>
    %add3A_225 = arith.addf %add3A_223, %mul3A_224 : vector<8x320xf32>
    %lt3A_226 = arith.constant 2500 : i32
    %lt3A_227 = vector.broadcast %lt3A_226 : i32 to vector<8x320xi32>
    %lt3A_228 = arith.cmpi slt, %add3A_16, %lt3A_227 : vector<8x320xi32>
    %jit3A_229 = arith.constant 1.000000e+30 : f32
    %broadcast_in_dim3A_230 = vector.broadcast %jit3A_229 : f32 to vector<8x320xf32>
    %select_n3A_231 = arith.select %lt3A_228, %add3A_225, %broadcast_in_dim3A_230 : vector<8x320xi1>, vector<8x320xf32>
    %swap3A_232 = arith.constant 0 : index
    %swap3A_233 = arith.constant 0 : index
    %swap3A_234 = vector.load %arg7[%swap3A_232, %swap3A_233] : memref<8x320xf32, #tpu.memory_space<vmem>>, vector<8x320xf32>
    tpu.vector_store %arg7[%swap3A_232, %swap3A_233], %select_n3A_231 {strides = array<i32>} : memref<8x320xf32, #tpu.memory_space<vmem>>, vector<8x320xf32>,
    return
  }
}

module attributes {stable_mosaic.version = 14 : i64} {
  func.func @_mlph_body(%arg0: memref<2500x128xf32, #tpu.memory_space<vmem>>, %arg1: memref<2500x3xf32, #tpu.memory_space<vmem>>, %arg2: memref<128x128xf32, #tpu.memory_space<vmem>>, %arg3: memref<1x128xf32, #tpu.memory_space<vmem>>, %arg4: memref<128x3xf32, #tpu.memory_space<vmem>>, %arg5: memref<1x3xf32, #tpu.memory_space<vmem>>, %arg6: memref<2500x3xf32, #tpu.memory_space<vmem>>) attributes {dimension_semantics = [], scalar_prefetch = 0 : i64, scratch_operands = 0 : i64, tpu.core_type = #tpu.core_type<tc>} {
    %get3A = arith.constant 0 : index
    %get3A_0 = arith.constant 0 : index
    %get3A_1 = vector.load %arg0[%get3A, %get3A_0] : memref<2500x128xf32, #tpu.memory_space<vmem>>, vector<2500x128xf32>
    %get3A_2 = arith.constant 0 : index
    %get3A_3 = arith.constant 0 : index
    %get3A_4 = vector.load %arg2[%get3A_2, %get3A_3] : memref<128x128xf32, #tpu.memory_space<vmem>>, vector<128x128xf32>
    %dot_general3A = arith.constant dense<0.000000e+00> : vector<2500x128xf32>
    %dot_general3A_5 = tpu.matmul %get3A_1, %get3A_4, %dot_general3A {dimension_numbers = #tpu.dot_dimension_numbers<[1], [0], [0], [1], [0, 0, 1, 1], [], []>, transpose_lhs_hint = false} : vector<2500x128xf32>, vector<128x128xf32>, vector<2500x128xf32> -> vector<2500x128xf32>
    %get3A_6 = arith.constant 0 : index
    %get3A_7 = arith.constant 0 : index
    %get3A_8 = vector.load %arg3[%get3A_6, %get3A_7] : memref<1x128xf32, #tpu.memory_space<vmem>>, vector<1x128xf32>
    %add3A = vector.broadcast %get3A_8 : vector<1x128xf32> to vector<2500x128xf32>
    %add3A_9 = arith.addf %dot_general3A_5, %add3A : vector<2500x128xf32>
    %max3A = arith.constant 0.000000e+00 : f32
    %max3A_10 = vector.broadcast %max3A : f32 to vector<2500x128xf32>
    %max3A_11 = arith.maximumf %add3A_9, %max3A_10 : vector<2500x128xf32>
    %get3A_12 = arith.constant 0 : index
    %get3A_13 = arith.constant 0 : index
    %get3A_14 = vector.load %arg4[%get3A_12, %get3A_13] : memref<128x3xf32, #tpu.memory_space<vmem>>, vector<128x3xf32>
    %dot_general3A_15 = arith.constant dense<0.000000e+00> : vector<2500x3xf32>
    %dot_general3A_16 = tpu.matmul %max3A_11, %get3A_14, %dot_general3A_15 {dimension_numbers = #tpu.dot_dimension_numbers<[1], [0], [0], [1], [0, 0, 1, 1], [], []>, transpose_lhs_hint = false} : vector<2500x128xf32>, vector<128x3xf32>, vector<2500x3xf32> -> vector<2500x3xf32>
    %get3A_17 = arith.constant 0 : index
    %get3A_18 = arith.constant 0 : index
    %get3A_19 = vector.load %arg5[%get3A_17, %get3A_18] : memref<1x3xf32, #tpu.memory_space<vmem>>, vector<1x3xf32>
    %add3A_20 = vector.broadcast %get3A_19 : vector<1x3xf32> to vector<2500x3xf32>
    %add3A_21 = arith.addf %dot_general3A_16, %add3A_20 : vector<2500x3xf32>
    %get3A_22 = arith.constant 0 : index
    %get3A_23 = arith.constant 0 : index
    %get3A_24 = vector.load %arg1[%get3A_22, %get3A_23] : memref<2500x3xf32, #tpu.memory_space<vmem>>, vector<2500x3xf32>
    %sub3A = arith.subf %get3A_24, %add3A_21 : vector<2500x3xf32>
    %swap3A = arith.constant 0 : index
    %swap3A_25 = arith.constant 0 : index
    %swap3A_26 = vector.load %arg6[%swap3A, %swap3A_25] : memref<2500x3xf32, #tpu.memory_space<vmem>>, vector<2500x3xf32>
    tpu.vector_store %arg6[%swap3A, %swap3A_25], %sub3A {strides = array<i32>} : memref<2500x3xf32, #tpu.memory_space<vmem>>, vector<2500x3xf32>,
    return
  }
}

module attributes {stable_mosaic.version = 14 : i64} {
  func.func @_knn_msg_body(%arg0: i32, %arg1: memref<400x8xf32, #tpu.memory_space<vmem>>, %arg2: memref<400x128xf32, #tpu.memory_space<vmem>>, %arg3: memref<8x2560xf32, #tpu.memory_space<vmem>>, %arg4: memref<1x2560xf32, #tpu.memory_space<vmem>>, %arg5: memref<2560x8xf32, #tpu.memory_space<vmem>>, %arg6: memref<128x128xf32, #tpu.memory_space<vmem>>, %arg7: memref<8x128xf32, #tpu.memory_space<vmem>>, %arg8: memref<128x128xf32, #tpu.memory_space<vmem>>, %arg9: memref<1x128xf32, #tpu.memory_space<vmem>>, %arg10: memref<1x1x400xi32, #tpu.memory_space<vmem>>, %arg11: memref<400x128xf32, #tpu.memory_space<vmem>>) attributes {dimension_semantics = [#tpu.dimension_semantics<arbitrary>], iteration_bounds = array<i64: 25>, scalar_prefetch = 0 : i64, scratch_operands = 0 : i64, tpu.core_type = #tpu.core_type<tc>, window_params = [{transform_indices = @transform_0, window_bounds = array<i64: 400, 8>}, {transform_indices = @transform_1, window_bounds = array<i64: 400, 128>}, {pipeline_mode = #tpu.pipeline_mode<synchronous>, transform_indices = @transform_2, window_bounds = array<i64: 8, 2560>}, {pipeline_mode = #tpu.pipeline_mode<synchronous>, transform_indices = @transform_3, window_bounds = array<i64: 1, 2560>}, {pipeline_mode = #tpu.pipeline_mode<synchronous>, transform_indices = @transform_4, window_bounds = array<i64: 2560, 8>}, {pipeline_mode = #tpu.pipeline_mode<synchronous>, transform_indices = @transform_5, window_bounds = array<i64: 128, 128>}, {pipeline_mode = #tpu.pipeline_mode<synchronous>, transform_indices = @transform_6, window_bounds = array<i64: 8, 128>}, {pipeline_mode = #tpu.pipeline_mode<synchronous>, transform_indices = @transform_7, window_bounds = array<i64: 128, 128>}, {pipeline_mode = #tpu.pipeline_mode<synchronous>, transform_indices = @transform_8, window_bounds = array<i64: 1, 128>}, {transform_indices = @transform_9, window_bounds = array<i64: 1, 1, 400>}, {transform_indices = @transform_10, window_bounds = array<i64: 400, 128>}]} {
    %get3A = arith.constant 0 : index
    %get3A_0 = arith.constant 0 : index
    %get3A_1 = vector.load %arg1[%get3A, %get3A_0] : memref<400x8xf32, #tpu.memory_space<vmem>>, vector<400x8xf32>
    %get3A_2 = arith.constant 0 : index
    %get3A_3 = arith.constant 0 : index
    %get3A_4 = vector.load %arg3[%get3A_2, %get3A_3] : memref<8x2560xf32, #tpu.memory_space<vmem>>, vector<8x2560xf32>
    %dot_general3A = arith.constant dense<0.000000e+00> : vector<400x2560xf32>
    %dot_general3A_5 = tpu.matmul %get3A_1, %get3A_4, %dot_general3A {dimension_numbers = #tpu.dot_dimension_numbers<[1], [0], [0], [1], [0, 0, 1, 1], [], []>, transpose_lhs_hint = false} : vector<400x8xf32>, vector<8x2560xf32>, vector<400x2560xf32> -> vector<400x2560xf32>
    %slice3A = vector.extract_strided_slice %get3A_1 {offsets = [0, 0], sizes = [400, 1], strides = [1, 1]} : vector<400x8xf32> to vector<400x1xf32>
    %slice3A_6 = vector.extract_strided_slice %get3A_1 {offsets = [0, 1], sizes = [400, 1], strides = [1, 1]} : vector<400x8xf32> to vector<400x1xf32>
    %slice3A_7 = vector.extract_strided_slice %get3A_1 {offsets = [0, 2], sizes = [400, 1], strides = [1, 1]} : vector<400x8xf32> to vector<400x1xf32>
    %mul3A = arith.mulf %slice3A, %slice3A : vector<400x1xf32>
    %mul3A_8 = arith.mulf %slice3A_6, %slice3A_6 : vector<400x1xf32>
    %add3A = arith.addf %mul3A, %mul3A_8 : vector<400x1xf32>
    %mul3A_9 = arith.mulf %slice3A_7, %slice3A_7 : vector<400x1xf32>
    %add3A_10 = arith.addf %add3A, %mul3A_9 : vector<400x1xf32>
    %get3A_11 = arith.constant 0 : index
    %get3A_12 = arith.constant 0 : index
    %get3A_13 = vector.load %arg4[%get3A_11, %get3A_12] : memref<1x2560xf32, #tpu.memory_space<vmem>>, vector<1x2560xf32>
    %add3A_14 = vector.broadcast %add3A_10 : vector<400x1xf32> to vector<400x2560xf32>
    %add3A_15 = vector.broadcast %get3A_13 : vector<1x2560xf32> to vector<400x2560xf32>
    %add3A_16 = arith.addf %add3A_14, %add3A_15 : vector<400x2560xf32>
    %mul3A_17 = arith.constant 2.000000e+00 : f32
    %mul3A_18 = vector.broadcast %mul3A_17 : f32 to vector<400x2560xf32>
    %mul3A_19 = arith.mulf %mul3A_18, %dot_general3A_5 : vector<400x2560xf32>
    %sub3A = arith.subf %add3A_16, %mul3A_19 : vector<400x2560xf32>
    %reduce_min3A = arith.constant dense<0x7F800000> : vector<400xf32>
    %reduce_min3A_20 = vector.multi_reduction <minimumf>, %sub3A, %reduce_min3A [1] : vector<400x2560xf32> to vector<400xf32>
    %broadcast_in_dim3A = vector.shape_cast %reduce_min3A_20 : vector<400xf32> to vector<400x1xf32>
    %iota3A = tpu.iota {dimensions = array<i32: 1>} : vector<400x2560xi32>
    %convert_element_type3A = arith.sitofp %iota3A : vector<400x2560xi32> to vector<400x2560xf32>
    %eq3A = vector.broadcast %broadcast_in_dim3A : vector<400x1xf32> to vector<400x2560xf32>
    %eq3A_21 = arith.cmpf oeq, %sub3A, %eq3A : vector<400x2560xf32>
    %jit3A = arith.constant 3.000000e+07 : f32
    %broadcast_in_dim3A_22 = vector.broadcast %jit3A : f32 to vector<400x2560xf32>
    %select_n3A = arith.select %eq3A_21, %convert_element_type3A, %broadcast_in_dim3A_22 : vector<400x2560xi1>, vector<400x2560xf32>
    %reduce_min3A_23 = arith.constant dense<0x7F800000> : vector<400xf32>
    %reduce_min3A_24 = vector.multi_reduction <minimumf>, %select_n3A, %reduce_min3A_23 [1] : vector<400x2560xf32> to vector<400xf32>
    %broadcast_in_dim3A_25 = vector.shape_cast %reduce_min3A_24 : vector<400xf32> to vector<400x1xf32>
    %convert_element_type3A_26 = arith.fptosi %broadcast_in_dim3A_25 : vector<400x1xf32> to vector<400x1xi32>
    %reshape3A = vector.shape_cast %convert_element_type3A_26 : vector<400x1xi32> to vector<1x1x400xi32>
    %swap3A = arith.constant 0 : index
    %swap3A_27 = arith.constant 0 : index
    %swap3A_28 = arith.constant 0 : index
    %swap3A_29 = vector.load %arg10[%swap3A, %swap3A_27, %swap3A_28] : memref<1x1x400xi32, #tpu.memory_space<vmem>>, vector<1x1x400xi32>
    tpu.vector_store %arg10[%swap3A, %swap3A_27, %swap3A_28], %reshape3A {strides = array<i32>} : memref<1x1x400xi32, #tpu.memory_space<vmem>>, vector<1x1x400xi32>,
    %eq3A_30 = vector.broadcast %broadcast_in_dim3A_25 : vector<400x1xf32> to vector<400x2560xf32>
    %eq3A_31 = arith.cmpf oeq, %convert_element_type3A, %eq3A_30 : vector<400x2560xf32>
    %jit3A_32 = arith.constant 1.000000e+00 : f32
    %jit3A_33 = arith.constant 0.000000e+00 : f32
    %broadcast_in_dim3A_34 = vector.broadcast %jit3A_32 : f32 to vector<400x2560xf32>
    %broadcast_in_dim3A_35 = vector.broadcast %jit3A_33 : f32 to vector<400x2560xf32>
    %select_n3A_36 = arith.select %eq3A_31, %broadcast_in_dim3A_34, %broadcast_in_dim3A_35 : vector<400x2560xi1>, vector<400x2560xf32>
    %get3A_37 = arith.constant 0 : index
    %get3A_38 = arith.constant 0 : index
    %get3A_39 = vector.load %arg5[%get3A_37, %get3A_38] : memref<2560x8xf32, #tpu.memory_space<vmem>>, vector<2560x8xf32>
    %dot_general3A_40 = arith.constant dense<0.000000e+00> : vector<400x8xf32>
    %dot_general3A_41 = tpu.matmul %select_n3A_36, %get3A_39, %dot_general3A_40 {dimension_numbers = #tpu.dot_dimension_numbers<[1], [0], [0], [1], [0, 0, 1, 1], [], []>, transpose_lhs_hint = false} : vector<400x2560xf32>, vector<2560x8xf32>, vector<400x8xf32> -> vector<400x8xf32>
    %sub3A_42 = arith.subf %get3A_1, %dot_general3A_41 : vector<400x8xf32>
    %get3A_43 = arith.constant 0 : index
    %get3A_44 = arith.constant 0 : index
    %get3A_45 = vector.load %arg2[%get3A_43, %get3A_44] : memref<400x128xf32, #tpu.memory_space<vmem>>, vector<400x128xf32>
    %get3A_46 = arith.constant 0 : index
    %get3A_47 = arith.constant 0 : index
    %get3A_48 = vector.load %arg6[%get3A_46, %get3A_47] : memref<128x128xf32, #tpu.memory_space<vmem>>, vector<128x128xf32>
    %dot_general3A_49 = arith.constant dense<0.000000e+00> : vector<400x128xf32>
    %dot_general3A_50 = tpu.matmul %get3A_45, %get3A_48, %dot_general3A_49 {dimension_numbers = #tpu.dot_dimension_numbers<[1], [0], [0], [1], [0, 0, 1, 1], [], []>, transpose_lhs_hint = false} : vector<400x128xf32>, vector<128x128xf32>, vector<400x128xf32> -> vector<400x128xf32>
    %get3A_51 = arith.constant 0 : index
    %get3A_52 = arith.constant 0 : index
    %get3A_53 = vector.load %arg7[%get3A_51, %get3A_52] : memref<8x128xf32, #tpu.memory_space<vmem>>, vector<8x128xf32>
    %dot_general3A_54 = arith.constant dense<0.000000e+00> : vector<400x128xf32>
    %dot_general3A_55 = tpu.matmul %sub3A_42, %get3A_53, %dot_general3A_54 {dimension_numbers = #tpu.dot_dimension_numbers<[1], [0], [0], [1], [0, 0, 1, 1], [], []>, transpose_lhs_hint = false} : vector<400x8xf32>, vector<8x128xf32>, vector<400x128xf32> -> vector<400x128xf32>
    %add3A_56 = arith.addf %dot_general3A_50, %dot_general3A_55 : vector<400x128xf32>
    %max3A = arith.constant 0.000000e+00 : f32
    %max3A_57 = vector.broadcast %max3A : f32 to vector<400x128xf32>
    %max3A_58 = arith.maximumf %add3A_56, %max3A_57 : vector<400x128xf32>
    %get3A_59 = arith.constant 0 : index
    %get3A_60 = arith.constant 0 : index
    %get3A_61 = vector.load %arg8[%get3A_59, %get3A_60] : memref<128x128xf32, #tpu.memory_space<vmem>>, vector<128x128xf32>
    %dot_general3A_62 = arith.constant dense<0.000000e+00> : vector<400x128xf32>
    %dot_general3A_63 = tpu.matmul %max3A_58, %get3A_61, %dot_general3A_62 {dimension_numbers = #tpu.dot_dimension_numbers<[1], [0], [0], [1], [0, 0, 1, 1], [], []>, transpose_lhs_hint = false} : vector<400x128xf32>, vector<128x128xf32>, vector<400x128xf32> -> vector<400x128xf32>
    %get3A_64 = arith.constant 0 : index
    %get3A_65 = arith.constant 0 : index
    %get3A_66 = vector.load %arg9[%get3A_64, %get3A_65] : memref<1x128xf32, #tpu.memory_space<vmem>>, vector<1x128xf32>
    %add3A_67 = vector.broadcast %get3A_66 : vector<1x128xf32> to vector<400x128xf32>
    %add3A_68 = arith.addf %dot_general3A_63, %add3A_67 : vector<400x128xf32>
    %swap3A_69 = arith.constant 0 : index
    %swap3A_70 = arith.constant 0 : index
    %swap3A_71 = vector.load %arg11[%swap3A_69, %swap3A_70] : memref<400x128xf32, #tpu.memory_space<vmem>>, vector<400x128xf32>
    tpu.vector_store %arg11[%swap3A_69, %swap3A_70], %add3A_68 {strides = array<i32>} : memref<400x128xf32, #tpu.memory_space<vmem>>, vector<400x128xf32>,
    return
  }
  func.func @transform_0(%arg0: i32) -> (i32, i32) {
    %c0_i32 = arith.constant 0 : i32
    %c0_i32_0 = arith.constant 0 : i32
    return %arg0, %c0_i32 : i32, i32
  }
  func.func @transform_1(%arg0: i32) -> (i32, i32) {
    %c0_i32 = arith.constant 0 : i32
    %c0_i32_0 = arith.constant 0 : i32
    return %arg0, %c0_i32 : i32, i32
  }
  func.func @transform_2(%arg0: i32) -> (i32, i32) {
    %c0_i32 = arith.constant 0 : i32
    %c0_i32_0 = arith.constant 0 : i32
    %c0_i32_1 = arith.constant 0 : i32
    return %c0_i32, %c0_i32_0 : i32, i32
  }
  func.func @transform_3(%arg0: i32) -> (i32, i32) {
    %c0_i32 = arith.constant 0 : i32
    %c0_i32_0 = arith.constant 0 : i32
    %c0_i32_1 = arith.constant 0 : i32
    return %c0_i32, %c0_i32_0 : i32, i32
  }
  func.func @transform_4(%arg0: i32) -> (i32, i32) {
    %c0_i32 = arith.constant 0 : i32
    %c0_i32_0 = arith.constant 0 : i32
    %c0_i32_1 = arith.constant 0 : i32
    return %c0_i32, %c0_i32_0 : i32, i32
  }
  func.func @transform_5(%arg0: i32) -> (i32, i32) {
    %c0_i32 = arith.constant 0 : i32
    %c0_i32_0 = arith.constant 0 : i32
    %c0_i32_1 = arith.constant 0 : i32
    return %c0_i32, %c0_i32_0 : i32, i32
  }
  func.func @transform_6(%arg0: i32) -> (i32, i32) {
    %c0_i32 = arith.constant 0 : i32
    %c0_i32_0 = arith.constant 0 : i32
    %c0_i32_1 = arith.constant 0 : i32
    return %c0_i32, %c0_i32_0 : i32, i32
  }
  func.func @transform_7(%arg0: i32) -> (i32, i32) {
    %c0_i32 = arith.constant 0 : i32
    %c0_i32_0 = arith.constant 0 : i32
    %c0_i32_1 = arith.constant 0 : i32
    return %c0_i32, %c0_i32_0 : i32, i32
  }
  func.func @transform_8(%arg0: i32) -> (i32, i32) {
    %c0_i32 = arith.constant 0 : i32
    %c0_i32_0 = arith.constant 0 : i32
    %c0_i32_1 = arith.constant 0 : i32
    return %c0_i32, %c0_i32_0 : i32, i32
  }
  func.func @transform_9(%arg0: i32) -> (i32, i32, i32) {
    %c0_i32 = arith.constant 0 : i32
    %c0_i32_0 = arith.constant 0 : i32
    %c0_i32_1 = arith.constant 0 : i32
    return %arg0, %c0_i32, %c0_i32_0 : i32, i32, i32
  }
  func.func @transform_10(%arg0: i32) -> (i32, i32) {
    %c0_i32 = arith.constant 0 : i32
    %c0_i32_0 = arith.constant 0 : i32
    return %arg0, %c0_i32 : i32, i32
  }
}

module attributes {stable_mosaic.version = 14 : i64} {
  func.func @_mlpg_body(%arg0: memref<2500x128xf32, #tpu.memory_space<vmem>>, %arg1: memref<2x2500x128xf32, #tpu.memory_space<vmem>>, %arg2: memref<128x128xf32, #tpu.memory_space<vmem>>, %arg3: memref<128x128xf32, #tpu.memory_space<vmem>>, %arg4: memref<1x128xf32, #tpu.memory_space<vmem>>, %arg5: memref<128x128xf32, #tpu.memory_space<vmem>>, %arg6: memref<1x128xf32, #tpu.memory_space<vmem>>, %arg7: memref<2500x128xf32, #tpu.memory_space<vmem>>) attributes {dimension_semantics = [], scalar_prefetch = 0 : i64, scratch_operands = 0 : i64, tpu.core_type = #tpu.core_type<tc>} {
    %get3A = arith.constant 0 : index
    %get3A_0 = arith.constant 0 : index
    %get3A_1 = arith.constant 0 : index
    %get3A_2 = vector.load %arg1[%get3A, %get3A_0, %get3A_1] : memref<2x2500x128xf32, #tpu.memory_space<vmem>>, vector<1x2500x128xf32>
    %get3A_3 = vector.shape_cast %get3A_2 : vector<1x2500x128xf32> to vector<2500x128xf32>
    %get3A_4 = arith.constant 1 : index
    %get3A_5 = arith.constant 0 : index
    %get3A_6 = arith.constant 0 : index
    %get3A_7 = vector.load %arg1[%get3A_4, %get3A_5, %get3A_6] : memref<2x2500x128xf32, #tpu.memory_space<vmem>>, vector<1x2500x128xf32>
    %get3A_8 = vector.shape_cast %get3A_7 : vector<1x2500x128xf32> to vector<2500x128xf32>
    %max3A = arith.maximumf %get3A_3, %get3A_8 : vector<2500x128xf32>
    %eq3A = arith.constant 0xFF800000 : f32
    %eq3A_9 = vector.broadcast %eq3A : f32 to vector<2500x128xf32>
    %eq3A_10 = arith.cmpf oeq, %max3A, %eq3A_9 : vector<2500x128xf32>
    %jit3A = arith.constant 0.000000e+00 : f32
    %broadcast_in_dim3A = vector.broadcast %jit3A : f32 to vector<2500x128xf32>
    %select_n3A = arith.select %eq3A_10, %broadcast_in_dim3A, %max3A : vector<2500x128xi1>, vector<2500x128xf32>
    %get3A_11 = arith.constant 0 : index
    %get3A_12 = arith.constant 0 : index
    %get3A_13 = vector.load %arg0[%get3A_11, %get3A_12] : memref<2500x128xf32, #tpu.memory_space<vmem>>, vector<2500x128xf32>
    %get3A_14 = arith.constant 0 : index
    %get3A_15 = arith.constant 0 : index
    %get3A_16 = vector.load %arg2[%get3A_14, %get3A_15] : memref<128x128xf32, #tpu.memory_space<vmem>>, vector<128x128xf32>
    %dot_general3A = arith.constant dense<0.000000e+00> : vector<2500x128xf32>
    %dot_general3A_17 = tpu.matmul %get3A_13, %get3A_16, %dot_general3A {dimension_numbers = #tpu.dot_dimension_numbers<[1], [0], [0], [1], [0, 0, 1, 1], [], []>, transpose_lhs_hint = false} : vector<2500x128xf32>, vector<128x128xf32>, vector<2500x128xf32> -> vector<2500x128xf32>
    %get3A_18 = arith.constant 0 : index
    %get3A_19 = arith.constant 0 : index
    %get3A_20 = vector.load %arg3[%get3A_18, %get3A_19] : memref<128x128xf32, #tpu.memory_space<vmem>>, vector<128x128xf32>
    %dot_general3A_21 = arith.constant dense<0.000000e+00> : vector<2500x128xf32>
    %dot_general3A_22 = tpu.matmul %select_n3A, %get3A_20, %dot_general3A_21 {dimension_numbers = #tpu.dot_dimension_numbers<[1], [0], [0], [1], [0, 0, 1, 1], [], []>, transpose_lhs_hint = false} : vector<2500x128xf32>, vector<128x128xf32>, vector<2500x128xf32> -> vector<2500x128xf32>
    %add3A = arith.addf %dot_general3A_17, %dot_general3A_22 : vector<2500x128xf32>
    %get3A_23 = arith.constant 0 : index
    %get3A_24 = arith.constant 0 : index
    %get3A_25 = vector.load %arg4[%get3A_23, %get3A_24] : memref<1x128xf32, #tpu.memory_space<vmem>>, vector<1x128xf32>
    %add3A_26 = vector.broadcast %get3A_25 : vector<1x128xf32> to vector<2500x128xf32>
    %add3A_27 = arith.addf %add3A, %add3A_26 : vector<2500x128xf32>
    %max3A_28 = arith.constant 0.000000e+00 : f32
    %max3A_29 = vector.broadcast %max3A_28 : f32 to vector<2500x128xf32>
    %max3A_30 = arith.maximumf %add3A_27, %max3A_29 : vector<2500x128xf32>
    %get3A_31 = arith.constant 0 : index
    %get3A_32 = arith.constant 0 : index
    %get3A_33 = vector.load %arg5[%get3A_31, %get3A_32] : memref<128x128xf32, #tpu.memory_space<vmem>>, vector<128x128xf32>
    %dot_general3A_34 = arith.constant dense<0.000000e+00> : vector<2500x128xf32>
    %dot_general3A_35 = tpu.matmul %max3A_30, %get3A_33, %dot_general3A_34 {dimension_numbers = #tpu.dot_dimension_numbers<[1], [0], [0], [1], [0, 0, 1, 1], [], []>, transpose_lhs_hint = false} : vector<2500x128xf32>, vector<128x128xf32>, vector<2500x128xf32> -> vector<2500x128xf32>
    %add3A_36 = arith.addf %get3A_13, %dot_general3A_35 : vector<2500x128xf32>
    %get3A_37 = arith.constant 0 : index
    %get3A_38 = arith.constant 0 : index
    %get3A_39 = vector.load %arg6[%get3A_37, %get3A_38] : memref<1x128xf32, #tpu.memory_space<vmem>>, vector<1x128xf32>
    %add3A_40 = vector.broadcast %get3A_39 : vector<1x128xf32> to vector<2500x128xf32>
    %add3A_41 = arith.addf %add3A_36, %add3A_40 : vector<2500x128xf32>
    %swap3A = arith.constant 0 : index
    %swap3A_42 = arith.constant 0 : index
    %swap3A_43 = vector.load %arg7[%swap3A, %swap3A_42] : memref<2500x128xf32, #tpu.memory_space<vmem>>, vector<2500x128xf32>
    tpu.vector_store %arg7[%swap3A, %swap3A_42], %add3A_41 {strides = array<i32>} : memref<2500x128xf32, #tpu.memory_space<vmem>>, vector<2500x128xf32>,
    return
  }
}

</mosaic_0001>

<sc_bundles>
// kernel: kernel.11.cloned.1.call-start
scs
__scs_entry_jumppad:
0x0: {  	(pc) =	sbr.rel $0x88, $3  }
0x1: {  	(tag) =	ssettag $0x0;
	lr =	simm.s32 $0x1  }
0x2: {  	[smem:$0x3F93] =	sst lr;
	_ =	strace $0xD0000000  }
0x3: {  	_ = 	snop  }
0x4: {  	_ = 	snop  }
0x5: {  	_ = 	snop  }
0x6: {  	_ = 	snop  }
0x7: {  	_ = 	snop  }
__scs_overlays_trampoline_lowered:
0x8: {  	[smem:$0x3FA2] =	sst s0  }
0x9: {  	[smem:$0x3FA3] =	sst s1  }
0xa: {  	[smem:$0x3FA4] =	sst s2  }
0xb: {  	[smem:$0x3FA5] =	sst s3  }
0xc: {  	[smem:$0x3FA6] =	sst s4  }
0xd: {  	[smem:$0x3FA7] =	sst s5  }
0xe: {  	[smem:$0x3FA8] =	sst s6  }
0xf: {  	[smem:$0x3FA9] =	sst s7  }
0x10: {  	[smem:$0x3FAA] =	sst s8  }
0x11: {  	[smem:$0x3FAB] =	sst s9;
	s0 =	simm.s32 @!p0 $0x0  }
0x12: {  	s1 =	sld [smem:$0x3F91];
	s0 =	simm.s32 @p0 $0x1  }
0x13: {  	[smem:$0x3FAC] =	sst s0;
	s0 =	simm.s32 @!p1 $0x0  }
0x14: {  	s2 =	sld [smem:$0x3F90];
	s0 =	simm.s32 @p1 $0x1  }
0x15: {  	[smem:$0x3FAD] =	sst s0;
	s0 =	simm.s32 @!p2 $0x0  }
0x16: {  	s3 =	sld [smem:$0x3FDB];
	s0 =	simm.s32 @p2 $0x1  }
0x17: {  	s4 =	simm.s32 $0x1BF5;
	[smem:$0x3FAF] =	sst s0  }
0x18: {  	s0 =	sld [smem:$0x3F92];
	_ =	swait.ge [sflag:s4], $0x0  }
0x19: {  	s7 =	sld [smem:$0x3F93]  }
0x1a: {  	s8 =	sadd.s32 $0xFFFFE003, lr  }
0x1b: {  	s9 =	sadd.s32 $0xFFFFFEF7, lr;
	s5 =	simm.s32 $0xFFFFFFFF;
	p2 =	slt.u32 s8, $0xFFFFF086  }
0x1c: {  	p1 =	slt.u32 s9, $0xF7A;
	s5 =	simm.s32 @!p2 $0x0  }
0x1d: {  	s5 =	simm.s32 @p1 $0x1;
	p0 =	seq.s32 s7, s2  }
0x1e: {  	s7 =	smul.u32 @!p0 $0xF7A, s2;
	p2 =	seq.s32 @!p0 s5, $0x0  }
0x1f: {  	s9 =	smul.u32 $0xF7A, s1;
	s8 =	simm.s32 @!p0 $0x1BF5;
	p2 =	por !p2, p0  }
0x20: {  	[sflag:s8] =	ssyncset.s32 @!p0 $0xFFFFF086;
	s6 =	sadd.s32 @!p0 s3, s7;
	s7 =	simm.s32 @!p0 $0x108  }
0x21: {  	s3 =	sadd.s32 s3, s9;
	s6 =	sadd.s32 @!p0 $0x88, s6;
	s7 =	simm.s32 @p2 $0x1082  }
0x22: {  	[simem:s7], [sflag:s8] =	dma.local @!p0 [hbm:s6], $0xF7A  }
0x23: {  	s9 =	sor.u32 $0xD0000000, s2;
	s6 =	simm.s32 $0x108;
	_ =	swait.ge @!p0 [sflag:s8], $0x0  }
0x24: {  	s3 =	sadd.s32 $0x88, s3;
	s6 =	simm.s32 @!p1 $0x1082;
	[sflag:s4] =	ssyncset.s32 $0xFFFFF086  }
0x25: {  	[simem:s6], [sflag:s4] =	dma.local [hbm:s3], $0xF7A  }
0x26: {  	[smem:$0x3F93] =	sst s1;
	(tag) =	ssettag s2;
	_ =	strace s9  }
0x27: {  	s1 =	sld [smem:$0x3FA3]  }
0x28: {  	s2 =	sld [smem:$0x3FA4]  }
0x29: {  	s4 =	sld [smem:$0x3FA6]  }
0x2a: {  	p0 =	seq.s32 s5, $0x0;
	s5 =	sld [smem:$0x3FA7]  }
0x2b: {  	s6 =	sld [smem:$0x3FA8]  }
0x2c: {  	s7 =	sld [smem:$0x3FA9]  }
0x2d: {  	s3 =	simm.s32 $0x108;
	s8 =	sld [smem:$0x3FAA]  }
0x2e: {  	s3 =	simm.s32 @!p0 $0x1082;
	s9 =	sld [smem:$0x3FAB]  }
0x2f: {  	lr =	sadd.s32 s0, s3;
	s0 =	sld [smem:$0x3FA2]  }
0x30: {  	s3 =	sld [smem:$0x3FA5]  }
0x31: {  	[smem:$0x3FAE] =	sst s10  }
0x32: {  	s10 =	sld [smem:$0x3FAC];
	_ =	sdelay $0x3  }
0x33: {  	p0 =	seq.s32 s10, $0x1;
	s10 =	sld [smem:$0x3FAE];
	_ =	sdelay $0x3  }
0x34: {  	[smem:$0x3FAE] =	sst s10  }
0x35: {  	s10 =	sld [smem:$0x3FAD];
	_ =	sdelay $0x3  }
0x36: {  	p1 =	seq.s32 s10, $0x1;
	s10 =	sld [smem:$0x3FAE];
	_ =	sdelay $0x3  }
0x37: {  	[smem:$0x3FAE] =	sst s10  }
0x38: {  	s10 =	sld [smem:$0x3FAF]  }
0x39: {  	_ = 	snop;
	(pc) =	sbr.ind lr, $3  }
0x3a: {  	_ = 	snop  }
0x3b: {  	_ = 	snop  }
0x3c: {  	p2 =	seq.s32 s10, $0x1;
	s10 =	sld [smem:$0x3FAE]  }
0x3d: {  	_ =	shalt  }
0x3e: {  	_ =	shalt  }
0x3f: {  	_ =	shalt  }
0x40: {  	_ =	shalt  }
0x41: {  	_ =	shalt  }
0x42: {  	_ =	shalt  }
0x43: {  	_ =	shalt  }
0x44: {  	_ =	shalt  }
0x45: {  	_ =	shalt  }
0x46: {  	_ =	shalt  }
0x47: {  	_ =	shalt  }
0x48: {  	_ =	shalt  }
0x49: {  	_ =	shalt  }
0x4a: {  	_ =	shalt  }
0x4b: {  	_ =	shalt  }
0x4c: {  	_ =	shalt  }
0x4d: {  	_ =	shalt  }
0x4e: {  	_ =	shalt  }
0x4f: {  	_ =	shalt  }
0x50: {  	_ =	shalt  }
0x51: {  	_ =	shalt  }
0x52: {  	_ =	shalt  }
0x53: {  	_ =	shalt  }
0x54: {  	_ =	shalt  }
0x55: {  	_ =	shalt  }
0x56: {  	_ =	shalt  }
0x57: {  	_ =	shalt  }
0x58: {  	_ =	shalt  }
0x59: {  	_ =	shalt  }
0x5a: {  	_ =	shalt  }
0x5b: {  	_ =	shalt  }
0x5c: {  	_ =	shalt  }
0x5d: {  	_ =	shalt  }
0x5e: {  	_ =	shalt  }
0x5f: {  	_ =	shalt  }
0x60: {  	_ =	shalt  }
0x61: {  	_ =	shalt  }
0x62: {  	_ =	shalt  }
0x63: {  	_ =	shalt  }
0x64: {  	_ =	shalt  }
0x65: {  	_ =	shalt  }
0x66: {  	_ =	shalt  }
0x67: {  	_ =	shalt  }
0x68: {  	_ =	shalt  }
0x69: {  	_ =	shalt  }
0x6a: {  	_ =	shalt  }
0x6b: {  	_ =	shalt  }
0x6c: {  	_ =	shalt  }
0x6d: {  	_ =	shalt  }
0x6e: {  	_ =	shalt  }
0x6f: {  	_ =	shalt  }
0x70: {  	_ =	shalt  }
0x71: {  	_ =	shalt  }
0x72: {  	_ =	shalt  }
0x73: {  	_ =	shalt  }
0x74: {  	_ =	shalt  }
0x75: {  	_ =	shalt  }
0x76: {  	_ =	shalt  }
0x77: {  	_ =	shalt  }
0x78: {  	_ =	shalt  }
0x79: {  	_ =	shalt  }
0x7a: {  	_ =	shalt  }
0x7b: {  	_ =	shalt  }
0x7c: {  	_ =	shalt  }
0x7d: {  	_ =	shalt  }
0x7e: {  	_ =	shalt  }
0x7f: {  	_ =	shalt  }
0x80: {  	_ =	shalt  }
0x81: {  	_ =	shalt  }
0x82: {  	_ =	shalt  }
0x83: {  	_ =	shalt  }
0x84: {  	_ =	shalt  }
0x85: {  	_ =	shalt  }
0x86: {  	_ =	shalt  }
0x87: {  	_ =	shalt  }
.Lfunc_end0:
.L_simem_size_0:
called_computation.1_lowered:
.L_overlay_start_0:
0x88: {  	s2 =	sld [smem:$0x3FD9]  }
0x89: {  	s3 =	sld [smem:$0x3FFE];
	_ =	sdelay $0x1  }
0x8a: {  	s1 =	srdreg.scid  }
0x8b: {  	s0 =	sand.u32 $0x1, s1  }
0x8c: {  	s14 =	sshll.u32 s0, $0xA;
	s2 =	sadd.s32 s3, s2  }
0x8d: {  	s2 =	sadd.s32 s2, s14  }
0x8e: {  	[smem:$0x3FBA] =	sst s2  }
0x8f: {  	_ = 	snop  }
0x90: {  	s2 =	sld [smem:$0x3FD0];
	_ =	sdelay $0x2  }
0x91: {  	s15 =	simm.s32 $0xA;
	s4 =	simm.s32 $0x10  }
0x92: {  	[smem:s4], [sflag:s15] =	dma.local [hbm:s2], $0x1  }
0x93: {  	_ =	swait.eq [sflag:s15], $0x1  }
0x94: {  	[sflag:s15] =	ssyncset.done $0x0  }
0x95: {  	[sflag:s15] =	ssyncadd.s32 $0xFFFFFFFF  }
0x96: {  	s16 =	sld [smem:$0x10];
	(tm) =	ssettm $0x1  }
0x97: {  	s17 =	sld [smem:$0x3FFB];
	_ =	sdelay $0x3  }
0x98: {  	_ =	strace s17  }
0x99: {  	s3 =	sld [smem:$0x3FFC];
	_ =	sdelay $0x3  }
0x9a: {  	_ =	strace s3  }
0x9b: {  	s3 =	sld [smem:$0x3FFD];
	_ =	sdelay $0x3  }
0x9c: {  	_ =	strace s3  }
0x9d: {  	_ =	strace $0x8FFFFFFF  }
0x9e: {  	s18 =	sld [smem:$0x3FDB];
	_ =	sdelay $0x1  }
0x9f: {  	s19 =	simm.s32 $_scs_section_size  }
0xa0: {  	s5 =	simm.s32 $_size__tile_overlayer_lowered;
	s6 =	simm.s32 $_tile_overlayer_lowered  }
0xa1: {  	s22 =	simm.s32 $0x1BFF;
	s21 =	sshll.u32 s6, $0x1;
	s3 =	sadd.s32 s19, s18  }
0xa2: {  	s7 =	simm.s32 $0x0;
	s20 =	sshll.u32 s5, $0x1;
	s5 =	sadd.s32 s21, s3  }
0xa3: {  	[timem:s7], [sflag:s22] =	dma.local [hbm:s5], s20  }
0xa4: {  	_ =	swait.ge [sflag:s22], s20  }
0xa5: {  	s4 =	ssub.s32 $0x0, s20;
	[sflag:s22] =	ssyncset.done $0x0  }
0xa6: {  	[sflag:s22] =	ssyncadd.s32 s4;
	_ =	sdelay $0x1  }
0xa7: {  	s23 =	simm.s32 $0x1B8B  }
0xa8: {  	_ =	swait.ge [sflag:s23], $0x1  }
0xa9: {  	[sflag:s23] =	ssyncset.done $0x0  }
0xaa: {  	s25 =	simm.s32 $0x1B8E;
	s24 =	sld [smem:$0x3FFE];
	[sflag:s23] =	ssyncadd.s32 $0xFFFFFFFF  }
0xab: {  	s26 =	simm.s32 $execute0_lowered;
	[smem:$0x3FD2] =	sst s25  }
0xac: {  	s5 =	sshll.u32 s26, $0x1;
	_ =	strace $0x80000049;
	[dreg:$0x1] =	wrdreg $0xFFFFFFFF  }
0xad: {  	s28 =	simm.s32 $_size_execute0_lowered;
	s3 =	sadd.s32 s3, s5;
	[dreg:$0x0] =	wrdreg $0x0  }
0xae: {  	s5 =	sshll.u32 s28, $0x1;
	[dreg:$0x2] =	wrdreg s3  }
0xaf: {  	[dreg:$0x3] =	wrdreg s5  }
0xb0: {  	[dreg:$0x4] =	wrdreg $0xC0  }
0xb1: {  	_ =	task [dreg:s7], $0x5FFFF  }
0xb2: {  	[dreg:$0x1] =	wrdreg $0xFFFFFFFF  }
0xb3: {  	[dreg:$0x0] =	wrdreg $0x60  }
0xb4: {  	[dreg:$0x2] =	wrdreg s24  }
0xb5: {  	[dreg:$0x3] =	wrdreg s16  }
0xb6: {  	[dreg:$0x4] =	wrdreg $0x142880  }
0xb7: {  	[dreg:$0x5] =	wrdreg $0x9  }
0xb8: {  	_ =	task.clear_ibuf [dreg:s7], $0x6FFFF;
	_ =	strace $0x90000049  }
0xb9: {  	s29 =	simm.s32 $0x9;
	_ =	strace $0x8000004B  }
0xba: {  	_ =	swait.ge [sflag:s29], $0x1  }
0xbb: {  	[sflag:s29] =	ssyncadd.s32 $0xFFFFFFFF  }
0xbc: {  	_ =	strace $0x9000004B  }
0xbd: {  	_ =	sfence  }
0xbe: {  	s30 =	sld [smem:$0x0];
	_ =	sdelay $0x2  }
0xbf: {  	s31 =	sshll.u32 s1, $0xD;
	s1 =	sshrl.u32 s1, $0x2  }
0xc0: {  	s3 =	sand.u32 $0x4000, s31;
	s1 =	sadd.s32 s1, s30  }
0xc1: {  	s0 =	sor.u32 s3, s0;
	s1 =	sshll.u32 s1, $0x11  }
0xc2: {  	s0 =	sor.u32 s1, s0  }
0xc3: {  	s0 =	sadd.s32 $0x8F2B, s0  }
0xc4: {  	[sflag:s0] =	ssyncadd.remote.s32 $0x1  }
0xc5: {  	_ =	sfence.sel $0xFFFF  }
0xc6: {  	[dreg:$0x0] =	wrdreg $0xFFFFFFFF;
	(pc) =	sbr.abs _section_cstart, $3  }
0xc7: {  	[dreg:$0x1] =	wrdreg $0xFFFFFFFF  }
0xc8: {  	_ =	task.clear_ibuf [dreg:s7], $0x2FFFF;
	_ =	strace $0x9FFFFFFF  }
0xc9: {  	(tm) =	ssettm $0x7FFFFFFF  }
tec
execute0_lowered:
.L_overlay_start_1:
0x0: {  	(tag) =	ssettag $0x1  }
0x1: {  	s1 =	srdreg.scid;
	s4 =	rddreg [dreg:$0x0]  }
0x2: {  	s0 =	stileid.u32;
	s5 =	rddreg [dreg:$0x1]  }
0x3: {  	s6 =	rddreg [dreg:$0x2];
	s3 =	sand.u32 $0x1, s1;
	s13 =	sshrl.u32 s0, $0x3  }
0x4: {  	s7 =	sand.u32 $0x7, s0;
	s1 =	sshll.u32 s3, $0x1;
	s11 =	smul.u32 $0x4E200, s3  }
0x5: {  	s9 =	sshll.u32 s7, $0x4;
	s7 =	smul.u32 $0x27100, s7;
	s1 =	sor.u32 s13, s1  }
0x6: {  	s12 =	simm.s32 $0x9C40;
	s3 =	ssub.s32 $0x2, s3;
	s2 =	smul.u32 $0x9C4, s1  }
0x7: {  	p0 =	seq.s32 s13, $0x0;
	s31 =	sshrl.u32 s3, $0x1;
	s13 =	simm.s32 $0x0  }
0x8: {  	s1 =	rddreg [dreg:$0x3];
	s8 =	sshrl.u32 s2, $0x3;
	s2 =	simm.s32 $0x0  }
0x9: {  	s7 =	sshrl.u32 s7, $0x2;
	s10 =	sshll.u32 s8, $0xA;
	[smem:$0x7FF] =	sst s2  }
0xa: {  	s10 =	sor.u32 s9, s10;
	_ =	strace $0x8000004A;
	s9 =	sor.u32 s11, s9  }
.Ltmp0:
0xb: {  	s11 =	ssub.s32 s3, s31;
	s3 =	sadd.s32 s5, s8;
	(pc) =	sbr.rel .LBB2_1-.Ltmp0, $4  }
0xc: {  	s5 =	sadd.s32 s7, s6;
	s8 =	simm.s32 $0x138C0;
	s10 =	sshrl.u32 s10, $0x3  }
0xd: {  	s9 =	sshrl.u32 s9, $0x3;
	s7 =	smax.u32 s11, $0x1;
	s10 =	sadd.s32 s10, s4  }
0xe: {  	s11 =	simm.s32 $0x80;
	s9 =	sadd.s32 s9, s4;
	s4 =	sadd.s32 $0x2400, s10  }
0xf: {  	v0 =	vimm.f32 $-Inf;
	s6 =	sadd.s32 $0x29600, s9;
	s9 =	simm.s32 $0x1;
	s10 =	simm.s32 $0x10  }
.LBB2_6:
0x10: {  	[spmem:s5] =	stream.linear.scatter [tilespmem:s2], [sflag:$0x1], $0x9C40, $0x38;
	[tilespmem:$0x190A8] =	vst v63  }
0x11: {  	_ =	swait.ge [sflag:s9], $0x9C40  }
0x12: {  	[sflag:s9] =	ssyncset.done $0x0  }
0x13: {  	[sflag:s9] =	ssyncadd.s32 $0xFFFF63C0  }
0x14: {  	[bflag:$0x0] =	sbarrier.arrive $0xFFFF  }
.LBB2_10:
0x15: {  	s13 =	sadd.s32 $0x1, s13  }
0x16: {  	p1 =	sne.s32 s13, s7  }
.Ltmp1:
0x17: {  	_ = 	snop;
	(pc) =	sbr.rel @!p1 .LBB2_11-.Ltmp1, $1  }
0x18: {  	_ =	sdelay $0x3  }
.LBB2_1:
0x19: {  	[tilespmem:s8], [sflag:$0x1] =	stream.linear.gather [hbm4b:s3+s2], $0x9C8, $0x38;
	[tilespmem:$0x190A8] =	vst v63  }
0x1a: {  	_ =	swait.ge [sflag:s9], $0x9C8  }
0x1b: {  	[sflag:s9] =	ssyncset.done $0x0  }
0x1c: {  	[sflag:s9] =	ssyncadd.s32 $0xFFFFF638  }
0x1d: {  	[tilespmem:s12], [sflag:$0x1] =	stream.strided.gather [hbm4b:s4+s10], $0x9C80, s11, s10, $0x38;
	[tilespmem:$0x190A8] =	vst v63  }
0x1e: {  	_ =	swait.ge [sflag:s9], $0x9C80  }
0x1f: {  	[sflag:s9] =	ssyncset.done $0x0  }
0x20: {  	s14 =	simm.s32 $0x40;
	[sflag:s9] =	ssyncadd.s32 $0xFFFF6380  }
0x21: {  	[tilespmem:s14+$0xFFFFFFC0] =	vst v0  }
0x22: {  	[tilespmem:s14+$0x30] =	vst v0  }
0x23: {  	[tilespmem:s14+$0x20] =	vst v0  }
0x24: {  	[tilespmem:s14+$0x10] =	vst v0  }
0x25: {  	[tilespmem:s14+$0x0] =	vst v0  }
0x26: {  	[tilespmem:s14+$0xFFFFFFF0] =	vst v0  }
0x27: {  	s15 =	simm.s32 $0x0;
	[tilespmem:s14+$0xFFFFFFE0] =	vst v0  }
.LBB2_2:
0x28: {  	s15 =	sadd.s32 $0x8, s15;
	[tilespmem:s14+$0xFFFFFFD0] =	vst v0;
	s14 =	sadd.s32 $0x80, s14  }
0x29: {  	[tilespmem:s14+$0xFFFFFFC0] =	vst v0;
	p1 =	slt.u32 s15, $0x9B8  }
0x2a: {  	[tilespmem:s14+$0x30] =	vst v0  }
.Ltmp2:
0x2b: {  	[tilespmem:s14+$0x20] =	vst v0;
	(pc) =	sbr.rel @p1 .LBB2_2-.Ltmp2, $4  }
0x2c: {  	[tilespmem:s14+$0x10] =	vst v0  }
0x2d: {  	[tilespmem:s14+$0x0] =	vst v0  }
0x2e: {  	[tilespmem:s14+$0xFFFFFFF0] =	vst v0  }
0x2f: {  	[tilespmem:s14+$0xFFFFFFE0] =	vst v0  }
0x30: {  	[tilespmem:s14+$0xFFFFFFD0] =	vst v0  }
0x31: {  	[tilespmem:$0x9C00] =	vst v0  }
0x32: {  	[tilespmem:$0x9C10] =	vst v0  }
0x33: {  	s19 =	simm.s32 $0x0;
	[tilespmem:$0x9C20] =	vst v0  }
0x34: {  	[tilespmem:$0x9C30] =	vst v0;
	s14 =	smin.u32 s19, $0x9B8  }
0x35: {  	v1 =	vld [tilespmem:s14+$0x138C0];
	_ =	sdelay $0x4  }
0x36: {  	v1 =	vshll.u32 v1, $0x6  }
0x37: {  	v1 =	vshra.s32 v1, $0x2  }
0x38: {  	(v2sf) =	vpush v1, $0x0;
	_ =	sdelay $0x7  }
0x39: {  	(v2sf) =	vpush v1, $0x1;
	_ =	sdelay $0x5  }
0x3a: {  	s14 =	sshll.u32 s14, $0x4  }
0x3b: {  	v2 =	vld [tilespmem:s14+$0x9C40];
	(v2sf) =	vpush v1, $0x2;
	s15 =	spop (v2sf)  }
0x3c: {  	v3 =	vld [tilespmem:s15+$0x0];
	_ =	sdelay $0x4  }
0x3d: {  	v2 =	vmax.f32 v3, v2  }
0x3e: {  	[tilespmem:s15+$0x0] =	vst v2  }
0x3f: {  	(v2sf) =	vpush v1, $0x3;
	s20 =	spop (v2sf);
	v2 =	vld [tilespmem:s14+$0x9C50]  }
0x40: {  	v3 =	vld [tilespmem:s20+$0x0];
	_ =	sdelay $0x4  }
0x41: {  	v2 =	vmax.f32 v3, v2  }
0x42: {  	s16 =	spop (v2sf);
	[tilespmem:s20+$0x0] =	vst v2  }
0x43: {  	(v2sf) =	vpush v1, $0x4;
	v2 =	vld [tilespmem:s16+$0x0]  }
0x44: {  	v3 =	vld [tilespmem:s14+$0x9C60];
	_ =	sdelay $0x4  }
0x45: {  	v2 =	vmax.f32 v2, v3  }
0x46: {  	s21 =	spop (v2sf);
	[tilespmem:s16+$0x0] =	vst v2  }
0x47: {  	(v2sf) =	vpush v1, $0x5;
	v2 =	vld [tilespmem:s21+$0x0]  }
0x48: {  	v3 =	vld [tilespmem:s14+$0x9C70];
	_ =	sdelay $0x4  }
0x49: {  	v2 =	vmax.f32 v2, v3  }
0x4a: {  	s22 =	spop (v2sf);
	[tilespmem:s21+$0x0] =	vst v2  }
0x4b: {  	(v2sf) =	vpush v1, $0x6;
	v2 =	vld [tilespmem:s22+$0x0]  }
0x4c: {  	v3 =	vld [tilespmem:s14+$0x9C80];
	_ =	sdelay $0x4  }
0x4d: {  	v2 =	vmax.f32 v2, v3  }
0x4e: {  	s23 =	spop (v2sf);
	[tilespmem:s22+$0x0] =	vst v2  }
0x4f: {  	(v2sf) =	vpush v1, $0x7;
	v2 =	vld [tilespmem:s23+$0x0]  }
0x50: {  	v3 =	vld [tilespmem:s14+$0x9C90];
	_ =	sdelay $0x4  }
0x51: {  	v2 =	vmax.f32 v2, v3  }
0x52: {  	s24 =	spop (v2sf);
	[tilespmem:s23+$0x0] =	vst v2  }
0x53: {  	(v2sf) =	vpush v1, $0x8;
	v2 =	vld [tilespmem:s24+$0x0]  }
0x54: {  	v3 =	vld [tilespmem:s14+$0x9CA0];
	_ =	sdelay $0x4  }
0x55: {  	v2 =	vmax.f32 v2, v3  }
0x56: {  	s25 =	spop (v2sf);
	[tilespmem:s24+$0x0] =	vst v2  }
0x57: {  	(v2sf) =	vpush v1, $0x9;
	v2 =	vld [tilespmem:s25+$0x0]  }
0x58: {  	v3 =	vld [tilespmem:s14+$0x9CB0];
	_ =	sdelay $0x4  }
0x59: {  	v2 =	vmax.f32 v2, v3  }
0x5a: {  	s26 =	spop (v2sf);
	[tilespmem:s25+$0x0] =	vst v2  }
0x5b: {  	(v2sf) =	vpush v1, $0xA;
	v2 =	vld [tilespmem:s26+$0x0]  }
0x5c: {  	v3 =	vld [tilespmem:s14+$0x9CC0];
	_ =	sdelay $0x4  }
0x5d: {  	v2 =	vmax.f32 v2, v3  }
0x5e: {  	s28 =	spop (v2sf);
	[tilespmem:s26+$0x0] =	vst v2  }
0x5f: {  	(v2sf) =	vpush v1, $0xB;
	v2 =	vld [tilespmem:s28+$0x0]  }
0x60: {  	v3 =	vld [tilespmem:s14+$0x9CD0];
	_ =	sdelay $0x4  }
0x61: {  	v2 =	vmax.f32 v2, v3  }
0x62: {  	s29 =	spop (v2sf);
	[tilespmem:s28+$0x0] =	vst v2  }
0x63: {  	(v2sf) =	vpush v1, $0xC;
	v2 =	vld [tilespmem:s29+$0x0]  }
0x64: {  	v3 =	vld [tilespmem:s14+$0x9CE0];
	_ =	sdelay $0x4  }
0x65: {  	v2 =	vmax.f32 v2, v3  }
0x66: {  	s30 =	spop (v2sf);
	[tilespmem:s29+$0x0] =	vst v2  }
0x67: {  	(v2sf) =	vpush v1, $0xD;
	v2 =	vld [tilespmem:s30+$0x0]  }
0x68: {  	v3 =	vld [tilespmem:s14+$0x9CF0];
	_ =	sdelay $0x4  }
0x69: {  	v2 =	vmax.f32 v2, v3  }
0x6a: {  	s31 =	spop (v2sf);
	[tilespmem:s30+$0x0] =	vst v2  }
0x6b: {  	(v2sf) =	vpush v1, $0xE;
	v2 =	vld [tilespmem:s31+$0x0]  }
0x6c: {  	v3 =	vld [tilespmem:s14+$0x9D00];
	_ =	sdelay $0x4  }
0x6d: {  	v2 =	vmax.f32 v2, v3  }
0x6e: {  	s16 =	spop (v2sf);
	[tilespmem:s31+$0x0] =	vst v2  }
0x6f: {  	(v2sf) =	vpush v1, $0xF;
	v2 =	vld [tilespmem:s16+$0x0]  }
0x70: {  	s15 =	simm.s32 $0x10;
	v1 =	vld [tilespmem:s14+$0x9D10]  }
.LBB2_4:
0x71: {  	_ =	sdelay $0x2  }
0x72: {  	p1 =	sne.s32 s15, $0x9C0;
	s17 =	smov.u32 s15;
	s15 =	sadd.s32 $0x10, s15  }
0x73: {  	v1 =	vmax.f32 v2, v1  }
0x74: {  	[tilespmem:s16+$0x0] =	vst v1;
	s16 =	spop (v2sf)  }
0x75: {  	v1 =	vld [tilespmem:s16+$0x0]  }
0x76: {  	v2 =	vld [tilespmem:s14+$0x9D20];
	_ =	sdelay $0x4  }
0x77: {  	v1 =	vmax.f32 v1, v2  }
0x78: {  	[tilespmem:s16+$0x0] =	vst v1;
	s16 =	spop (v2sf)  }
0x79: {  	v1 =	vld [tilespmem:s16+$0x0]  }
0x7a: {  	v2 =	vld [tilespmem:s14+$0x9D30];
	_ =	sdelay $0x2  }
0x7b: {  	s14 =	smin.u32 s17, $0x9B8;
	_ =	sdelay $0x1  }
0x7c: {  	v1 =	vmax.f32 v1, v2  }
0x7d: {  	[tilespmem:s16+$0x0] =	vst v1  }
0x7e: {  	v1 =	vld [tilespmem:s14+$0x138C0];
	_ =	sdelay $0x4  }
0x7f: {  	v1 =	vshll.u32 v1, $0x6  }
0x80: {  	v1 =	vshra.s32 v1, $0x2  }
0x81: {  	(v2sf) =	vpush v1, $0x0;
	_ =	sdelay $0x3  }
0x82: {  	(v2sf) =	vpush v1, $0x1;
	_ =	sdelay $0x7  }
0x83: {  	s14 =	sshll.u32 s14, $0x4;
	(v2sf) =	vpush v1, $0x2;
	_ =	sdelay $0x1  }
0x84: {  	v2 =	vld [tilespmem:s14+$0x9C40]  }
0x85: {  	s16 =	spop (v2sf)  }
0x86: {  	v3 =	vld [tilespmem:s16+$0x0];
	_ =	sdelay $0x2  }
0x87: {  	s17 =	spop (v2sf);
	_ =	sdelay $0x1  }
0x88: {  	v2 =	vmax.f32 v3, v2  }
0x89: {  	[tilespmem:s16+$0x0] =	vst v2  }
0x8a: {  	v2 =	vld [tilespmem:s14+$0x9C50];
	(v2sf) =	vpush v1, $0x3  }
0x8b: {  	v3 =	vld [tilespmem:s17+$0x0];
	_ =	sdelay $0x2  }
0x8c: {  	s16 =	spop (v2sf);
	_ =	sdelay $0x1  }
0x8d: {  	v2 =	vmax.f32 v3, v2  }
0x8e: {  	[tilespmem:s17+$0x0] =	vst v2  }
0x8f: {  	v2 =	vld [tilespmem:s16+$0x0];
	(v2sf) =	vpush v1, $0x4  }
0x90: {  	v3 =	vld [tilespmem:s14+$0x9C60];
	_ =	sdelay $0x4  }
0x91: {  	v2 =	vmax.f32 v2, v3  }
0x92: {  	[tilespmem:s16+$0x0] =	vst v2;
	s16 =	spop (v2sf)  }
0x93: {  	v2 =	vld [tilespmem:s16+$0x0];
	(v2sf) =	vpush v1, $0x5  }
0x94: {  	v3 =	vld [tilespmem:s14+$0x9C70];
	_ =	sdelay $0x4  }
0x95: {  	v2 =	vmax.f32 v2, v3  }
0x96: {  	[tilespmem:s16+$0x0] =	vst v2;
	s16 =	spop (v2sf)  }
0x97: {  	v2 =	vld [tilespmem:s16+$0x0];
	(v2sf) =	vpush v1, $0x6  }
0x98: {  	v3 =	vld [tilespmem:s14+$0x9C80];
	_ =	sdelay $0x4  }
0x99: {  	v2 =	vmax.f32 v2, v3  }
0x9a: {  	[tilespmem:s16+$0x0] =	vst v2;
	s16 =	spop (v2sf)  }
0x9b: {  	v2 =	vld [tilespmem:s16+$0x0];
	(v2sf) =	vpush v1, $0x7  }
0x9c: {  	v3 =	vld [tilespmem:s14+$0x9C90];
	_ =	sdelay $0x4  }
0x9d: {  	v2 =	vmax.f32 v2, v3  }
0x9e: {  	[tilespmem:s16+$0x0] =	vst v2;
	s16 =	spop (v2sf)  }
0x9f: {  	v2 =	vld [tilespmem:s16+$0x0];
	(v2sf) =	vpush v1, $0x8  }
0xa0: {  	v3 =	vld [tilespmem:s14+$0x9CA0];
	_ =	sdelay $0x4  }
0xa1: {  	v2 =	vmax.f32 v2, v3  }
0xa2: {  	[tilespmem:s16+$0x0] =	vst v2;
	s16 =	spop (v2sf)  }
0xa3: {  	v2 =	vld [tilespmem:s16+$0x0];
	(v2sf) =	vpush v1, $0x9  }
0xa4: {  	v3 =	vld [tilespmem:s14+$0x9CB0];
	_ =	sdelay $0x4  }
0xa5: {  	v2 =	vmax.f32 v2, v3  }
0xa6: {  	[tilespmem:s16+$0x0] =	vst v2;
	s16 =	spop (v2sf)  }
0xa7: {  	v2 =	vld [tilespmem:s16+$0x0];
	(v2sf) =	vpush v1, $0xA  }
0xa8: {  	v3 =	vld [tilespmem:s14+$0x9CC0];
	_ =	sdelay $0x4  }
0xa9: {  	v2 =	vmax.f32 v2, v3  }
0xaa: {  	[tilespmem:s16+$0x0] =	vst v2;
	s16 =	spop (v2sf)  }
0xab: {  	v2 =	vld [tilespmem:s16+$0x0];
	(v2sf) =	vpush v1, $0xB  }
0xac: {  	v3 =	vld [tilespmem:s14+$0x9CD0];
	_ =	sdelay $0x4  }
0xad: {  	v2 =	vmax.f32 v2, v3  }
0xae: {  	[tilespmem:s16+$0x0] =	vst v2;
	s16 =	spop (v2sf)  }
0xaf: {  	v2 =	vld [tilespmem:s16+$0x0];
	(v2sf) =	vpush v1, $0xC  }
0xb0: {  	v3 =	vld [tilespmem:s14+$0x9CE0];
	_ =	sdelay $0x4  }
0xb1: {  	v2 =	vmax.f32 v2, v3  }
0xb2: {  	[tilespmem:s16+$0x0] =	vst v2;
	s16 =	spop (v2sf)  }
0xb3: {  	v2 =	vld [tilespmem:s16+$0x0];
	(v2sf) =	vpush v1, $0xD  }
0xb4: {  	v3 =	vld [tilespmem:s14+$0x9CF0];
	_ =	sdelay $0x4  }
0xb5: {  	v2 =	vmax.f32 v2, v3  }
0xb6: {  	[tilespmem:s16+$0x0] =	vst v2;
	s16 =	spop (v2sf)  }
0xb7: {  	v2 =	vld [tilespmem:s16+$0x0];
	(v2sf) =	vpush v1, $0xE  }
0xb8: {  	v3 =	vld [tilespmem:s14+$0x9D00];
	_ =	sdelay $0x3  }
.Ltmp3:
0xb9: {  	(pc) =	sbr.rel @p1 .LBB2_4-.Ltmp3, $4  }
0xba: {  	v2 =	vmax.f32 v2, v3  }
0xbb: {  	[tilespmem:s16+$0x0] =	vst v2;
	s16 =	spop (v2sf)  }
0xbc: {  	v2 =	vld [tilespmem:s16+$0x0];
	(v2sf) =	vpush v1, $0xF  }
0xbd: {  	v1 =	vld [tilespmem:s14+$0x9D10]  }
0xbe: {  	_ =	sdelay $0x3  }
0xbf: {  	v1 =	vmax.f32 v2, v1  }
0xc0: {  	[tilespmem:s16+$0x0] =	vst v1;
	s15 =	spop (v2sf)  }
0xc1: {  	v1 =	vld [tilespmem:s15+$0x0]  }
0xc2: {  	v2 =	vld [tilespmem:s14+$0x9D20];
	_ =	sdelay $0x4  }
0xc3: {  	v1 =	vmax.f32 v1, v2  }
0xc4: {  	[tilespmem:s15+$0x0] =	vst v1  }
0xc5: {  	s31 =	spop (v2sf);
	v2 =	vld [tilespmem:s14+$0x9D30]  }
0xc6: {  	v1 =	vld [tilespmem:s31+$0x0];
	_ =	sdelay $0x1  }
.Ltmp4:
0xc7: {  	_ = 	snop;
	(pc) =	sbr.rel @!p0 .LBB2_6-.Ltmp4, $3  }
0xc8: {  	_ =	sdelay $0x1  }
0xc9: {  	v1 =	vmax.f32 v1, v2  }
0xca: {  	[tilespmem:s31+$0x0] =	vst v1  }
0xcb: {  	[bflag:$0x0] =	sbarrier.arrive $0xFFFF  }
0xcc: {  	[tilespmem:s12], [sflag:$0x1] =	stream.linear.gather [spmem:s5], $0x9C40, $0x38;
	[tilespmem:$0x190A8] =	vst v63  }
0xcd: {  	_ =	swait.ge [sflag:s9], $0x9C40  }
0xce: {  	[sflag:s9] =	ssyncset.done $0x0  }
0xcf: {  	s14 =	simm.s32 $0x40;
	[sflag:s9] =	ssyncadd.s32 $0xFFFF63C0  }
0xd0: {  	s15 =	simm.s32 $0x9C80;
	v1 =	vld [tilespmem:s14+$0xFFFFFFC0]  }
0xd1: {  	v2 =	vld [tilespmem:s15+$0xFFFFFFC0];
	_ =	sdelay $0x4  }
0xd2: {  	v1 =	vmax.f32 v1, v2  }
0xd3: {  	[tilespmem:s14+$0xFFFFFFC0] =	vst v1;
	v1 =	vld [tilespmem:s14+$0xFFFFFFD0]  }
0xd4: {  	v2 =	vld [tilespmem:s15+$0xFFFFFFD0];
	_ =	sdelay $0x4  }
0xd5: {  	v1 =	vmax.f32 v1, v2  }
0xd6: {  	[tilespmem:s14+$0xFFFFFFD0] =	vst v1;
	v1 =	vld [tilespmem:s14+$0xFFFFFFE0]  }
0xd7: {  	v2 =	vld [tilespmem:s15+$0xFFFFFFE0];
	_ =	sdelay $0x4  }
0xd8: {  	v1 =	vmax.f32 v1, v2  }
0xd9: {  	[tilespmem:s14+$0xFFFFFFE0] =	vst v1;
	v1 =	vld [tilespmem:s14+$0xFFFFFFF0]  }
0xda: {  	v2 =	vld [tilespmem:s15+$0xFFFFFFF0];
	_ =	sdelay $0x4  }
0xdb: {  	v1 =	vmax.f32 v1, v2  }
0xdc: {  	[tilespmem:s14+$0xFFFFFFF0] =	vst v1;
	v1 =	vld [tilespmem:s14+$0x0]  }
0xdd: {  	v2 =	vld [tilespmem:s15+$0x0];
	_ =	sdelay $0x4  }
0xde: {  	v1 =	vmax.f32 v1, v2  }
0xdf: {  	[tilespmem:s14+$0x0] =	vst v1;
	v1 =	vld [tilespmem:s14+$0x10]  }
0xe0: {  	v2 =	vld [tilespmem:s15+$0x10];
	_ =	sdelay $0x4  }
0xe1: {  	v1 =	vmax.f32 v1, v2  }
0xe2: {  	[tilespmem:s14+$0x10] =	vst v1;
	v1 =	vld [tilespmem:s14+$0x20]  }
0xe3: {  	v2 =	vld [tilespmem:s15+$0x20];
	_ =	sdelay $0x4  }
0xe4: {  	v1 =	vmax.f32 v1, v2  }
0xe5: {  	[tilespmem:s14+$0x20] =	vst v1;
	v1 =	vld [tilespmem:s14+$0x30]  }
0xe6: {  	v2 =	vld [tilespmem:s15+$0x30];
	_ =	sdelay $0x4  }
0xe7: {  	s16 =	simm.s32 $0x0;
	s17 =	simm.s32 $0xC0;
	v1 =	vmax.f32 v1, v2  }
.LBB2_8:
0xe8: {  	v2 =	vld [tilespmem:s17+$0xFFFFFFC0];
	[tilespmem:s14+$0x30] =	vst v1;
	s15 =	sadd.s32 $0x80, s15;
	s14 =	smov.u32 s17  }
0xe9: {  	s16 =	sadd.s32 $0x8, s16;
	v1 =	vld [tilespmem:s15+$0xFFFFFFC0]  }
0xea: {  	p1 =	slt.u32 s16, $0x9B8;
	_ =	sdelay $0x3  }
0xeb: {  	v1 =	vmax.f32 v2, v1  }
0xec: {  	[tilespmem:s17+$0xFFFFFFC0] =	vst v1;
	v1 =	vld [tilespmem:s17+$0xFFFFFFD0]  }
0xed: {  	v2 =	vld [tilespmem:s15+$0xFFFFFFD0];
	_ =	sdelay $0x4  }
0xee: {  	v1 =	vmax.f32 v1, v2  }
0xef: {  	[tilespmem:s17+$0xFFFFFFD0] =	vst v1;
	v1 =	vld [tilespmem:s17+$0xFFFFFFE0]  }
0xf0: {  	v2 =	vld [tilespmem:s15+$0xFFFFFFE0];
	_ =	sdelay $0x4  }
0xf1: {  	v1 =	vmax.f32 v1, v2  }
0xf2: {  	[tilespmem:s17+$0xFFFFFFE0] =	vst v1;
	v1 =	vld [tilespmem:s17+$0xFFFFFFF0]  }
0xf3: {  	v2 =	vld [tilespmem:s15+$0xFFFFFFF0];
	_ =	sdelay $0x4  }
0xf4: {  	v1 =	vmax.f32 v1, v2  }
0xf5: {  	[tilespmem:s17+$0xFFFFFFF0] =	vst v1;
	v1 =	vld [tilespmem:s17+$0x0]  }
0xf6: {  	v2 =	vld [tilespmem:s15+$0x0];
	_ =	sdelay $0x4  }
0xf7: {  	v1 =	vmax.f32 v1, v2  }
0xf8: {  	[tilespmem:s17+$0x0] =	vst v1;
	v1 =	vld [tilespmem:s17+$0x10]  }
0xf9: {  	v2 =	vld [tilespmem:s15+$0x10];
	_ =	sdelay $0x4  }
0xfa: {  	v1 =	vmax.f32 v1, v2  }
0xfb: {  	[tilespmem:s17+$0x10] =	vst v1;
	v1 =	vld [tilespmem:s17+$0x20]  }
0xfc: {  	v2 =	vld [tilespmem:s15+$0x20];
	_ =	sdelay $0x4  }
0xfd: {  	v1 =	vmax.f32 v1, v2  }
0xfe: {  	[tilespmem:s17+$0x20] =	vst v1;
	v1 =	vld [tilespmem:s17+$0x30]  }
0xff: {  	v2 =	vld [tilespmem:s15+$0x30]  }
.Ltmp5:
0x100: {  	(pc) =	sbr.rel @p1 .LBB2_8-.Ltmp5, $2  }
0x101: {  	_ =	sdelay $0x2  }
0x102: {  	s17 =	sadd.s32 $0x80, s17;
	v1 =	vmax.f32 v1, v2  }
0x103: {  	[tilespmem:s14+$0x30] =	vst v1  }
0x104: {  	v1 =	vld [tilespmem:$0x9C00]  }
0x105: {  	v2 =	vld [tilespmem:$0x13840]  }
0x106: {  	v3 =	vld [tilespmem:$0x9C10]  }
0x107: {  	v4 =	vld [tilespmem:$0x13850]  }
0x108: {  	v5 =	vld [tilespmem:$0x9C20]  }
0x109: {  	v6 =	vld [tilespmem:$0x13860]  }
0x10a: {  	v7 =	vld [tilespmem:$0x9C30]  }
0x10b: {  	v8 =	vld [tilespmem:$0x13870];
	_ =	sdelay $0x1  }
0x10c: {  	v1 =	vmax.f32 v1, v2  }
0x10d: {  	[tilespmem:$0x9C00] =	vst v1;
	v1 =	vmax.f32 v3, v4  }
0x10e: {  	[tilespmem:$0x9C10] =	vst v1;
	v1 =	vmax.f32 v5, v6  }
0x10f: {  	[tilespmem:$0x9C20] =	vst v1;
	v1 =	vmax.f32 v7, v8  }
.Ltmp6:
0x110: {  	[tilespmem:$0x9C30] =	vst v1;
	(pc) =	sbr.rel .LBB2_10-.Ltmp6, $4  }
0x111: {  	[hbm4b:s6+s10] =	stream.strided.scatter [tilespmem:s2], [sflag:$0x1], $0x9C40, s11, s10, $0x38;
	[tilespmem:$0x190A8] =	vst v63  }
0x112: {  	_ =	swait.ge [sflag:s9], $0x9C40  }
0x113: {  	[sflag:s9] =	ssyncset.done $0x0  }
0x114: {  	[sflag:s9] =	ssyncadd.s32 $0xFFFF63C0  }
.LBB2_11:
0x115: {  	_ =	sfence.sel $0x180000  }
0x116: {  	[bflag:$0x0] =	sbarrier.arrive $0xFFFF  }
0x117: {  	p0 =	sne.s32 s0, $0x0;
	_ =	strace $0x9000004A  }
0x118: {  	s0 =	sadd.s32 @!p0 $0x100000, s1;
	[bflag:$0x2] =	sbarrier.arrive $0xFFFF  }
0x119: {  	[sflag:s0] =	ssyncadd.tile.s32 @!p0 $0x1;
	_ =	shalt  }
.Lfunc_end2:
_tile_overlayer_lowered:
.L_overlay_start_2:
0x11a: {  	(tag) =	ssettag $0x2  }
0x11b: {  	s0 =	rddreg [dreg:$0x0];
	s2 =	stileid.u32  }
0x11c: {  	s1 =	rddreg [dreg:$0x1];
	p0 =	sne.s32 s2, $0x0  }
0x11d: {  	s3 =	rddreg [dreg:$0x2];
	[bflag:$0x3] =	sbarrier.arrive $0xFFFF;
	s2 =	simm.s32 @!p0 $0x1C01  }
0x11e: {  	[timem:s3], [sflag:s2] =	dma.local @!p0 [hbm:s0], s1  }
0x11f: {  	s0 =	simm.s32 @!p0 $0x1  }
0x120: {  	_ =	swait.ge @!p0 [sflag:s0], s1  }
0x121: {  	s1 =	ssub.s32 @!p0 $0x0, s1;
	[sflag:s0] =	ssyncset.done @!p0 $0x0  }
0x122: {  	[sflag:s0] =	ssyncadd.s32 @!p0 s1  }
0x123: {  	[bflag:$0x3] =	sbarrier.arrive $0xFFFF  }
0x124: {  	_ =	shalt  }

// kernel: kernel.8.cloned.1.call-start
scs
__scs_entry_jumppad:
0x0: {  	(pc) =	sbr.rel $0x88, $3  }
0x1: {  	(tag) =	ssettag $0x0;
	lr =	simm.s32 $0x1  }
0x2: {  	[smem:$0x3F93] =	sst lr;
	_ =	strace $0xD0000000  }
0x3: {  	_ = 	snop  }
0x4: {  	_ = 	snop  }
0x5: {  	_ = 	snop  }
0x6: {  	_ = 	snop  }
0x7: {  	_ = 	snop  }
__scs_overlays_trampoline_lowered:
0x8: {  	[smem:$0x3FA2] =	sst s0  }
0x9: {  	[smem:$0x3FA3] =	sst s1  }
0xa: {  	[smem:$0x3FA4] =	sst s2  }
0xb: {  	[smem:$0x3FA5] =	sst s3  }
0xc: {  	[smem:$0x3FA6] =	sst s4  }
0xd: {  	[smem:$0x3FA7] =	sst s5  }
0xe: {  	[smem:$0x3FA8] =	sst s6  }
0xf: {  	[smem:$0x3FA9] =	sst s7  }
0x10: {  	[smem:$0x3FAA] =	sst s8  }
0x11: {  	[smem:$0x3FAB] =	sst s9;
	s0 =	simm.s32 @!p0 $0x0  }
0x12: {  	s1 =	sld [smem:$0x3F91];
	s0 =	simm.s32 @p0 $0x1  }
0x13: {  	[smem:$0x3FAC] =	sst s0;
	s0 =	simm.s32 @!p1 $0x0  }
0x14: {  	s2 =	sld [smem:$0x3F90];
	s0 =	simm.s32 @p1 $0x1  }
0x15: {  	[smem:$0x3FAD] =	sst s0;
	s0 =	simm.s32 @!p2 $0x0  }
0x16: {  	s3 =	sld [smem:$0x3FDB];
	s0 =	simm.s32 @p2 $0x1  }
0x17: {  	s4 =	simm.s32 $0x1BF5;
	[smem:$0x3FAF] =	sst s0  }
0x18: {  	s0 =	sld [smem:$0x3F92];
	_ =	swait.ge [sflag:s4], $0x0  }
0x19: {  	s7 =	sld [smem:$0x3F93]  }
0x1a: {  	s8 =	sadd.s32 $0xFFFFE003, lr  }
0x1b: {  	s9 =	sadd.s32 $0xFFFFFEF7, lr;
	s5 =	simm.s32 $0xFFFFFFFF;
	p2 =	slt.u32 s8, $0xFFFFF086  }
0x1c: {  	p1 =	slt.u32 s9, $0xF7A;
	s5 =	simm.s32 @!p2 $0x0  }
0x1d: {  	s5 =	simm.s32 @p1 $0x1;
	p0 =	seq.s32 s7, s2  }
0x1e: {  	s7 =	smul.u32 @!p0 $0xF7A, s2;
	p2 =	seq.s32 @!p0 s5, $0x0  }
0x1f: {  	s9 =	smul.u32 $0xF7A, s1;
	s8 =	simm.s32 @!p0 $0x1BF5;
	p2 =	por !p2, p0  }
0x20: {  	[sflag:s8] =	ssyncset.s32 @!p0 $0xFFFFF086;
	s6 =	sadd.s32 @!p0 s3, s7;
	s7 =	simm.s32 @!p0 $0x108  }
0x21: {  	s3 =	sadd.s32 s3, s9;
	s6 =	sadd.s32 @!p0 $0x88, s6;
	s7 =	simm.s32 @p2 $0x1082  }
0x22: {  	[simem:s7], [sflag:s8] =	dma.local @!p0 [hbm:s6], $0xF7A  }
0x23: {  	s9 =	sor.u32 $0xD0000000, s2;
	s6 =	simm.s32 $0x108;
	_ =	swait.ge @!p0 [sflag:s8], $0x0  }
0x24: {  	s3 =	sadd.s32 $0x88, s3;
	s6 =	simm.s32 @!p1 $0x1082;
	[sflag:s4] =	ssyncset.s32 $0xFFFFF086  }
0x25: {  	[simem:s6], [sflag:s4] =	dma.local [hbm:s3], $0xF7A  }
0x26: {  	[smem:$0x3F93] =	sst s1;
	(tag) =	ssettag s2;
	_ =	strace s9  }
0x27: {  	s1 =	sld [smem:$0x3FA3]  }
0x28: {  	s2 =	sld [smem:$0x3FA4]  }
0x29: {  	s4 =	sld [smem:$0x3FA6]  }
0x2a: {  	p0 =	seq.s32 s5, $0x0;
	s5 =	sld [smem:$0x3FA7]  }
0x2b: {  	s6 =	sld [smem:$0x3FA8]  }
0x2c: {  	s7 =	sld [smem:$0x3FA9]  }
0x2d: {  	s3 =	simm.s32 $0x108;
	s8 =	sld [smem:$0x3FAA]  }
0x2e: {  	s3 =	simm.s32 @!p0 $0x1082;
	s9 =	sld [smem:$0x3FAB]  }
0x2f: {  	lr =	sadd.s32 s0, s3;
	s0 =	sld [smem:$0x3FA2]  }
0x30: {  	s3 =	sld [smem:$0x3FA5]  }
0x31: {  	[smem:$0x3FAE] =	sst s10  }
0x32: {  	s10 =	sld [smem:$0x3FAC];
	_ =	sdelay $0x3  }
0x33: {  	p0 =	seq.s32 s10, $0x1;
	s10 =	sld [smem:$0x3FAE];
	_ =	sdelay $0x3  }
0x34: {  	[smem:$0x3FAE] =	sst s10  }
0x35: {  	s10 =	sld [smem:$0x3FAD];
	_ =	sdelay $0x3  }
0x36: {  	p1 =	seq.s32 s10, $0x1;
	s10 =	sld [smem:$0x3FAE];
	_ =	sdelay $0x3  }
0x37: {  	[smem:$0x3FAE] =	sst s10  }
0x38: {  	s10 =	sld [smem:$0x3FAF]  }
0x39: {  	_ = 	snop;
	(pc) =	sbr.ind lr, $3  }
0x3a: {  	_ = 	snop  }
0x3b: {  	_ = 	snop  }
0x3c: {  	p2 =	seq.s32 s10, $0x1;
	s10 =	sld [smem:$0x3FAE]  }
0x3d: {  	_ =	shalt  }
0x3e: {  	_ =	shalt  }
0x3f: {  	_ =	shalt  }
0x40: {  	_ =	shalt  }
0x41: {  	_ =	shalt  }
0x42: {  	_ =	shalt  }
0x43: {  	_ =	shalt  }
0x44: {  	_ =	shalt  }
0x45: {  	_ =	shalt  }
0x46: {  	_ =	shalt  }
0x47: {  	_ =	shalt  }
0x48: {  	_ =	shalt  }
0x49: {  	_ =	shalt  }
0x4a: {  	_ =	shalt  }
0x4b: {  	_ =	shalt  }
0x4c: {  	_ =	shalt  }
0x4d: {  	_ =	shalt  }
0x4e: {  	_ =	shalt  }
0x4f: {  	_ =	shalt  }
0x50: {  	_ =	shalt  }
0x51: {  	_ =	shalt  }
0x52: {  	_ =	shalt  }
0x53: {  	_ =	shalt  }
0x54: {  	_ =	shalt  }
0x55: {  	_ =	shalt  }
0x56: {  	_ =	shalt  }
0x57: {  	_ =	shalt  }
0x58: {  	_ =	shalt  }
0x59: {  	_ =	shalt  }
0x5a: {  	_ =	shalt  }
0x5b: {  	_ =	shalt  }
0x5c: {  	_ =	shalt  }
0x5d: {  	_ =	shalt  }
0x5e: {  	_ =	shalt  }
0x5f: {  	_ =	shalt  }
0x60: {  	_ =	shalt  }
0x61: {  	_ =	shalt  }
0x62: {  	_ =	shalt  }
0x63: {  	_ =	shalt  }
0x64: {  	_ =	shalt  }
0x65: {  	_ =	shalt  }
0x66: {  	_ =	shalt  }
0x67: {  	_ =	shalt  }
0x68: {  	_ =	shalt  }
0x69: {  	_ =	shalt  }
0x6a: {  	_ =	shalt  }
0x6b: {  	_ =	shalt  }
0x6c: {  	_ =	shalt  }
0x6d: {  	_ =	shalt  }
0x6e: {  	_ =	shalt  }
0x6f: {  	_ =	shalt  }
0x70: {  	_ =	shalt  }
0x71: {  	_ =	shalt  }
0x72: {  	_ =	shalt  }
0x73: {  	_ =	shalt  }
0x74: {  	_ =	shalt  }
0x75: {  	_ =	shalt  }
0x76: {  	_ =	shalt  }
0x77: {  	_ =	shalt  }
0x78: {  	_ =	shalt  }
0x79: {  	_ =	shalt  }
0x7a: {  	_ =	shalt  }
0x7b: {  	_ =	shalt  }
0x7c: {  	_ =	shalt  }
0x7d: {  	_ =	shalt  }
0x7e: {  	_ =	shalt  }
0x7f: {  	_ =	shalt  }
0x80: {  	_ =	shalt  }
0x81: {  	_ =	shalt  }
0x82: {  	_ =	shalt  }
0x83: {  	_ =	shalt  }
0x84: {  	_ =	shalt  }
0x85: {  	_ =	shalt  }
0x86: {  	_ =	shalt  }
0x87: {  	_ =	shalt  }
.Lfunc_end0:
.L_simem_size_0:
called_computation_lowered:
.L_overlay_start_0:
0x88: {  	s2 =	sld [smem:$0x3FD9]  }
0x89: {  	s3 =	sld [smem:$0x3FFE];
	_ =	sdelay $0x1  }
0x8a: {  	s1 =	srdreg.scid  }
0x8b: {  	s0 =	sand.u32 $0x1, s1  }
0x8c: {  	s14 =	sshll.u32 s0, $0xA;
	s2 =	sadd.s32 s3, s2  }
0x8d: {  	s2 =	sadd.s32 s2, s14  }
0x8e: {  	[smem:$0x3FBA] =	sst s2  }
0x8f: {  	_ = 	snop  }
0x90: {  	s2 =	sld [smem:$0x3FD0];
	_ =	sdelay $0x2  }
0x91: {  	s4 =	simm.s32 $0xA;
	s5 =	simm.s32 $0x10;
	s15 =	sld [smem:$0x3FC9]  }
0x92: {  	[smem:s5], [sflag:s4] =	dma.local [hbm:s2], $0x1  }
0x93: {  	_ =	swait.eq [sflag:s4], $0x1  }
0x94: {  	[sflag:s4] =	ssyncset.done $0x0  }
0x95: {  	[sflag:s4] =	ssyncadd.s32 $0xFFFFFFFF  }
0x96: {  	s16 =	sld [smem:$0x12];
	(tm) =	ssettm $0x1  }
0x97: {  	s17 =	sld [smem:$0x3FFB];
	_ =	sdelay $0x3  }
0x98: {  	_ =	strace s17  }
0x99: {  	s4 =	sld [smem:$0x3FFC];
	_ =	sdelay $0x3  }
0x9a: {  	_ =	strace s4  }
0x9b: {  	s4 =	sld [smem:$0x3FFD];
	_ =	sdelay $0x3  }
0x9c: {  	_ =	strace s4  }
0x9d: {  	_ =	strace $0x8FFFFFFF  }
0x9e: {  	s18 =	sld [smem:$0x3FDB];
	_ =	sdelay $0x1  }
0x9f: {  	s19 =	simm.s32 $_scs_section_size  }
0xa0: {  	s6 =	simm.s32 $_size__tile_overlayer_lowered;
	s7 =	simm.s32 $_tile_overlayer_lowered  }
0xa1: {  	s22 =	simm.s32 $0x1BFF;
	s21 =	sshll.u32 s7, $0x1;
	s4 =	sadd.s32 s19, s18  }
0xa2: {  	s8 =	simm.s32 $0x0;
	s20 =	sshll.u32 s6, $0x1;
	s6 =	sadd.s32 s21, s4  }
0xa3: {  	[timem:s8], [sflag:s22] =	dma.local [hbm:s6], s20  }
0xa4: {  	_ =	swait.ge [sflag:s22], s20  }
0xa5: {  	s5 =	ssub.s32 $0x0, s20;
	[sflag:s22] =	ssyncset.done $0x0  }
0xa6: {  	[sflag:s22] =	ssyncadd.s32 s5;
	_ =	sdelay $0x1  }
0xa7: {  	s23 =	simm.s32 $0x1B8B  }
0xa8: {  	_ =	swait.ge [sflag:s23], $0x1  }
0xa9: {  	[sflag:s23] =	ssyncset.done $0x0  }
0xaa: {  	s25 =	simm.s32 $0x1B8E;
	s24 =	sld [smem:$0x3FFE];
	[sflag:s23] =	ssyncadd.s32 $0xFFFFFFFF  }
0xab: {  	s26 =	simm.s32 $execute0_lowered;
	[smem:$0x3FD2] =	sst s25  }
0xac: {  	s6 =	sshll.u32 s26, $0x1;
	_ =	strace $0x80000046;
	[dreg:$0x1] =	wrdreg $0xFFFFFFFF  }
0xad: {  	s28 =	simm.s32 $_size_execute0_lowered;
	s4 =	sadd.s32 s4, s6;
	[dreg:$0x0] =	wrdreg $0x0  }
0xae: {  	s6 =	sshll.u32 s28, $0x1;
	[dreg:$0x2] =	wrdreg s4  }
0xaf: {  	[dreg:$0x3] =	wrdreg s6  }
0xb0: {  	[dreg:$0x4] =	wrdreg $0xC0  }
0xb1: {  	_ =	task [dreg:s8], $0x5FFFF  }
0xb2: {  	[dreg:$0x1] =	wrdreg $0xFFFFFFFF  }
0xb3: {  	[dreg:$0x0] =	wrdreg $0x60  }
0xb4: {  	[dreg:$0x2] =	wrdreg s15  }
0xb5: {  	[dreg:$0x3] =	wrdreg s16  }
0xb6: {  	[dreg:$0x4] =	wrdreg s24  }
0xb7: {  	[dreg:$0x5] =	wrdreg $0x9  }
0xb8: {  	_ =	task.clear_ibuf [dreg:s8], $0x6FFFF;
	_ =	strace $0x90000046  }
0xb9: {  	s29 =	simm.s32 $0x9;
	_ =	strace $0x80000048  }
0xba: {  	_ =	swait.ge [sflag:s29], $0x1  }
0xbb: {  	[sflag:s29] =	ssyncadd.s32 $0xFFFFFFFF  }
0xbc: {  	_ =	strace $0x90000048  }
0xbd: {  	_ =	sfence  }
0xbe: {  	s30 =	sld [smem:$0x0];
	_ =	sdelay $0x2  }
0xbf: {  	s31 =	sshll.u32 s1, $0xD;
	s1 =	sshrl.u32 s1, $0x2  }
0xc0: {  	s3 =	sand.u32 $0x4000, s31;
	s1 =	sadd.s32 s1, s30  }
0xc1: {  	s0 =	sor.u32 s3, s0;
	s1 =	sshll.u32 s1, $0x11  }
0xc2: {  	s0 =	sor.u32 s1, s0  }
0xc3: {  	s0 =	sadd.s32 $0x8F2B, s0  }
0xc4: {  	[sflag:s0] =	ssyncadd.remote.s32 $0x1  }
0xc5: {  	_ =	sfence.sel $0xFFFF  }
0xc6: {  	[dreg:$0x0] =	wrdreg $0xFFFFFFFF;
	(pc) =	sbr.abs _section_cstart, $3  }
0xc7: {  	[dreg:$0x1] =	wrdreg $0xFFFFFFFF  }
0xc8: {  	_ =	task.clear_ibuf [dreg:s8], $0x2FFFF;
	_ =	strace $0x9FFFFFFF  }
0xc9: {  	(tm) =	ssettm $0x7FFFFFFF  }
tec
execute0_lowered:
.L_overlay_start_1:
0x0: {  	(tag) =	ssettag $0x1  }
0x1: {  	s1 =	rddreg [dreg:$0x0]  }
0x2: {  	s2 =	srdreg.scid;
	s0 =	stileid.u32  }
0x3: {  	s4 =	rddreg [dreg:$0x1];
	s6 =	sand.u32 $0x1, s2;
	s30 =	sshll.u32 s0, $0x1  }
0x4: {  	s9 =	rddreg [dreg:$0x2];
	s3 =	simm.s32 $0x0;
	s7 =	sor.u32 s6, s30  }
0x5: {  	s8 =	simm.s32 $0x1;
	[smem:$0x7FF] =	sst s3;
	s5 =	smul.u32 $0xA, s7  }
0x6: {  	s2 =	rddreg [dreg:$0x3];
	_ =	strace $0x80000047;
	s11 =	ssub.s32 $0x2, s6  }
0x7: {  	s6 =	simm.s32 $0x50;
	s5 =	sadd.s32 s4, s5;
	s4 =	simm.s32 $0x2  }
0x8: {  	[tilespmem:s3], [sflag:$0x2] =	stream.linear.gather [hbm4b:s5+s3], $0x50, $0x38;
	[tilespmem:$0x2880] =	vst v63  }
0x9: {  	s10 =	smul.u32 $0x500, s7;
	s12 =	sshrl.u32 s11, $0x1;
	_ =	swait.ge [sflag:s4], $0x50  }
0xa: {  	s7 =	simm.s32 $0x80;
	s31 =	ssub.s32 s11, s12;
	[sflag:s4] =	ssyncset.done $0x0  }
0xb: {  	s9 =	sadd.s32 s10, s9;
	s10 =	smax.u32 s31, $0x1;
	[sflag:s4] =	ssyncadd.s32 $0xFFFFFFB0  }
0xc: {  	[tilespmem:s7], [sflag:$0x1] =	stream.indirect.gather [hbm4b:s1+s6], $0x80, s3, s6, $0xb8;
	[tilespmem:$0x2880] =	vst v63  }
0xd: {  	p0 =	sne.s32 s10, $0x1;
	_ =	swait.ge [sflag:s8], $0x2800  }
.Ltmp0:
0xe: {  	[sflag:s8] =	ssyncset.done $0x0;
	(pc) =	sbr.rel @!p0 .LBB2_2-.Ltmp0, $4  }
0xf: {  	s9 =	sadd.s32 $0x2400, s9;
	[sflag:s8] =	ssyncadd.s32 $0xFFFFD800  }
0x10: {  	[hbm4b:s9+s3] =	stream.linear.scatter [tilespmem:s7], [sflag:$0x2], $0x2800, $0x38;
	[tilespmem:$0x2880] =	vst v63  }
0x11: {  	_ =	swait.ge [sflag:s4], $0x2800  }
0x12: {  	s10 =	sadd.s32 $0xFFFFFFFF, s10;
	[sflag:s4] =	ssyncset.done $0x0  }
.LBB2_1:
0x13: {  	p0 =	sne.s32 s10, $0x1;
	s10 =	sadd.s32 $0xFFFFFFFF, s10;
	[sflag:s4] =	ssyncadd.s32 $0xFFFFD800  }
0x14: {  	[tilespmem:s3], [sflag:$0x2] =	stream.linear.gather [hbm4b:s5+s3], $0x50, $0x38;
	[tilespmem:$0x2880] =	vst v63  }
0x15: {  	_ =	swait.ge [sflag:s4], $0x50  }
0x16: {  	[sflag:s4] =	ssyncset.done $0x0  }
0x17: {  	[sflag:s4] =	ssyncadd.s32 $0xFFFFFFB0  }
0x18: {  	[tilespmem:s7], [sflag:$0x1] =	stream.indirect.gather [hbm4b:s1+s6], $0x80, s3, s6, $0xb8;
	[tilespmem:$0x2880] =	vst v63  }
0x19: {  	_ =	swait.ge [sflag:s8], $0x2800  }
.Ltmp1:
0x1a: {  	[sflag:s8] =	ssyncset.done $0x0;
	(pc) =	sbr.rel @p0 .LBB2_1-.Ltmp1, $4  }
0x1b: {  	[sflag:s8] =	ssyncadd.s32 $0xFFFFD800  }
0x1c: {  	[hbm4b:s9+s3] =	stream.linear.scatter [tilespmem:s7], [sflag:$0x2], $0x2800, $0x38;
	[tilespmem:$0x2880] =	vst v63  }
0x1d: {  	_ =	swait.ge [sflag:s4], $0x2800  }
0x1e: {  	[sflag:s4] =	ssyncset.done $0x0  }
.LBB2_2:
0x1f: {  	[sflag:s4] =	ssyncadd.s32 $0xFFFFD800  }
0x20: {  	_ =	sfence.sel $0x180000  }
0x21: {  	[bflag:$0x0] =	sbarrier.arrive $0xFFFF  }
0x22: {  	p0 =	sne.s32 s0, $0x0;
	_ =	strace $0x90000047  }
0x23: {  	s0 =	sadd.s32 @!p0 $0x100000, s2;
	[bflag:$0x2] =	sbarrier.arrive $0xFFFF  }
0x24: {  	[sflag:s0] =	ssyncadd.tile.s32 @!p0 $0x1;
	_ =	shalt  }
.Lfunc_end2:
_tile_overlayer_lowered:
.L_overlay_start_2:
0x25: {  	(tag) =	ssettag $0x2  }
0x26: {  	s0 =	rddreg [dreg:$0x0];
	s2 =	stileid.u32  }
0x27: {  	s1 =	rddreg [dreg:$0x1];
	p0 =	sne.s32 s2, $0x0  }
0x28: {  	s3 =	rddreg [dreg:$0x2];
	[bflag:$0x3] =	sbarrier.arrive $0xFFFF;
	s2 =	simm.s32 @!p0 $0x1C02  }
0x29: {  	[timem:s3], [sflag:s2] =	dma.local @!p0 [hbm:s0], s1  }
0x2a: {  	s0 =	simm.s32 @!p0 $0x2  }
0x2b: {  	_ =	swait.ge @!p0 [sflag:s0], s1  }
0x2c: {  	s1 =	ssub.s32 @!p0 $0x0, s1;
	[sflag:s0] =	ssyncset.done @!p0 $0x0  }
0x2d: {  	[sflag:s0] =	ssyncadd.s32 @!p0 s1  }
0x2e: {  	[bflag:$0x3] =	sbarrier.arrive $0xFFFF  }
0x2f: {  	_ =	shalt  }

</sc_bundles>
